<compile_context>
chip_gen: v7x
topology: tpu7x:2x2x1
jax: 0.10.2.dev20260603
libtpu: 0.0.44.dev20260713+nightly
codegen_flags: <defaults>
</compile_context>

<pallas_src>
import functools

import jax
import jax.numpy as jnp
from jax import lax
from jax.experimental import pallas as pl
from jax.experimental.pallas import tpu as pltpu
from jax.experimental.pallas import tpu_sc as plsc

NNODES = 10000
NEDGES = 320000
NPAIRS = 50000
DF = 128
DH = 256

NC, NS, L = 2, 16, 16
NW = NC * NS
DHALF = DF // 2
K = 125
NCHUNK = NEDGES // (NW * K)
EPT2 = NEDGES // NS
NCHUNK2 = EPT2 // K
ACCR = 10240
ZPT = ACCR // NS
DR_FULL = 640
DR_LAST = NNODES - 15 * DR_FULL

@functools.lru_cache(maxsize=None)
def _mesh():
  return plsc.VectorSubcoreMesh(core_axis_name="c", subcore_axis_name="s",
                                num_cores=NC, num_subcores=NS)


def _make_agg(with_cnt):
  NBUF = 4
  out_type = [jax.ShapeDtypeStruct((NC, NNODES, DHALF), jnp.float32)]
  scratch = (
      [pltpu.VMEM((NCHUNK2, K), jnp.int32)] * 2 +
      [pltpu.VMEM((K, DHALF), jnp.float32)] * NBUF +
      [pltpu.VMEM_SHARED((ACCR, DHALF), jnp.float32)] +
      [pltpu.SemaphoreType.DMA] * (2 * NBUF)
  )
  if with_cnt:
    out_type.append(jax.ShapeDtypeStruct((NC, NNODES, L), jnp.float32))
    scratch += [
        pltpu.VMEM((K, L), jnp.float32),
        pltpu.VMEM_SHARED((ACCR, L), jnp.float32),
        pltpu.SemaphoreType.DMA,
    ]
  half = NCHUNK2 // 2

  def body(ta_hbm, tb_hbm, src_hbm, dst_hbm, zrow_hbm, zcnt_hbm, ones_hbm,
           *rest):
    if with_cnt:
      out_hbm, cnt_hbm = rest[0], rest[1]
      rest = rest[2:]
    else:
      out_hbm = rest[0]
      rest = rest[1:]
    srcb, dstb = rest[0], rest[1]
    rows = rest[2:2 + NBUF]
    acc = rest[2 + NBUF]
    gsem = rest[3 + NBUF:3 + 2 * NBUF]
    ssem = rest[3 + 2 * NBUF:3 + 3 * NBUF]
    if with_cnt:
      onesb, cacc, csem = rest[3 + 3 * NBUF:]
    c = lax.axis_index("c")
    s = lax.axis_index("s")

    pltpu.sync_copy(zrow_hbm, acc.at[pl.ds(s * ZPT, ZPT)])
    if with_cnt:
      pltpu.sync_copy(zcnt_hbm, cacc.at[pl.ds(s * ZPT, ZPT)])
      pltpu.sync_copy(ones_hbm, onesb)
    pltpu.sync_copy(src_hbm.at[pl.ds(s * NCHUNK2, NCHUNK2)], srcb)
    pltpu.sync_copy(dst_hbm.at[pl.ds(s * NCHUNK2, NCHUNK2)], dstb)
    plsc.subcore_barrier()

    PF = NBUF // 2

    def run(table, count_pred):
      for b in range(PF):
        pltpu.async_copy(table.at[srcb.at[b]], rows[b], gsem[b])

      def group(jj, _):
        for b in range(NBUF):
          j = jj * NBUF + b
          t = j + PF
          bt = (b + PF) % NBUF

          @pl.when(t < NCHUNK2)
          def _(t=t, bt=bt):
            @pl.when(t >= NBUF)
            def _():
              pltpu.make_async_copy(rows[bt], acc.at[dstb.at[t - NBUF]],
                                    ssem[bt]).wait()
            pltpu.async_copy(table.at[srcb.at[t]], rows[bt], gsem[bt])

          pltpu.make_async_copy(table.at[srcb.at[j]], rows[b],
                                gsem[b]).wait()
          pltpu.async_copy(rows[b], acc.at[dstb.at[j]], ssem[b], add=True)
          if with_cnt:
            @pl.when(count_pred(j))
            def _(j=j):
              pltpu.async_copy(onesb, cacc.at[dstb.at[j]], csem, add=True)
        return 0

      lax.fori_loop(0, NCHUNK2 // NBUF, group, 0)
      for b in range(NBUF):
        jl = NCHUNK2 - NBUF + b
        pltpu.make_async_copy(rows[b], acc.at[dstb.at[jl]], ssem[b]).wait()

    @pl.when(c == 0)
    def _():
      run(ta_hbm, lambda j0: j0 < half)

    @pl.when(c == 1)
    def _():
      run(tb_hbm, lambda j0: j0 >= half)

    if with_cnt:
      base_j = c * half

      def cdrain(t, _):
        pltpu.make_async_copy(onesb, cacc.at[dstb.at[base_j + t]],
                              csem).wait()
        return 0

      lax.fori_loop(0, half, cdrain, 0)

    plsc.subcore_barrier()
    @pl.when(s < NS - 1)
    def _():
      pltpu.sync_copy(acc.at[pl.ds(s * DR_FULL, DR_FULL)],
                      out_hbm.at[c, pl.ds(s * DR_FULL, DR_FULL)])
      if with_cnt:
        pltpu.sync_copy(cacc.at[pl.ds(s * DR_FULL, DR_FULL)],
                        cnt_hbm.at[c, pl.ds(s * DR_FULL, DR_FULL)])

    @pl.when(s == NS - 1)
    def _():
      pltpu.sync_copy(acc.at[pl.ds(15 * DR_FULL, DR_LAST)],
                      out_hbm.at[c, pl.ds(15 * DR_FULL, DR_LAST)])
      if with_cnt:
        pltpu.sync_copy(cacc.at[pl.ds(15 * DR_FULL, DR_LAST)],
                        cnt_hbm.at[c, pl.ds(15 * DR_FULL, DR_LAST)])

  return pl.kernel(
      body,
      out_type=tuple(out_type) if with_cnt else out_type[0],
      mesh=_mesh(),
      scratch_types=scratch,
      compiler_params=pltpu.CompilerParams(use_tc_tiling_on_sc=False),
      name=f"sc_edge_agg_halved_cnt{int(with_cnt)}",
  )


def _make_zagg():
  NBUF = 4
  scratch = (
      [pltpu.VMEM((NCHUNK, K), jnp.int32)] * 2 +
      [pltpu.VMEM((K, L), jnp.float32)] * NBUF +
      [pltpu.VMEM_SHARED((ACCR, L), jnp.float32)] +
      [pltpu.SemaphoreType.DMA] * (2 * NBUF)
  )

  def body(z_hbm, src_hbm, dst_hbm, zcnt_hbm, out_hbm, *rest):
    srcb, dstb = rest[0], rest[1]
    rows = rest[2:2 + NBUF]
    acc = rest[2 + NBUF]
    gsem = rest[3 + NBUF:3 + 2 * NBUF]
    ssem = rest[3 + 2 * NBUF:3 + 3 * NBUF]
    c = lax.axis_index("c")
    s = lax.axis_index("s")
    wid = s * NC + c

    pltpu.sync_copy(zcnt_hbm, acc.at[pl.ds(s * ZPT, ZPT)])
    pltpu.sync_copy(src_hbm.at[pl.ds(wid * NCHUNK, NCHUNK)], srcb)
    pltpu.sync_copy(dst_hbm.at[pl.ds(wid * NCHUNK, NCHUNK)], dstb)
    plsc.subcore_barrier()

    pltpu.async_copy(z_hbm.at[srcb.at[0]], rows[0], gsem[0])
    pltpu.async_copy(z_hbm.at[srcb.at[1]], rows[1], gsem[1])

    def group(jj, _):
      for b in range(NBUF):
        j = jj * NBUF + b
        t = j + 2
        bt = (b + 2) % NBUF

        @pl.when(t < NCHUNK)
        def _(t=t, bt=bt):
          @pl.when(t >= NBUF)
          def _():
            pltpu.make_async_copy(rows[bt], acc.at[dstb.at[t - NBUF]],
                                  ssem[bt]).wait()
          pltpu.async_copy(z_hbm.at[srcb.at[t]], rows[bt], gsem[bt])

        pltpu.make_async_copy(z_hbm.at[srcb.at[j]], rows[b],
                              gsem[b]).wait()
        pltpu.async_copy(rows[b], acc.at[dstb.at[j]], ssem[b], add=True)
      return 0

    lax.fori_loop(0, NCHUNK // NBUF, group, 0)
    for b in range(NBUF):
      jl = NCHUNK - NBUF + b
      pltpu.make_async_copy(rows[b], acc.at[dstb.at[jl]], ssem[b]).wait()

    plsc.subcore_barrier()

    @pl.when(s < NS - 1)
    def _():
      pltpu.sync_copy(acc.at[pl.ds(s * DR_FULL, DR_FULL)],
                      out_hbm.at[c, pl.ds(s * DR_FULL, DR_FULL)])

    @pl.when(s == NS - 1)
    def _():
      pltpu.sync_copy(acc.at[pl.ds(15 * DR_FULL, DR_LAST)],
                      out_hbm.at[c, pl.ds(15 * DR_FULL, DR_LAST)])

  return pl.kernel(
      body,
      out_type=jax.ShapeDtypeStruct((NC, NNODES, L), jnp.float32),
      mesh=_mesh(),
      scratch_types=scratch,
      compiler_params=pltpu.CompilerParams(use_tc_tiling_on_sc=False),
      name="sc_scalar_agg",
  )


_zagg = functools.lru_cache(maxsize=None)(_make_zagg)


PPT = 1552
REM_BASE = NW * PPT
REM = NPAIRS - REM_BASE


def _pair_body(s_hbm, m0_hbm, m1_hbm, out_hbm, sv, m0v, m1v, outv,
               m0r, m1r, outr):
  c = lax.axis_index("c")
  s = lax.axis_index("s")
  wid = s * NC + c
  base = wid * PPT
  pltpu.sync_copy(s_hbm, sv)
  pltpu.sync_copy(m0_hbm.at[pl.ds(base, PPT)], m0v)
  pltpu.sync_copy(m1_hbm.at[pl.ds(base, PPT)], m1v)

  def body(v, _):
    i0 = m0v[pl.ds(v * L, L)] * 8
    i1 = m1v[pl.ds(v * L, L)] * 8 + 1
    g = plsc.load_gather(sv, [i0]) + plsc.load_gather(sv, [i1])
    outv[pl.ds(v * L, L)] = 1.0 / (1.0 + jnp.exp(-g))
    return 0

  lax.fori_loop(0, PPT // L, body, 0)
  pltpu.sync_copy(outv, out_hbm.at[pl.ds(base, PPT)])

  @pl.when(wid == 0)
  def _():
    pltpu.sync_copy(m0_hbm.at[pl.ds(REM_BASE, REM)], m0r)
    pltpu.sync_copy(m1_hbm.at[pl.ds(REM_BASE, REM)], m1r)

    def rbody(v, _):
      i0 = m0r[pl.ds(v * L, L)] * 8
      i1 = m1r[pl.ds(v * L, L)] * 8 + 1
      g = plsc.load_gather(sv, [i0]) + plsc.load_gather(sv, [i1])
      outr[pl.ds(v * L, L)] = 1.0 / (1.0 + jnp.exp(-g))
      return 0

    lax.fori_loop(0, REM // L, rbody, 0)
    pltpu.sync_copy(outr, out_hbm.at[pl.ds(REM_BASE, REM)])


@functools.lru_cache(maxsize=None)
def _pair_kernel():
  return pl.kernel(
      _pair_body,
      out_type=jax.ShapeDtypeStruct((NPAIRS,), jnp.float32),
      mesh=_mesh(),
      compiler_params=pltpu.CompilerParams(use_tc_tiling_on_sc=False,
                                           needs_layout_passes=False),
      scratch_types=[
          pltpu.VMEM((NNODES * 8,), jnp.float32),
          pltpu.VMEM((PPT,), jnp.int32),
          pltpu.VMEM((PPT,), jnp.int32),
          pltpu.VMEM((PPT,), jnp.float32),
          pltpu.VMEM((REM,), jnp.int32),
          pltpu.VMEM((REM,), jnp.int32),
          pltpu.VMEM((REM,), jnp.float32),
      ],
      name="sc_pair_readout",
  )


BLK = 1000
_DOT = functools.partial(
    lax.dot_general,
    dimension_numbers=(((1,), (1,)), ((), ())),
    preferred_element_type=jnp.float32,
    precision=lax.Precision.HIGHEST,
)


_DOT10 = functools.partial(
    lax.dot_general,
    dimension_numbers=(((1,), (0,)), ((), ())),
    preferred_element_type=jnp.float32,
    precision=lax.Precision.HIGHEST,
)


def _tc1_body(a0, a1, c0, c1, x, w1a, w1b, b1, w1r, w2a, w2b, w2ra, w2rb,
              w3ra, w3rb, b2a, b2b, b3v, z_out, r_out):
  cnt = jnp.maximum(c0[:, 0:1] + c1[:, 0:1], 1.0)
  h = (_DOT(a0[...] / cnt, w1a[...]) + _DOT(a1[...] / cnt, w1b[...])
       + b1[...] + _DOT(x[...], w1r[...]))
  h = jnp.maximum(h, 0.0)
  v = _DOT10(w3ra[...], w2a[...]) + _DOT10(w3rb[...], w2b[...])
  u = _DOT10(w3ra[...], w2ra[...]) + _DOT10(w3rb[...], w2rb[...])
  z = _DOT(h, v)
  r = _DOT(h, u) + _DOT(b2a[...], w3ra[...]) + _DOT(b2b[...], w3rb[...])
  z_out[...] = jnp.concatenate(
      [z, jnp.zeros((z.shape[0], L - 2), jnp.float32)], axis=1)
  r_out[...] = jnp.concatenate(
      [r + b3v[...], jnp.zeros((r.shape[0], 6), jnp.float32)], axis=1)


def _tc2_body(zs0, zs1, c0, c1, r8, s_out):
  cnt = jnp.maximum(c0[:, 0:1] + c1[:, 0:1], 1.0)
  zz = zs0[...] + zs1[...]
  s12 = zz[:, 0:2] / cnt + r8[:, 0:2]
  s_out[...] = jnp.concatenate(
      [s12, jnp.zeros((s12.shape[0], 6), jnp.float32)], axis=1)


def _row_spec(d):
  return pl.BlockSpec((BLK, d), lambda i: (i, 0))


def _full_spec(shape):
  return pl.BlockSpec(shape, lambda i: tuple(0 for _ in shape))


_tc1 = pl.pallas_call(
    _tc1_body,
    grid=(NNODES // BLK,),
    in_specs=[
        _row_spec(DHALF), _row_spec(DHALF), _row_spec(L), _row_spec(L),
        _row_spec(DF),
        _full_spec((DH, DHALF)), _full_spec((DH, DHALF)),
        _full_spec((1, DH)), _full_spec((DH, DF)),
        _full_spec((DHALF, DH)), _full_spec((DHALF, DH)),
        _full_spec((DHALF, DH)), _full_spec((DHALF, DH)),
        _full_spec((2, DHALF)), _full_spec((2, DHALF)),
        _full_spec((1, DHALF)), _full_spec((1, DHALF)),
        _full_spec((1, 2)),
    ],
    out_specs=[_row_spec(L), _row_spec(8)],
    out_shape=[
        jax.ShapeDtypeStruct((NNODES, L), jnp.float32),
        jax.ShapeDtypeStruct((NNODES, 8), jnp.float32),
    ],
)

_tc2 = pl.pallas_call(
    _tc2_body,
    grid=(NNODES // BLK,),
    in_specs=[
        _row_spec(L), _row_spec(L), _row_spec(L), _row_spec(L),
        _row_spec(8),
    ],
    out_specs=pl.BlockSpec((BLK, 8), lambda i: (i, 0)),
    out_shape=jax.ShapeDtypeStruct((NNODES, 8), jnp.float32),
)

_agg = functools.lru_cache(maxsize=None)(_make_agg)


@jax.jit
def kernel(g, features, mask, W1, b1, W1r, W2, b2, W2r, W3, b3):
  src = g[0].reshape(NW * NCHUNK, K)
  dst = g[1].reshape(NW * NCHUNK, K)
  m0 = mask[:, 0]
  m1 = mask[:, 1]

  zrow = jnp.zeros((ZPT, DHALF), jnp.float32)
  zcnt = jnp.zeros((ZPT, L), jnp.float32)
  onesp = jnp.zeros((K, L), jnp.float32).at[:, 0].set(1.0)

  xa = features[:, :DHALF]
  xb = features[:, DHALF:]
  sum1, cnt = _agg(True)(xa, xb, src, dst, zrow, zcnt, onesp)

  w3ra = jnp.stack([W3[0, :DHALF], W3[0, DF:DF + DHALF]])
  w3rb = jnp.stack([W3[0, DHALF:DF], W3[0, DF + DHALF:]])
  b2r = b2.reshape(1, DF)
  b3v = jnp.zeros((1, 2), jnp.float32).at[0, 0].set(b3[0])
  z16, r8 = _tc1(
      sum1[0], sum1[1], cnt[0], cnt[1], features,
      W1[:, :DHALF], W1[:, DHALF:], b1.reshape(1, DH), W1r,
      W2[:DHALF], W2[DHALF:], W2r[:DHALF], W2r[DHALF:],
      w3ra, w3rb, b2r[:, :DHALF], b2r[:, DHALF:], b3v)

  zsum = _zagg()(z16, src, dst, zcnt)
  s = _tc2(zsum[0], zsum[1], cnt[0], cnt[1], r8)

  out = _pair_kernel()(s.reshape(NNODES * 8), m0, m1)
  return out.reshape(NPAIRS, 1)

# --- scband reference (transcript-rebuilt; emitter-appended) ---
"""Pipeline reference for scband-sage-pyg-17119739641947 (READ-ONLY COPY).

The authoritative reference and input builder live on the scoring server;
editing this copy changes nothing except your own understanding.
"""

import jax, jax.numpy as jnp
import numpy as np

N_NODES = 10000
N_EDGES = 320000
N_PAIRS = 50000
D_FEAT = 128
D_HID = 256
N_CLASSES = 1


def _sage_conv_mean(x, src, dst, Wl, bl, Wr, num_nodes):
    # PyG SAGEConv(aggr='mean'): out = lin_l(mean_{j in N(i)} x_j) + lin_r(x_i)
    msg = x[src]
    summed = jax.ops.segment_sum(msg, dst, num_segments=num_nodes)
    cnt = jax.ops.segment_sum(jnp.ones((src.shape[0],), dtype=x.dtype), dst, num_segments=num_nodes)
    mean = summed / jnp.maximum(cnt, 1.0)[:, None]
    return mean @ Wl.T + bl + x @ Wr.T


def setup_inputs(seed: int = 0):
    key = jax.random.key(seed)
    ks = jax.random.split(key, 12)
    features = jax.random.normal(ks[0], (N_NODES, D_FEAT), dtype=jnp.float32)
    g = jax.random.randint(ks[1], (2, N_EDGES), 0, N_NODES, dtype=jnp.int32)
    mask = jax.random.randint(ks[2], (N_PAIRS, 2), 0, N_NODES, dtype=jnp.int32)
    # sage_1: in=128, out=256 (lin_l has bias, lin_r has no bias)
    W1 = jax.random.normal(ks[3], (D_HID, D_FEAT), dtype=jnp.float32) * 0.05
    b1 = jax.random.normal(ks[4], (D_HID,), dtype=jnp.float32) * 0.05
    W1r = jax.random.normal(ks[5], (D_HID, D_FEAT), dtype=jnp.float32) * 0.05
    # sage_2: in=256, out=128
    W2 = jax.random.normal(ks[6], (D_FEAT, D_HID), dtype=jnp.float32) * 0.05
    b2 = jax.random.normal(ks[7], (D_FEAT,), dtype=jnp.float32) * 0.05
    W2r = jax.random.normal(ks[8], (D_FEAT, D_HID), dtype=jnp.float32) * 0.05
    # linear: in=2*128=256, out=1
    W3 = jax.random.normal(ks[9], (N_CLASSES, 2 * D_FEAT), dtype=jnp.float32) * 0.05
    b3 = jax.random.normal(ks[10], (N_CLASSES,), dtype=jnp.float32) * 0.05
    return {"g": g, "features": features, "mask": mask,
            "W1": W1, "b1": b1, "W1r": W1r,
            "W2": W2, "b2": b2, "W2r": W2r,
            "W3": W3, "b3": b3}


def reference(g, features, mask, W1, b1, W1r, W2, b2, W2r, W3, b3):
    num_nodes = features.shape[0]
    src, dst = g[0], g[1]
    h = _sage_conv_mean(features, src, dst, W1, b1, W1r, num_nodes)
    h = jax.nn.relu(h)  # dropout p=0.0 -> identity (eval)
    h = _sage_conv_mean(h, src, dst, W2, b2, W2r, num_nodes)
    m = mask.T
    p1 = jax.lax.stop_gradient(h[m[0]])  # .detach()
    p2 = jax.lax.stop_gradient(h[m[1]])  # .detach()
    hc = jnp.concatenate([p1, p2], axis=1)
    return jax.nn.sigmoid(hc @ W3.T + b3)

if __name__ == "__main__":
    import jax
    _d = setup_inputs()
    print(jax.jit(kernel)(*tuple(_d.values())))

</pallas_src>

<mosaic_0001>
#map = affine_map<(d0, d1) -> (0, 0)>
#map1 = affine_map<(d0, d1) -> (0, 0, 0)>
module attributes {stable_mosaic.version = 14 : i64} {
  func.func @sc_edge_agg_halved_cnt1(%arg0: i32, %arg1: i32, %arg2: memref<10000x64xf32, #tpu.memory_space<hbm>>, %arg3: memref<10000x64xf32, #tpu.memory_space<hbm>>, %arg4: memref<2560x125xi32, #tpu.memory_space<hbm>>, %arg5: memref<2560x125xi32, #tpu.memory_space<hbm>>, %arg6: memref<640x64xf32, #tpu.memory_space<hbm>>, %arg7: memref<640x16xf32, #tpu.memory_space<hbm>>, %arg8: memref<125x16xf32, #tpu.memory_space<hbm>>, %arg9: memref<2x10000x64xf32, #tpu.memory_space<hbm>>, %arg10: memref<2x10000x16xf32, #tpu.memory_space<hbm>>, %arg11: memref<160x125xi32, #tpu.memory_space<vmem>>, %arg12: memref<160x125xi32, #tpu.memory_space<vmem>>, %arg13: memref<125x64xf32, #tpu.memory_space<vmem>>, %arg14: memref<125x64xf32, #tpu.memory_space<vmem>>, %arg15: memref<125x64xf32, #tpu.memory_space<vmem>>, %arg16: memref<125x64xf32, #tpu.memory_space<vmem>>, %arg17: memref<10240x64xf32, #tpu.memory_space<vmem_shared>>, %arg18: memref<!tpu.dma_semaphore, #tpu.memory_space<semaphore_mem>>, %arg19: memref<!tpu.dma_semaphore, #tpu.memory_space<semaphore_mem>>, %arg20: memref<!tpu.dma_semaphore, #tpu.memory_space<semaphore_mem>>, %arg21: memref<!tpu.dma_semaphore, #tpu.memory_space<semaphore_mem>>, %arg22: memref<!tpu.dma_semaphore, #tpu.memory_space<semaphore_mem>>, %arg23: memref<!tpu.dma_semaphore, #tpu.memory_space<semaphore_mem>>, %arg24: memref<!tpu.dma_semaphore, #tpu.memory_space<semaphore_mem>>, %arg25: memref<!tpu.dma_semaphore, #tpu.memory_space<semaphore_mem>>, %arg26: memref<125x16xf32, #tpu.memory_space<vmem>>, %arg27: memref<10240x16xf32, #tpu.memory_space<vmem_shared>>, %arg28: memref<!tpu.dma_semaphore, #tpu.memory_space<semaphore_mem>>) attributes {dimension_semantics = [#tpu.dimension_semantics<core_parallel>, #tpu.dimension_semantics<subcore_parallel>], iteration_bounds = array<i64: 2, 16>, scalar_prefetch = 0 : i64, scratch_operands = 18 : i64, tpu.core_type = #tpu.core_type<sc_vector_subcore>, window_params = [{transform_indices = #map}, {transform_indices = #map}, {transform_indices = #map}, {transform_indices = #map}, {transform_indices = #map}, {transform_indices = #map}, {transform_indices = #map}, {transform_indices = #map1}, {transform_indices = #map1}]} {
    %mul3A = arith.constant 640 : i32
    %mul3A_0 = arith.muli %arg1, %mul3A : i32
    "tpu.region"() ({
      %run_scoped3A = tpu.sem_alloc : memref<!tpu.dma_semaphore, #tpu.memory_space<semaphore_mem>>
      %dma_start3A = arith.constant 0 : i32
      %dma_start3A_32 = tpu.memref_slice %arg17[%mul3A_0, %dma_start3A] : memref<10240x64xf32, #tpu.memory_space<vmem_shared>> -> memref<640x64xf32, #tpu.memory_space<vmem_shared>>
      tpu.enqueue_dma source(%arg6 : memref<640x64xf32, #tpu.memory_space<hbm>>) target(%dma_start3A_32 : memref<640x64xf32, #tpu.memory_space<vmem_shared>>) target_semaphore(%run_scoped3A : memref<!tpu.dma_semaphore, #tpu.memory_space<semaphore_mem>>)
      %dma_wait3A = arith.constant 0 : i32
      %dma_wait3A_33 = tpu.memref_slice %arg17[%mul3A_0, %dma_wait3A] : memref<10240x64xf32, #tpu.memory_space<vmem_shared>> -> memref<640x64xf32, #tpu.memory_space<vmem_shared>>
      tpu.wait_dma2 semaphore(%run_scoped3A : memref<!tpu.dma_semaphore, #tpu.memory_space<semaphore_mem>>) src(%arg6 : memref<640x64xf32, #tpu.memory_space<hbm>>) dst(%dma_wait3A_33 : memref<640x64xf32, #tpu.memory_space<vmem_shared>>)
      tpu.yield
    }) : () -> ()
    %mul3A_1 = arith.constant 640 : i32
    %mul3A_2 = arith.muli %arg1, %mul3A_1 : i32
    "tpu.region"() ({
      %run_scoped3A = tpu.sem_alloc : memref<!tpu.dma_semaphore, #tpu.memory_space<semaphore_mem>>
      %dma_start3A = arith.constant 0 : i32
      %dma_start3A_32 = tpu.memref_slice %arg27[%mul3A_2, %dma_start3A] : memref<10240x16xf32, #tpu.memory_space<vmem_shared>> -> memref<640x16xf32, #tpu.memory_space<vmem_shared>>
      tpu.enqueue_dma source(%arg7 : memref<640x16xf32, #tpu.memory_space<hbm>>) target(%dma_start3A_32 : memref<640x16xf32, #tpu.memory_space<vmem_shared>>) target_semaphore(%run_scoped3A : memref<!tpu.dma_semaphore, #tpu.memory_space<semaphore_mem>>)
      %dma_wait3A = arith.constant 0 : i32
      %dma_wait3A_33 = tpu.memref_slice %arg27[%mul3A_2, %dma_wait3A] : memref<10240x16xf32, #tpu.memory_space<vmem_shared>> -> memref<640x16xf32, #tpu.memory_space<vmem_shared>>
      tpu.wait_dma2 semaphore(%run_scoped3A : memref<!tpu.dma_semaphore, #tpu.memory_space<semaphore_mem>>) src(%arg7 : memref<640x16xf32, #tpu.memory_space<hbm>>) dst(%dma_wait3A_33 : memref<640x16xf32, #tpu.memory_space<vmem_shared>>)
      tpu.yield
    }) : () -> ()
    "tpu.region"() ({
      %run_scoped3A = tpu.sem_alloc : memref<!tpu.dma_semaphore, #tpu.memory_space<semaphore_mem>>
      tpu.enqueue_dma source(%arg8 : memref<125x16xf32, #tpu.memory_space<hbm>>) target(%arg26 : memref<125x16xf32, #tpu.memory_space<vmem>>) target_semaphore(%run_scoped3A : memref<!tpu.dma_semaphore, #tpu.memory_space<semaphore_mem>>)
      tpu.wait_dma2 semaphore(%run_scoped3A : memref<!tpu.dma_semaphore, #tpu.memory_space<semaphore_mem>>) src(%arg8 : memref<125x16xf32, #tpu.memory_space<hbm>>) dst(%arg26 : memref<125x16xf32, #tpu.memory_space<vmem>>)
      tpu.yield
    }) : () -> ()
    %mul3A_3 = arith.constant 160 : i32
    %mul3A_4 = arith.muli %arg1, %mul3A_3 : i32
    "tpu.region"() ({
      %run_scoped3A = tpu.sem_alloc : memref<!tpu.dma_semaphore, #tpu.memory_space<semaphore_mem>>
      %dma_start3A = arith.constant 0 : i32
      %dma_start3A_32 = tpu.memref_slice %arg4[%mul3A_4, %dma_start3A] : memref<2560x125xi32, #tpu.memory_space<hbm>> -> memref<160x125xi32, #tpu.memory_space<hbm>>
      %dma_start3A_33 = arith.constant 0 : i32
      %dma_start3A_34 = tpu.memref_slice %arg4[%mul3A_4, %dma_start3A_33] : memref<2560x125xi32, #tpu.memory_space<hbm>> -> memref<160x125xi32, #tpu.memory_space<hbm>>
      tpu.enqueue_dma source(%dma_start3A_34 : memref<160x125xi32, #tpu.memory_space<hbm>>) target(%arg11 : memref<160x125xi32, #tpu.memory_space<vmem>>) target_semaphore(%run_scoped3A : memref<!tpu.dma_semaphore, #tpu.memory_space<semaphore_mem>>)
      %dma_wait3A = arith.constant 0 : i32
      %dma_wait3A_35 = tpu.memref_slice %arg4[%mul3A_4, %dma_wait3A] : memref<2560x125xi32, #tpu.memory_space<hbm>> -> memref<160x125xi32, #tpu.memory_space<hbm>>
      %dma_wait3A_36 = arith.constant 0 : i32
      %dma_wait3A_37 = tpu.memref_slice %arg4[%mul3A_4, %dma_wait3A_36] : memref<2560x125xi32, #tpu.memory_space<hbm>> -> memref<160x125xi32, #tpu.memory_space<hbm>>
      tpu.wait_dma2 semaphore(%run_scoped3A : memref<!tpu.dma_semaphore, #tpu.memory_space<semaphore_mem>>) src(%dma_wait3A_37 : memref<160x125xi32, #tpu.memory_space<hbm>>) dst(%arg11 : memref<160x125xi32, #tpu.memory_space<vmem>>)
      tpu.yield
    }) : () -> ()
    %mul3A_5 = arith.constant 160 : i32
    %mul3A_6 = arith.muli %arg1, %mul3A_5 : i32
    "tpu.region"() ({
      %run_scoped3A = tpu.sem_alloc : memref<!tpu.dma_semaphore, #tpu.memory_space<semaphore_mem>>
      %dma_start3A = arith.constant 0 : i32
      %dma_start3A_32 = tpu.memref_slice %arg5[%mul3A_6, %dma_start3A] : memref<2560x125xi32, #tpu.memory_space<hbm>> -> memref<160x125xi32, #tpu.memory_space<hbm>>
      %dma_start3A_33 = arith.constant 0 : i32
      %dma_start3A_34 = tpu.memref_slice %arg5[%mul3A_6, %dma_start3A_33] : memref<2560x125xi32, #tpu.memory_space<hbm>> -> memref<160x125xi32, #tpu.memory_space<hbm>>
      tpu.enqueue_dma source(%dma_start3A_34 : memref<160x125xi32, #tpu.memory_space<hbm>>) target(%arg12 : memref<160x125xi32, #tpu.memory_space<vmem>>) target_semaphore(%run_scoped3A : memref<!tpu.dma_semaphore, #tpu.memory_space<semaphore_mem>>)
      %dma_wait3A = arith.constant 0 : i32
      %dma_wait3A_35 = tpu.memref_slice %arg5[%mul3A_6, %dma_wait3A] : memref<2560x125xi32, #tpu.memory_space<hbm>> -> memref<160x125xi32, #tpu.memory_space<hbm>>
      %dma_wait3A_36 = arith.constant 0 : i32
      %dma_wait3A_37 = tpu.memref_slice %arg5[%mul3A_6, %dma_wait3A_36] : memref<2560x125xi32, #tpu.memory_space<hbm>> -> memref<160x125xi32, #tpu.memory_space<hbm>>
      tpu.wait_dma2 semaphore(%run_scoped3A : memref<!tpu.dma_semaphore, #tpu.memory_space<semaphore_mem>>) src(%dma_wait3A_37 : memref<160x125xi32, #tpu.memory_space<hbm>>) dst(%arg12 : memref<160x125xi32, #tpu.memory_space<vmem>>)
      tpu.yield
    }) : () -> ()
    %barrier3A = arith.constant 0 : index
    tpu.barrier barrier_id(%barrier3A)
    %eq3A = arith.constant 0 : i32
    %eq3A_7 = arith.cmpi eq, %arg0, %eq3A : i32
    %convert_element_type3A = arith.extui %eq3A_7 : i1 to i32
    %cond3A = arith.constant 0 : i32
    %cond3A_8 = arith.cmpi ne, %convert_element_type3A, %cond3A : i32
    scf.if %cond3A_8 {
      %dma_start3A = arith.constant 0 : i32
      %dma_start3A_32 = arith.constant 0 : i32
      %dma_start3A_33 = tpu.memref_slice %arg11[%dma_start3A, %dma_start3A_32] : memref<160x125xi32, #tpu.memory_space<vmem>> -> memref<1x125xi32, #tpu.memory_space<vmem>>
      %dma_start3A_34 = tpu.memref_squeeze %dma_start3A_33 : memref<1x125xi32, #tpu.memory_space<vmem>> -> memref<125xi32, #tpu.memory_space<vmem>>
      %dma_start3A_35 = arith.constant 0 : i32
      %dma_start3A_36 = arith.constant 0 : i32
      %dma_start3A_37 = tpu.memref_slice %arg2[%dma_start3A_35, %dma_start3A_36] : memref<10000x64xf32, #tpu.memory_space<hbm>> -> memref<10000x64xf32, #tpu.memory_space<hbm>>
      tpu.enqueue_indirect_dma source(%dma_start3A_37 : memref<10000x64xf32, #tpu.memory_space<hbm>>) target(%arg13 : memref<125x64xf32, #tpu.memory_space<vmem>>) offsets(%dma_start3A_34 : memref<125xi32, #tpu.memory_space<vmem>>) semaphore(%arg18 : memref<!tpu.dma_semaphore, #tpu.memory_space<semaphore_mem>>)
      %dma_start3A_38 = arith.constant 1 : i32
      %dma_start3A_39 = arith.constant 0 : i32
      %dma_start3A_40 = tpu.memref_slice %arg11[%dma_start3A_38, %dma_start3A_39] : memref<160x125xi32, #tpu.memory_space<vmem>> -> memref<1x125xi32, #tpu.memory_space<vmem>>
      %dma_start3A_41 = tpu.memref_squeeze %dma_start3A_40 : memref<1x125xi32, #tpu.memory_space<vmem>> -> memref<125xi32, #tpu.memory_space<vmem>>
      %dma_start3A_42 = arith.constant 0 : i32
      %dma_start3A_43 = arith.constant 0 : i32
      %dma_start3A_44 = tpu.memref_slice %arg2[%dma_start3A_42, %dma_start3A_43] : memref<10000x64xf32, #tpu.memory_space<hbm>> -> memref<10000x64xf32, #tpu.memory_space<hbm>>
      tpu.enqueue_indirect_dma source(%dma_start3A_44 : memref<10000x64xf32, #tpu.memory_space<hbm>>) target(%arg14 : memref<125x64xf32, #tpu.memory_space<vmem>>) offsets(%dma_start3A_41 : memref<125xi32, #tpu.memory_space<vmem>>) semaphore(%arg19 : memref<!tpu.dma_semaphore, #tpu.memory_space<semaphore_mem>>)
      %scan3A_45 = arith.constant 0 : i32
      %scan3A_46 = arith.constant 0 : i32
      %scan3A_47 = arith.constant 40 : i32
      %scan3A_48 = arith.addi %scan3A_46, %scan3A_47 : i32
      %scan3A_49 = arith.constant 1 : i32
      %scan3A_50 = scf.for %scan3A_79 = %scan3A_46 to %scan3A_48 step %scan3A_49 iter_args(%scan3A_80 = %scan3A_45) -> (i32)  : i32 {
        %mul3A_81 = arith.constant 4 : i32
        %mul3A_82 = arith.muli %scan3A_79, %mul3A_81 : i32
        %add3A = arith.constant 0 : i32
        %add3A_83 = arith.addi %mul3A_82, %add3A : i32
        %add3A_84 = arith.constant 2 : i32
        %add3A_85 = arith.addi %add3A_83, %add3A_84 : i32
        %lt3A_86 = arith.constant 160 : i32
        %lt3A_87 = arith.cmpi slt, %add3A_85, %lt3A_86 : i32
        %convert_element_type3A_88 = arith.extui %lt3A_87 : i1 to i32
        %cond3A_89 = arith.constant 0 : i32
        %cond3A_90 = arith.cmpi ne, %convert_element_type3A_88, %cond3A_89 : i32
        scf.if %cond3A_90 {
          %ge3A = arith.constant 4 : i32
          %ge3A_193 = arith.cmpi sge, %add3A_85, %ge3A : i32
          %convert_element_type3A_194 = arith.extui %ge3A_193 : i1 to i32
          %cond3A_195 = arith.constant 0 : i32
          %cond3A_196 = arith.cmpi ne, %convert_element_type3A_194, %cond3A_195 : i32
          scf.if %cond3A_196 {
            %sub3A = arith.constant 4 : i32
            %sub3A_203 = arith.subi %add3A_85, %sub3A : i32
            %dma_wait3A_204 = arith.constant 0 : i32
            %dma_wait3A_205 = tpu.memref_slice %arg12[%sub3A_203, %dma_wait3A_204] : memref<160x125xi32, #tpu.memory_space<vmem>> -> memref<1x125xi32, #tpu.memory_space<vmem>>
            %dma_wait3A_206 = tpu.memref_squeeze %dma_wait3A_205 : memref<1x125xi32, #tpu.memory_space<vmem>> -> memref<125xi32, #tpu.memory_space<vmem>>
            %dma_wait3A_207 = arith.constant 0 : i32
            %dma_wait3A_208 = arith.constant 0 : i32
            %dma_wait3A_209 = tpu.memref_slice %arg17[%dma_wait3A_207, %dma_wait3A_208] : memref<10240x64xf32, #tpu.memory_space<vmem_shared>> -> memref<10240x64xf32, #tpu.memory_space<vmem_shared>>
            tpu.wait_indirect_dma semaphore(%arg24 : memref<!tpu.dma_semaphore, #tpu.memory_space<semaphore_mem>>) src(%arg15 : memref<125x64xf32, #tpu.memory_space<vmem>>) dst(%dma_wait3A_209 : memref<10240x64xf32, #tpu.memory_space<vmem_shared>>)
          } else {
          }
          %dma_start3A_197 = arith.constant 0 : i32
          %dma_start3A_198 = tpu.memref_slice %arg11[%add3A_85, %dma_start3A_197] : memref<160x125xi32, #tpu.memory_space<vmem>> -> memref<1x125xi32, #tpu.memory_space<vmem>>
          %dma_start3A_199 = tpu.memref_squeeze %dma_start3A_198 : memref<1x125xi32, #tpu.memory_space<vmem>> -> memref<125xi32, #tpu.memory_space<vmem>>
          %dma_start3A_200 = arith.constant 0 : i32
          %dma_start3A_201 = arith.constant 0 : i32
          %dma_start3A_202 = tpu.memref_slice %arg2[%dma_start3A_200, %dma_start3A_201] : memref<10000x64xf32, #tpu.memory_space<hbm>> -> memref<10000x64xf32, #tpu.memory_space<hbm>>
          tpu.enqueue_indirect_dma source(%dma_start3A_202 : memref<10000x64xf32, #tpu.memory_space<hbm>>) target(%arg15 : memref<125x64xf32, #tpu.memory_space<vmem>>) offsets(%dma_start3A_199 : memref<125xi32, #tpu.memory_space<vmem>>) semaphore(%arg20 : memref<!tpu.dma_semaphore, #tpu.memory_space<semaphore_mem>>)
        } else {
        }
        %dma_wait3A_91 = arith.constant 0 : i32
        %dma_wait3A_92 = tpu.memref_slice %arg11[%add3A_83, %dma_wait3A_91] : memref<160x125xi32, #tpu.memory_space<vmem>> -> memref<1x125xi32, #tpu.memory_space<vmem>>
        %dma_wait3A_93 = tpu.memref_squeeze %dma_wait3A_92 : memref<1x125xi32, #tpu.memory_space<vmem>> -> memref<125xi32, #tpu.memory_space<vmem>>
        %dma_wait3A_94 = arith.constant 0 : i32
        %dma_wait3A_95 = arith.constant 0 : i32
        %dma_wait3A_96 = tpu.memref_slice %arg2[%dma_wait3A_94, %dma_wait3A_95] : memref<10000x64xf32, #tpu.memory_space<hbm>> -> memref<10000x64xf32, #tpu.memory_space<hbm>>
        tpu.wait_indirect_dma semaphore(%arg18 : memref<!tpu.dma_semaphore, #tpu.memory_space<semaphore_mem>>) src(%dma_wait3A_96 : memref<10000x64xf32, #tpu.memory_space<hbm>>) dst(%arg13 : memref<125x64xf32, #tpu.memory_space<vmem>>)
        %dma_start3A_97 = arith.constant 0 : i32
        %dma_start3A_98 = tpu.memref_slice %arg12[%add3A_83, %dma_start3A_97] : memref<160x125xi32, #tpu.memory_space<vmem>> -> memref<1x125xi32, #tpu.memory_space<vmem>>
        %dma_start3A_99 = tpu.memref_squeeze %dma_start3A_98 : memref<1x125xi32, #tpu.memory_space<vmem>> -> memref<125xi32, #tpu.memory_space<vmem>>
        %dma_start3A_100 = arith.constant 0 : i32
        %dma_start3A_101 = arith.constant 0 : i32
        %dma_start3A_102 = tpu.memref_slice %arg17[%dma_start3A_100, %dma_start3A_101] : memref<10240x64xf32, #tpu.memory_space<vmem_shared>> -> memref<10240x64xf32, #tpu.memory_space<vmem_shared>>
        tpu.enqueue_indirect_dma source(%arg13 : memref<125x64xf32, #tpu.memory_space<vmem>>) target(%dma_start3A_102 : memref<10240x64xf32, #tpu.memory_space<vmem_shared>>) offsets(%dma_start3A_99 : memref<125xi32, #tpu.memory_space<vmem>>) semaphore(%arg22 : memref<!tpu.dma_semaphore, #tpu.memory_space<semaphore_mem>>) {add = true}
        %lt3A_103 = arith.constant 80 : i32
        %lt3A_104 = arith.cmpi slt, %add3A_83, %lt3A_103 : i32
        %convert_element_type3A_105 = arith.extui %lt3A_104 : i1 to i32
        %cond3A_106 = arith.constant 0 : i32
        %cond3A_107 = arith.cmpi ne, %convert_element_type3A_105, %cond3A_106 : i32
        scf.if %cond3A_107 {
          %dma_start3A_193 = arith.constant 0 : i32
          %dma_start3A_194 = tpu.memref_slice %arg12[%add3A_83, %dma_start3A_193] : memref<160x125xi32, #tpu.memory_space<vmem>> -> memref<1x125xi32, #tpu.memory_space<vmem>>
          %dma_start3A_195 = tpu.memref_squeeze %dma_start3A_194 : memref<1x125xi32, #tpu.memory_space<vmem>> -> memref<125xi32, #tpu.memory_space<vmem>>
          %dma_start3A_196 = arith.constant 0 : i32
          %dma_start3A_197 = arith.constant 0 : i32
          %dma_start3A_198 = tpu.memref_slice %arg27[%dma_start3A_196, %dma_start3A_197] : memref<10240x16xf32, #tpu.memory_space<vmem_shared>> -> memref<10240x16xf32, #tpu.memory_space<vmem_shared>>
          tpu.enqueue_indirect_dma source(%arg26 : memref<125x16xf32, #tpu.memory_space<vmem>>) target(%dma_start3A_198 : memref<10240x16xf32, #tpu.memory_space<vmem_shared>>) offsets(%dma_start3A_195 : memref<125xi32, #tpu.memory_space<vmem>>) semaphore(%arg28 : memref<!tpu.dma_semaphore, #tpu.memory_space<semaphore_mem>>) {add = true}
        } else {
        }
        %mul3A_108 = arith.constant 4 : i32
        %mul3A_109 = arith.muli %scan3A_79, %mul3A_108 : i32
        %add3A_110 = arith.constant 1 : i32
        %add3A_111 = arith.addi %mul3A_109, %add3A_110 : i32
        %add3A_112 = arith.constant 2 : i32
        %add3A_113 = arith.addi %add3A_111, %add3A_112 : i32
        %lt3A_114 = arith.constant 160 : i32
        %lt3A_115 = arith.cmpi slt, %add3A_113, %lt3A_114 : i32
        %convert_element_type3A_116 = arith.extui %lt3A_115 : i1 to i32
        %cond3A_117 = arith.constant 0 : i32
        %cond3A_118 = arith.cmpi ne, %convert_element_type3A_116, %cond3A_117 : i32
        scf.if %cond3A_118 {
          %ge3A = arith.constant 4 : i32
          %ge3A_193 = arith.cmpi sge, %add3A_113, %ge3A : i32
          %convert_element_type3A_194 = arith.extui %ge3A_193 : i1 to i32
          %cond3A_195 = arith.constant 0 : i32
          %cond3A_196 = arith.cmpi ne, %convert_element_type3A_194, %cond3A_195 : i32
          scf.if %cond3A_196 {
            %sub3A = arith.constant 4 : i32
            %sub3A_203 = arith.subi %add3A_113, %sub3A : i32
            %dma_wait3A_204 = arith.constant 0 : i32
            %dma_wait3A_205 = tpu.memref_slice %arg12[%sub3A_203, %dma_wait3A_204] : memref<160x125xi32, #tpu.memory_space<vmem>> -> memref<1x125xi32, #tpu.memory_space<vmem>>
            %dma_wait3A_206 = tpu.memref_squeeze %dma_wait3A_205 : memref<1x125xi32, #tpu.memory_space<vmem>> -> memref<125xi32, #tpu.memory_space<vmem>>
            %dma_wait3A_207 = arith.constant 0 : i32
            %dma_wait3A_208 = arith.constant 0 : i32
            %dma_wait3A_209 = tpu.memref_slice %arg17[%dma_wait3A_207, %dma_wait3A_208] : memref<10240x64xf32, #tpu.memory_space<vmem_shared>> -> memref<10240x64xf32, #tpu.memory_space<vmem_shared>>
            tpu.wait_indirect_dma semaphore(%arg25 : memref<!tpu.dma_semaphore, #tpu.memory_space<semaphore_mem>>) src(%arg16 : memref<125x64xf32, #tpu.memory_space<vmem>>) dst(%dma_wait3A_209 : memref<10240x64xf32, #tpu.memory_space<vmem_shared>>)
          } else {
          }
          %dma_start3A_197 = arith.constant 0 : i32
          %dma_start3A_198 = tpu.memref_slice %arg11[%add3A_113, %dma_start3A_197] : memref<160x125xi32, #tpu.memory_space<vmem>> -> memref<1x125xi32, #tpu.memory_space<vmem>>
          %dma_start3A_199 = tpu.memref_squeeze %dma_start3A_198 : memref<1x125xi32, #tpu.memory_space<vmem>> -> memref<125xi32, #tpu.memory_space<vmem>>
          %dma_start3A_200 = arith.constant 0 : i32
          %dma_start3A_201 = arith.constant 0 : i32
          %dma_start3A_202 = tpu.memref_slice %arg2[%dma_start3A_200, %dma_start3A_201] : memref<10000x64xf32, #tpu.memory_space<hbm>> -> memref<10000x64xf32, #tpu.memory_space<hbm>>
          tpu.enqueue_indirect_dma source(%dma_start3A_202 : memref<10000x64xf32, #tpu.memory_space<hbm>>) target(%arg16 : memref<125x64xf32, #tpu.memory_space<vmem>>) offsets(%dma_start3A_199 : memref<125xi32, #tpu.memory_space<vmem>>) semaphore(%arg21 : memref<!tpu.dma_semaphore, #tpu.memory_space<semaphore_mem>>)
        } else {
        }
        %dma_wait3A_119 = arith.constant 0 : i32
        %dma_wait3A_120 = tpu.memref_slice %arg11[%add3A_111, %dma_wait3A_119] : memref<160x125xi32, #tpu.memory_space<vmem>> -> memref<1x125xi32, #tpu.memory_space<vmem>>
        %dma_wait3A_121 = tpu.memref_squeeze %dma_wait3A_120 : memref<1x125xi32, #tpu.memory_space<vmem>> -> memref<125xi32, #tpu.memory_space<vmem>>
        %dma_wait3A_122 = arith.constant 0 : i32
        %dma_wait3A_123 = arith.constant 0 : i32
        %dma_wait3A_124 = tpu.memref_slice %arg2[%dma_wait3A_122, %dma_wait3A_123] : memref<10000x64xf32, #tpu.memory_space<hbm>> -> memref<10000x64xf32, #tpu.memory_space<hbm>>
        tpu.wait_indirect_dma semaphore(%arg19 : memref<!tpu.dma_semaphore, #tpu.memory_space<semaphore_mem>>) src(%dma_wait3A_124 : memref<10000x64xf32, #tpu.memory_space<hbm>>) dst(%arg14 : memref<125x64xf32, #tpu.memory_space<vmem>>)
        %dma_start3A_125 = arith.constant 0 : i32
        %dma_start3A_126 = tpu.memref_slice %arg12[%add3A_111, %dma_start3A_125] : memref<160x125xi32, #tpu.memory_space<vmem>> -> memref<1x125xi32, #tpu.memory_space<vmem>>
        %dma_start3A_127 = tpu.memref_squeeze %dma_start3A_126 : memref<1x125xi32, #tpu.memory_space<vmem>> -> memref<125xi32, #tpu.memory_space<vmem>>
        %dma_start3A_128 = arith.constant 0 : i32
        %dma_start3A_129 = arith.constant 0 : i32
        %dma_start3A_130 = tpu.memref_slice %arg17[%dma_start3A_128, %dma_start3A_129] : memref<10240x64xf32, #tpu.memory_space<vmem_shared>> -> memref<10240x64xf32, #tpu.memory_space<vmem_shared>>
        tpu.enqueue_indirect_dma source(%arg14 : memref<125x64xf32, #tpu.memory_space<vmem>>) target(%dma_start3A_130 : memref<10240x64xf32, #tpu.memory_space<vmem_shared>>) offsets(%dma_start3A_127 : memref<125xi32, #tpu.memory_space<vmem>>) semaphore(%arg23 : memref<!tpu.dma_semaphore, #tpu.memory_space<semaphore_mem>>) {add = true}
        %lt3A_131 = arith.constant 80 : i32
        %lt3A_132 = arith.cmpi slt, %add3A_111, %lt3A_131 : i32
        %convert_element_type3A_133 = arith.extui %lt3A_132 : i1 to i32
        %cond3A_134 = arith.constant 0 : i32
        %cond3A_135 = arith.cmpi ne, %convert_element_type3A_133, %cond3A_134 : i32
        scf.if %cond3A_135 {
          %dma_start3A_193 = arith.constant 0 : i32
          %dma_start3A_194 = tpu.memref_slice %arg12[%add3A_111, %dma_start3A_193] : memref<160x125xi32, #tpu.memory_space<vmem>> -> memref<1x125xi32, #tpu.memory_space<vmem>>
          %dma_start3A_195 = tpu.memref_squeeze %dma_start3A_194 : memref<1x125xi32, #tpu.memory_space<vmem>> -> memref<125xi32, #tpu.memory_space<vmem>>
          %dma_start3A_196 = arith.constant 0 : i32
          %dma_start3A_197 = arith.constant 0 : i32
          %dma_start3A_198 = tpu.memref_slice %arg27[%dma_start3A_196, %dma_start3A_197] : memref<10240x16xf32, #tpu.memory_space<vmem_shared>> -> memref<10240x16xf32, #tpu.memory_space<vmem_shared>>
          tpu.enqueue_indirect_dma source(%arg26 : memref<125x16xf32, #tpu.memory_space<vmem>>) target(%dma_start3A_198 : memref<10240x16xf32, #tpu.memory_space<vmem_shared>>) offsets(%dma_start3A_195 : memref<125xi32, #tpu.memory_space<vmem>>) semaphore(%arg28 : memref<!tpu.dma_semaphore, #tpu.memory_space<semaphore_mem>>) {add = true}
        } else {
        }
        %mul3A_136 = arith.constant 4 : i32
        %mul3A_137 = arith.muli %scan3A_79, %mul3A_136 : i32
        %add3A_138 = arith.constant 2 : i32
        %add3A_139 = arith.addi %mul3A_137, %add3A_138 : i32
        %add3A_140 = arith.constant 2 : i32
        %add3A_141 = arith.addi %add3A_139, %add3A_140 : i32
        %lt3A_142 = arith.constant 160 : i32
        %lt3A_143 = arith.cmpi slt, %add3A_141, %lt3A_142 : i32
        %convert_element_type3A_144 = arith.extui %lt3A_143 : i1 to i32
        %cond3A_145 = arith.constant 0 : i32
        %cond3A_146 = arith.cmpi ne, %convert_element_type3A_144, %cond3A_145 : i32
        scf.if %cond3A_146 {
          %ge3A = arith.constant 4 : i32
          %ge3A_193 = arith.cmpi sge, %add3A_141, %ge3A : i32
          %convert_element_type3A_194 = arith.extui %ge3A_193 : i1 to i32
          %cond3A_195 = arith.constant 0 : i32
          %cond3A_196 = arith.cmpi ne, %convert_element_type3A_194, %cond3A_195 : i32
          scf.if %cond3A_196 {
            %sub3A = arith.constant 4 : i32
            %sub3A_203 = arith.subi %add3A_141, %sub3A : i32
            %dma_wait3A_204 = arith.constant 0 : i32
            %dma_wait3A_205 = tpu.memref_slice %arg12[%sub3A_203, %dma_wait3A_204] : memref<160x125xi32, #tpu.memory_space<vmem>> -> memref<1x125xi32, #tpu.memory_space<vmem>>
            %dma_wait3A_206 = tpu.memref_squeeze %dma_wait3A_205 : memref<1x125xi32, #tpu.memory_space<vmem>> -> memref<125xi32, #tpu.memory_space<vmem>>
            %dma_wait3A_207 = arith.constant 0 : i32
            %dma_wait3A_208 = arith.constant 0 : i32
            %dma_wait3A_209 = tpu.memref_slice %arg17[%dma_wait3A_207, %dma_wait3A_208] : memref<10240x64xf32, #tpu.memory_space<vmem_shared>> -> memref<10240x64xf32, #tpu.memory_space<vmem_shared>>
            tpu.wait_indirect_dma semaphore(%arg22 : memref<!tpu.dma_semaphore, #tpu.memory_space<semaphore_mem>>) src(%arg13 : memref<125x64xf32, #tpu.memory_space<vmem>>) dst(%dma_wait3A_209 : memref<10240x64xf32, #tpu.memory_space<vmem_shared>>)
          } else {
          }
          %dma_start3A_197 = arith.constant 0 : i32
          %dma_start3A_198 = tpu.memref_slice %arg11[%add3A_141, %dma_start3A_197] : memref<160x125xi32, #tpu.memory_space<vmem>> -> memref<1x125xi32, #tpu.memory_space<vmem>>
          %dma_start3A_199 = tpu.memref_squeeze %dma_start3A_198 : memref<1x125xi32, #tpu.memory_space<vmem>> -> memref<125xi32, #tpu.memory_space<vmem>>
          %dma_start3A_200 = arith.constant 0 : i32
          %dma_start3A_201 = arith.constant 0 : i32
          %dma_start3A_202 = tpu.memref_slice %arg2[%dma_start3A_200, %dma_start3A_201] : memref<10000x64xf32, #tpu.memory_space<hbm>> -> memref<10000x64xf32, #tpu.memory_space<hbm>>
          tpu.enqueue_indirect_dma source(%dma_start3A_202 : memref<10000x64xf32, #tpu.memory_space<hbm>>) target(%arg13 : memref<125x64xf32, #tpu.memory_space<vmem>>) offsets(%dma_start3A_199 : memref<125xi32, #tpu.memory_space<vmem>>) semaphore(%arg18 : memref<!tpu.dma_semaphore, #tpu.memory_space<semaphore_mem>>)
        } else {
        }
        %dma_wait3A_147 = arith.constant 0 : i32
        %dma_wait3A_148 = tpu.memref_slice %arg11[%add3A_139, %dma_wait3A_147] : memref<160x125xi32, #tpu.memory_space<vmem>> -> memref<1x125xi32, #tpu.memory_space<vmem>>
        %dma_wait3A_149 = tpu.memref_squeeze %dma_wait3A_148 : memref<1x125xi32, #tpu.memory_space<vmem>> -> memref<125xi32, #tpu.memory_space<vmem>>
        %dma_wait3A_150 = arith.constant 0 : i32
        %dma_wait3A_151 = arith.constant 0 : i32
        %dma_wait3A_152 = tpu.memref_slice %arg2[%dma_wait3A_150, %dma_wait3A_151] : memref<10000x64xf32, #tpu.memory_space<hbm>> -> memref<10000x64xf32, #tpu.memory_space<hbm>>
        tpu.wait_indirect_dma semaphore(%arg20 : memref<!tpu.dma_semaphore, #tpu.memory_space<semaphore_mem>>) src(%dma_wait3A_152 : memref<10000x64xf32, #tpu.memory_space<hbm>>) dst(%arg15 : memref<125x64xf32, #tpu.memory_space<vmem>>)
        %dma_start3A_153 = arith.constant 0 : i32
        %dma_start3A_154 = tpu.memref_slice %arg12[%add3A_139, %dma_start3A_153] : memref<160x125xi32, #tpu.memory_space<vmem>> -> memref<1x125xi32, #tpu.memory_space<vmem>>
        %dma_start3A_155 = tpu.memref_squeeze %dma_start3A_154 : memref<1x125xi32, #tpu.memory_space<vmem>> -> memref<125xi32, #tpu.memory_space<vmem>>
        %dma_start3A_156 = arith.constant 0 : i32
        %dma_start3A_157 = arith.constant 0 : i32
        %dma_start3A_158 = tpu.memref_slice %arg17[%dma_start3A_156, %dma_start3A_157] : memref<10240x64xf32, #tpu.memory_space<vmem_shared>> -> memref<10240x64xf32, #tpu.memory_space<vmem_shared>>
        tpu.enqueue_indirect_dma source(%arg15 : memref<125x64xf32, #tpu.memory_space<vmem>>) target(%dma_start3A_158 : memref<10240x64xf32, #tpu.memory_space<vmem_shared>>) offsets(%dma_start3A_155 : memref<125xi32, #tpu.memory_space<vmem>>) semaphore(%arg24 : memref<!tpu.dma_semaphore, #tpu.memory_space<semaphore_mem>>) {add = true}
        %lt3A_159 = arith.constant 80 : i32
        %lt3A_160 = arith.cmpi slt, %add3A_139, %lt3A_159 : i32
        %convert_element_type3A_161 = arith.extui %lt3A_160 : i1 to i32
        %cond3A_162 = arith.constant 0 : i32
        %cond3A_163 = arith.cmpi ne, %convert_element_type3A_161, %cond3A_162 : i32
        scf.if %cond3A_163 {
          %dma_start3A_193 = arith.constant 0 : i32
          %dma_start3A_194 = tpu.memref_slice %arg12[%add3A_139, %dma_start3A_193] : memref<160x125xi32, #tpu.memory_space<vmem>> -> memref<1x125xi32, #tpu.memory_space<vmem>>
          %dma_start3A_195 = tpu.memref_squeeze %dma_start3A_194 : memref<1x125xi32, #tpu.memory_space<vmem>> -> memref<125xi32, #tpu.memory_space<vmem>>
          %dma_start3A_196 = arith.constant 0 : i32
          %dma_start3A_197 = arith.constant 0 : i32
          %dma_start3A_198 = tpu.memref_slice %arg27[%dma_start3A_196, %dma_start3A_197] : memref<10240x16xf32, #tpu.memory_space<vmem_shared>> -> memref<10240x16xf32, #tpu.memory_space<vmem_shared>>
          tpu.enqueue_indirect_dma source(%arg26 : memref<125x16xf32, #tpu.memory_space<vmem>>) target(%dma_start3A_198 : memref<10240x16xf32, #tpu.memory_space<vmem_shared>>) offsets(%dma_start3A_195 : memref<125xi32, #tpu.memory_space<vmem>>) semaphore(%arg28 : memref<!tpu.dma_semaphore, #tpu.memory_space<semaphore_mem>>) {add = true}
        } else {
        }
        %mul3A_164 = arith.constant 4 : i32
        %mul3A_165 = arith.muli %scan3A_79, %mul3A_164 : i32
        %add3A_166 = arith.constant 3 : i32
        %add3A_167 = arith.addi %mul3A_165, %add3A_166 : i32
        %add3A_168 = arith.constant 2 : i32
        %add3A_169 = arith.addi %add3A_167, %add3A_168 : i32
        %lt3A_170 = arith.constant 160 : i32
        %lt3A_171 = arith.cmpi slt, %add3A_169, %lt3A_170 : i32
        %convert_element_type3A_172 = arith.extui %lt3A_171 : i1 to i32
        %cond3A_173 = arith.constant 0 : i32
        %cond3A_174 = arith.cmpi ne, %convert_element_type3A_172, %cond3A_173 : i32
        scf.if %cond3A_174 {
          %ge3A = arith.constant 4 : i32
          %ge3A_193 = arith.cmpi sge, %add3A_169, %ge3A : i32
          %convert_element_type3A_194 = arith.extui %ge3A_193 : i1 to i32
          %cond3A_195 = arith.constant 0 : i32
          %cond3A_196 = arith.cmpi ne, %convert_element_type3A_194, %cond3A_195 : i32
          scf.if %cond3A_196 {
            %sub3A = arith.constant 4 : i32
            %sub3A_203 = arith.subi %add3A_169, %sub3A : i32
            %dma_wait3A_204 = arith.constant 0 : i32
            %dma_wait3A_205 = tpu.memref_slice %arg12[%sub3A_203, %dma_wait3A_204] : memref<160x125xi32, #tpu.memory_space<vmem>> -> memref<1x125xi32, #tpu.memory_space<vmem>>
            %dma_wait3A_206 = tpu.memref_squeeze %dma_wait3A_205 : memref<1x125xi32, #tpu.memory_space<vmem>> -> memref<125xi32, #tpu.memory_space<vmem>>
            %dma_wait3A_207 = arith.constant 0 : i32
            %dma_wait3A_208 = arith.constant 0 : i32
            %dma_wait3A_209 = tpu.memref_slice %arg17[%dma_wait3A_207, %dma_wait3A_208] : memref<10240x64xf32, #tpu.memory_space<vmem_shared>> -> memref<10240x64xf32, #tpu.memory_space<vmem_shared>>
            tpu.wait_indirect_dma semaphore(%arg23 : memref<!tpu.dma_semaphore, #tpu.memory_space<semaphore_mem>>) src(%arg14 : memref<125x64xf32, #tpu.memory_space<vmem>>) dst(%dma_wait3A_209 : memref<10240x64xf32, #tpu.memory_space<vmem_shared>>)
          } else {
          }
          %dma_start3A_197 = arith.constant 0 : i32
          %dma_start3A_198 = tpu.memref_slice %arg11[%add3A_169, %dma_start3A_197] : memref<160x125xi32, #tpu.memory_space<vmem>> -> memref<1x125xi32, #tpu.memory_space<vmem>>
          %dma_start3A_199 = tpu.memref_squeeze %dma_start3A_198 : memref<1x125xi32, #tpu.memory_space<vmem>> -> memref<125xi32, #tpu.memory_space<vmem>>
          %dma_start3A_200 = arith.constant 0 : i32
          %dma_start3A_201 = arith.constant 0 : i32
          %dma_start3A_202 = tpu.memref_slice %arg2[%dma_start3A_200, %dma_start3A_201] : memref<10000x64xf32, #tpu.memory_space<hbm>> -> memref<10000x64xf32, #tpu.memory_space<hbm>>
          tpu.enqueue_indirect_dma source(%dma_start3A_202 : memref<10000x64xf32, #tpu.memory_space<hbm>>) target(%arg14 : memref<125x64xf32, #tpu.memory_space<vmem>>) offsets(%dma_start3A_199 : memref<125xi32, #tpu.memory_space<vmem>>) semaphore(%arg19 : memref<!tpu.dma_semaphore, #tpu.memory_space<semaphore_mem>>)
        } else {
        }
        %dma_wait3A_175 = arith.constant 0 : i32
        %dma_wait3A_176 = tpu.memref_slice %arg11[%add3A_167, %dma_wait3A_175] : memref<160x125xi32, #tpu.memory_space<vmem>> -> memref<1x125xi32, #tpu.memory_space<vmem>>
        %dma_wait3A_177 = tpu.memref_squeeze %dma_wait3A_176 : memref<1x125xi32, #tpu.memory_space<vmem>> -> memref<125xi32, #tpu.memory_space<vmem>>
        %dma_wait3A_178 = arith.constant 0 : i32
        %dma_wait3A_179 = arith.constant 0 : i32
        %dma_wait3A_180 = tpu.memref_slice %arg2[%dma_wait3A_178, %dma_wait3A_179] : memref<10000x64xf32, #tpu.memory_space<hbm>> -> memref<10000x64xf32, #tpu.memory_space<hbm>>
        tpu.wait_indirect_dma semaphore(%arg21 : memref<!tpu.dma_semaphore, #tpu.memory_space<semaphore_mem>>) src(%dma_wait3A_180 : memref<10000x64xf32, #tpu.memory_space<hbm>>) dst(%arg16 : memref<125x64xf32, #tpu.memory_space<vmem>>)
        %dma_start3A_181 = arith.constant 0 : i32
        %dma_start3A_182 = tpu.memref_slice %arg12[%add3A_167, %dma_start3A_181] : memref<160x125xi32, #tpu.memory_space<vmem>> -> memref<1x125xi32, #tpu.memory_space<vmem>>
        %dma_start3A_183 = tpu.memref_squeeze %dma_start3A_182 : memref<1x125xi32, #tpu.memory_space<vmem>> -> memref<125xi32, #tpu.memory_space<vmem>>
        %dma_start3A_184 = arith.constant 0 : i32
        %dma_start3A_185 = arith.constant 0 : i32
        %dma_start3A_186 = tpu.memref_slice %arg17[%dma_start3A_184, %dma_start3A_185] : memref<10240x64xf32, #tpu.memory_space<vmem_shared>> -> memref<10240x64xf32, #tpu.memory_space<vmem_shared>>
        tpu.enqueue_indirect_dma source(%arg16 : memref<125x64xf32, #tpu.memory_space<vmem>>) target(%dma_start3A_186 : memref<10240x64xf32, #tpu.memory_space<vmem_shared>>) offsets(%dma_start3A_183 : memref<125xi32, #tpu.memory_space<vmem>>) semaphore(%arg25 : memref<!tpu.dma_semaphore, #tpu.memory_space<semaphore_mem>>) {add = true}
        %lt3A_187 = arith.constant 80 : i32
        %lt3A_188 = arith.cmpi slt, %add3A_167, %lt3A_187 : i32
        %convert_element_type3A_189 = arith.extui %lt3A_188 : i1 to i32
        %cond3A_190 = arith.constant 0 : i32
        %cond3A_191 = arith.cmpi ne, %convert_element_type3A_189, %cond3A_190 : i32
        scf.if %cond3A_191 {
          %dma_start3A_193 = arith.constant 0 : i32
          %dma_start3A_194 = tpu.memref_slice %arg12[%add3A_167, %dma_start3A_193] : memref<160x125xi32, #tpu.memory_space<vmem>> -> memref<1x125xi32, #tpu.memory_space<vmem>>
          %dma_start3A_195 = tpu.memref_squeeze %dma_start3A_194 : memref<1x125xi32, #tpu.memory_space<vmem>> -> memref<125xi32, #tpu.memory_space<vmem>>
          %dma_start3A_196 = arith.constant 0 : i32
          %dma_start3A_197 = arith.constant 0 : i32
          %dma_start3A_198 = tpu.memref_slice %arg27[%dma_start3A_196, %dma_start3A_197] : memref<10240x16xf32, #tpu.memory_space<vmem_shared>> -> memref<10240x16xf32, #tpu.memory_space<vmem_shared>>
          tpu.enqueue_indirect_dma source(%arg26 : memref<125x16xf32, #tpu.memory_space<vmem>>) target(%dma_start3A_198 : memref<10240x16xf32, #tpu.memory_space<vmem_shared>>) offsets(%dma_start3A_195 : memref<125xi32, #tpu.memory_space<vmem>>) semaphore(%arg28 : memref<!tpu.dma_semaphore, #tpu.memory_space<semaphore_mem>>) {add = true}
        } else {
        }
        %scan3A_192 = arith.constant 0 : i32
        scf.yield %scan3A_192 : i32
      }
      %scan3A_51 = arith.constant 40 : i32
      %dma_wait3A = arith.constant 156 : i32
      %dma_wait3A_52 = arith.constant 0 : i32
      %dma_wait3A_53 = tpu.memref_slice %arg12[%dma_wait3A, %dma_wait3A_52] : memref<160x125xi32, #tpu.memory_space<vmem>> -> memref<1x125xi32, #tpu.memory_space<vmem>>
      %dma_wait3A_54 = tpu.memref_squeeze %dma_wait3A_53 : memref<1x125xi32, #tpu.memory_space<vmem>> -> memref<125xi32, #tpu.memory_space<vmem>>
      %dma_wait3A_55 = arith.constant 0 : i32
      %dma_wait3A_56 = arith.constant 0 : i32
      %dma_wait3A_57 = tpu.memref_slice %arg17[%dma_wait3A_55, %dma_wait3A_56] : memref<10240x64xf32, #tpu.memory_space<vmem_shared>> -> memref<10240x64xf32, #tpu.memory_space<vmem_shared>>
      tpu.wait_indirect_dma semaphore(%arg22 : memref<!tpu.dma_semaphore, #tpu.memory_space<semaphore_mem>>) src(%arg13 : memref<125x64xf32, #tpu.memory_space<vmem>>) dst(%dma_wait3A_57 : memref<10240x64xf32, #tpu.memory_space<vmem_shared>>)
      %dma_wait3A_58 = arith.constant 157 : i32
      %dma_wait3A_59 = arith.constant 0 : i32
      %dma_wait3A_60 = tpu.memref_slice %arg12[%dma_wait3A_58, %dma_wait3A_59] : memref<160x125xi32, #tpu.memory_space<vmem>> -> memref<1x125xi32, #tpu.memory_space<vmem>>
      %dma_wait3A_61 = tpu.memref_squeeze %dma_wait3A_60 : memref<1x125xi32, #tpu.memory_space<vmem>> -> memref<125xi32, #tpu.memory_space<vmem>>
      %dma_wait3A_62 = arith.constant 0 : i32
      %dma_wait3A_63 = arith.constant 0 : i32
      %dma_wait3A_64 = tpu.memref_slice %arg17[%dma_wait3A_62, %dma_wait3A_63] : memref<10240x64xf32, #tpu.memory_space<vmem_shared>> -> memref<10240x64xf32, #tpu.memory_space<vmem_shared>>
      tpu.wait_indirect_dma semaphore(%arg23 : memref<!tpu.dma_semaphore, #tpu.memory_space<semaphore_mem>>) src(%arg14 : memref<125x64xf32, #tpu.memory_space<vmem>>) dst(%dma_wait3A_64 : memref<10240x64xf32, #tpu.memory_space<vmem_shared>>)
      %dma_wait3A_65 = arith.constant 158 : i32
      %dma_wait3A_66 = arith.constant 0 : i32
      %dma_wait3A_67 = tpu.memref_slice %arg12[%dma_wait3A_65, %dma_wait3A_66] : memref<160x125xi32, #tpu.memory_space<vmem>> -> memref<1x125xi32, #tpu.memory_space<vmem>>
      %dma_wait3A_68 = tpu.memref_squeeze %dma_wait3A_67 : memref<1x125xi32, #tpu.memory_space<vmem>> -> memref<125xi32, #tpu.memory_space<vmem>>
      %dma_wait3A_69 = arith.constant 0 : i32
      %dma_wait3A_70 = arith.constant 0 : i32
      %dma_wait3A_71 = tpu.memref_slice %arg17[%dma_wait3A_69, %dma_wait3A_70] : memref<10240x64xf32, #tpu.memory_space<vmem_shared>> -> memref<10240x64xf32, #tpu.memory_space<vmem_shared>>
      tpu.wait_indirect_dma semaphore(%arg24 : memref<!tpu.dma_semaphore, #tpu.memory_space<semaphore_mem>>) src(%arg15 : memref<125x64xf32, #tpu.memory_space<vmem>>) dst(%dma_wait3A_71 : memref<10240x64xf32, #tpu.memory_space<vmem_shared>>)
      %dma_wait3A_72 = arith.constant 159 : i32
      %dma_wait3A_73 = arith.constant 0 : i32
      %dma_wait3A_74 = tpu.memref_slice %arg12[%dma_wait3A_72, %dma_wait3A_73] : memref<160x125xi32, #tpu.memory_space<vmem>> -> memref<1x125xi32, #tpu.memory_space<vmem>>
      %dma_wait3A_75 = tpu.memref_squeeze %dma_wait3A_74 : memref<1x125xi32, #tpu.memory_space<vmem>> -> memref<125xi32, #tpu.memory_space<vmem>>
      %dma_wait3A_76 = arith.constant 0 : i32
      %dma_wait3A_77 = arith.constant 0 : i32
      %dma_wait3A_78 = tpu.memref_slice %arg17[%dma_wait3A_76, %dma_wait3A_77] : memref<10240x64xf32, #tpu.memory_space<vmem_shared>> -> memref<10240x64xf32, #tpu.memory_space<vmem_shared>>
      tpu.wait_indirect_dma semaphore(%arg25 : memref<!tpu.dma_semaphore, #tpu.memory_space<semaphore_mem>>) src(%arg16 : memref<125x64xf32, #tpu.memory_space<vmem>>) dst(%dma_wait3A_78 : memref<10240x64xf32, #tpu.memory_space<vmem_shared>>)
    } else {
    }
    %eq3A_9 = arith.constant 1 : i32
    %eq3A_10 = arith.cmpi eq, %arg0, %eq3A_9 : i32
    %convert_element_type3A_11 = arith.extui %eq3A_10 : i1 to i32
    %cond3A_12 = arith.constant 0 : i32
    %cond3A_13 = arith.cmpi ne, %convert_element_type3A_11, %cond3A_12 : i32
    scf.if %cond3A_13 {
      %dma_start3A = arith.constant 0 : i32
      %dma_start3A_32 = arith.constant 0 : i32
      %dma_start3A_33 = tpu.memref_slice %arg11[%dma_start3A, %dma_start3A_32] : memref<160x125xi32, #tpu.memory_space<vmem>> -> memref<1x125xi32, #tpu.memory_space<vmem>>
      %dma_start3A_34 = tpu.memref_squeeze %dma_start3A_33 : memref<1x125xi32, #tpu.memory_space<vmem>> -> memref<125xi32, #tpu.memory_space<vmem>>
      %dma_start3A_35 = arith.constant 0 : i32
      %dma_start3A_36 = arith.constant 0 : i32
      %dma_start3A_37 = tpu.memref_slice %arg3[%dma_start3A_35, %dma_start3A_36] : memref<10000x64xf32, #tpu.memory_space<hbm>> -> memref<10000x64xf32, #tpu.memory_space<hbm>>
      tpu.enqueue_indirect_dma source(%dma_start3A_37 : memref<10000x64xf32, #tpu.memory_space<hbm>>) target(%arg13 : memref<125x64xf32, #tpu.memory_space<vmem>>) offsets(%dma_start3A_34 : memref<125xi32, #tpu.memory_space<vmem>>) semaphore(%arg18 : memref<!tpu.dma_semaphore, #tpu.memory_space<semaphore_mem>>)
      %dma_start3A_38 = arith.constant 1 : i32
      %dma_start3A_39 = arith.constant 0 : i32
      %dma_start3A_40 = tpu.memref_slice %arg11[%dma_start3A_38, %dma_start3A_39] : memref<160x125xi32, #tpu.memory_space<vmem>> -> memref<1x125xi32, #tpu.memory_space<vmem>>
      %dma_start3A_41 = tpu.memref_squeeze %dma_start3A_40 : memref<1x125xi32, #tpu.memory_space<vmem>> -> memref<125xi32, #tpu.memory_space<vmem>>
      %dma_start3A_42 = arith.constant 0 : i32
      %dma_start3A_43 = arith.constant 0 : i32
      %dma_start3A_44 = tpu.memref_slice %arg3[%dma_start3A_42, %dma_start3A_43] : memref<10000x64xf32, #tpu.memory_space<hbm>> -> memref<10000x64xf32, #tpu.memory_space<hbm>>
      tpu.enqueue_indirect_dma source(%dma_start3A_44 : memref<10000x64xf32, #tpu.memory_space<hbm>>) target(%arg14 : memref<125x64xf32, #tpu.memory_space<vmem>>) offsets(%dma_start3A_41 : memref<125xi32, #tpu.memory_space<vmem>>) semaphore(%arg19 : memref<!tpu.dma_semaphore, #tpu.memory_space<semaphore_mem>>)
      %scan3A_45 = arith.constant 0 : i32
      %scan3A_46 = arith.constant 0 : i32
      %scan3A_47 = arith.constant 40 : i32
      %scan3A_48 = arith.addi %scan3A_46, %scan3A_47 : i32
      %scan3A_49 = arith.constant 1 : i32
      %scan3A_50 = scf.for %scan3A_79 = %scan3A_46 to %scan3A_48 step %scan3A_49 iter_args(%scan3A_80 = %scan3A_45) -> (i32)  : i32 {
        %mul3A_81 = arith.constant 4 : i32
        %mul3A_82 = arith.muli %scan3A_79, %mul3A_81 : i32
        %add3A = arith.constant 0 : i32
        %add3A_83 = arith.addi %mul3A_82, %add3A : i32
        %add3A_84 = arith.constant 2 : i32
        %add3A_85 = arith.addi %add3A_83, %add3A_84 : i32
        %lt3A_86 = arith.constant 160 : i32
        %lt3A_87 = arith.cmpi slt, %add3A_85, %lt3A_86 : i32
        %convert_element_type3A_88 = arith.extui %lt3A_87 : i1 to i32
        %cond3A_89 = arith.constant 0 : i32
        %cond3A_90 = arith.cmpi ne, %convert_element_type3A_88, %cond3A_89 : i32
        scf.if %cond3A_90 {
          %ge3A_192 = arith.constant 4 : i32
          %ge3A_193 = arith.cmpi sge, %add3A_85, %ge3A_192 : i32
          %convert_element_type3A_194 = arith.extui %ge3A_193 : i1 to i32
          %cond3A_195 = arith.constant 0 : i32
          %cond3A_196 = arith.cmpi ne, %convert_element_type3A_194, %cond3A_195 : i32
          scf.if %cond3A_196 {
            %sub3A = arith.constant 4 : i32
            %sub3A_203 = arith.subi %add3A_85, %sub3A : i32
            %dma_wait3A_204 = arith.constant 0 : i32
            %dma_wait3A_205 = tpu.memref_slice %arg12[%sub3A_203, %dma_wait3A_204] : memref<160x125xi32, #tpu.memory_space<vmem>> -> memref<1x125xi32, #tpu.memory_space<vmem>>
            %dma_wait3A_206 = tpu.memref_squeeze %dma_wait3A_205 : memref<1x125xi32, #tpu.memory_space<vmem>> -> memref<125xi32, #tpu.memory_space<vmem>>
            %dma_wait3A_207 = arith.constant 0 : i32
            %dma_wait3A_208 = arith.constant 0 : i32
            %dma_wait3A_209 = tpu.memref_slice %arg17[%dma_wait3A_207, %dma_wait3A_208] : memref<10240x64xf32, #tpu.memory_space<vmem_shared>> -> memref<10240x64xf32, #tpu.memory_space<vmem_shared>>
            tpu.wait_indirect_dma semaphore(%arg24 : memref<!tpu.dma_semaphore, #tpu.memory_space<semaphore_mem>>) src(%arg15 : memref<125x64xf32, #tpu.memory_space<vmem>>) dst(%dma_wait3A_209 : memref<10240x64xf32, #tpu.memory_space<vmem_shared>>)
          } else {
          }
          %dma_start3A_197 = arith.constant 0 : i32
          %dma_start3A_198 = tpu.memref_slice %arg11[%add3A_85, %dma_start3A_197] : memref<160x125xi32, #tpu.memory_space<vmem>> -> memref<1x125xi32, #tpu.memory_space<vmem>>
          %dma_start3A_199 = tpu.memref_squeeze %dma_start3A_198 : memref<1x125xi32, #tpu.memory_space<vmem>> -> memref<125xi32, #tpu.memory_space<vmem>>
          %dma_start3A_200 = arith.constant 0 : i32
          %dma_start3A_201 = arith.constant 0 : i32
          %dma_start3A_202 = tpu.memref_slice %arg3[%dma_start3A_200, %dma_start3A_201] : memref<10000x64xf32, #tpu.memory_space<hbm>> -> memref<10000x64xf32, #tpu.memory_space<hbm>>
          tpu.enqueue_indirect_dma source(%dma_start3A_202 : memref<10000x64xf32, #tpu.memory_space<hbm>>) target(%arg15 : memref<125x64xf32, #tpu.memory_space<vmem>>) offsets(%dma_start3A_199 : memref<125xi32, #tpu.memory_space<vmem>>) semaphore(%arg20 : memref<!tpu.dma_semaphore, #tpu.memory_space<semaphore_mem>>)
        } else {
        }
        %dma_wait3A_91 = arith.constant 0 : i32
        %dma_wait3A_92 = tpu.memref_slice %arg11[%add3A_83, %dma_wait3A_91] : memref<160x125xi32, #tpu.memory_space<vmem>> -> memref<1x125xi32, #tpu.memory_space<vmem>>
        %dma_wait3A_93 = tpu.memref_squeeze %dma_wait3A_92 : memref<1x125xi32, #tpu.memory_space<vmem>> -> memref<125xi32, #tpu.memory_space<vmem>>
        %dma_wait3A_94 = arith.constant 0 : i32
        %dma_wait3A_95 = arith.constant 0 : i32
        %dma_wait3A_96 = tpu.memref_slice %arg3[%dma_wait3A_94, %dma_wait3A_95] : memref<10000x64xf32, #tpu.memory_space<hbm>> -> memref<10000x64xf32, #tpu.memory_space<hbm>>
        tpu.wait_indirect_dma semaphore(%arg18 : memref<!tpu.dma_semaphore, #tpu.memory_space<semaphore_mem>>) src(%dma_wait3A_96 : memref<10000x64xf32, #tpu.memory_space<hbm>>) dst(%arg13 : memref<125x64xf32, #tpu.memory_space<vmem>>)
        %dma_start3A_97 = arith.constant 0 : i32
        %dma_start3A_98 = tpu.memref_slice %arg12[%add3A_83, %dma_start3A_97] : memref<160x125xi32, #tpu.memory_space<vmem>> -> memref<1x125xi32, #tpu.memory_space<vmem>>
        %dma_start3A_99 = tpu.memref_squeeze %dma_start3A_98 : memref<1x125xi32, #tpu.memory_space<vmem>> -> memref<125xi32, #tpu.memory_space<vmem>>
        %dma_start3A_100 = arith.constant 0 : i32
        %dma_start3A_101 = arith.constant 0 : i32
        %dma_start3A_102 = tpu.memref_slice %arg17[%dma_start3A_100, %dma_start3A_101] : memref<10240x64xf32, #tpu.memory_space<vmem_shared>> -> memref<10240x64xf32, #tpu.memory_space<vmem_shared>>
        tpu.enqueue_indirect_dma source(%arg13 : memref<125x64xf32, #tpu.memory_space<vmem>>) target(%dma_start3A_102 : memref<10240x64xf32, #tpu.memory_space<vmem_shared>>) offsets(%dma_start3A_99 : memref<125xi32, #tpu.memory_space<vmem>>) semaphore(%arg22 : memref<!tpu.dma_semaphore, #tpu.memory_space<semaphore_mem>>) {add = true}
        %ge3A = arith.constant 80 : i32
        %ge3A_103 = arith.cmpi sge, %add3A_83, %ge3A : i32
        %convert_element_type3A_104 = arith.extui %ge3A_103 : i1 to i32
        %cond3A_105 = arith.constant 0 : i32
        %cond3A_106 = arith.cmpi ne, %convert_element_type3A_104, %cond3A_105 : i32
        scf.if %cond3A_106 {
          %dma_start3A_192 = arith.constant 0 : i32
          %dma_start3A_193 = tpu.memref_slice %arg12[%add3A_83, %dma_start3A_192] : memref<160x125xi32, #tpu.memory_space<vmem>> -> memref<1x125xi32, #tpu.memory_space<vmem>>
          %dma_start3A_194 = tpu.memref_squeeze %dma_start3A_193 : memref<1x125xi32, #tpu.memory_space<vmem>> -> memref<125xi32, #tpu.memory_space<vmem>>
          %dma_start3A_195 = arith.constant 0 : i32
          %dma_start3A_196 = arith.constant 0 : i32
          %dma_start3A_197 = tpu.memref_slice %arg27[%dma_start3A_195, %dma_start3A_196] : memref<10240x16xf32, #tpu.memory_space<vmem_shared>> -> memref<10240x16xf32, #tpu.memory_space<vmem_shared>>
          tpu.enqueue_indirect_dma source(%arg26 : memref<125x16xf32, #tpu.memory_space<vmem>>) target(%dma_start3A_197 : memref<10240x16xf32, #tpu.memory_space<vmem_shared>>) offsets(%dma_start3A_194 : memref<125xi32, #tpu.memory_space<vmem>>) semaphore(%arg28 : memref<!tpu.dma_semaphore, #tpu.memory_space<semaphore_mem>>) {add = true}
        } else {
        }
        %mul3A_107 = arith.constant 4 : i32
        %mul3A_108 = arith.muli %scan3A_79, %mul3A_107 : i32
        %add3A_109 = arith.constant 1 : i32
        %add3A_110 = arith.addi %mul3A_108, %add3A_109 : i32
        %add3A_111 = arith.constant 2 : i32
        %add3A_112 = arith.addi %add3A_110, %add3A_111 : i32
        %lt3A_113 = arith.constant 160 : i32
        %lt3A_114 = arith.cmpi slt, %add3A_112, %lt3A_113 : i32
        %convert_element_type3A_115 = arith.extui %lt3A_114 : i1 to i32
        %cond3A_116 = arith.constant 0 : i32
        %cond3A_117 = arith.cmpi ne, %convert_element_type3A_115, %cond3A_116 : i32
        scf.if %cond3A_117 {
          %ge3A_192 = arith.constant 4 : i32
          %ge3A_193 = arith.cmpi sge, %add3A_112, %ge3A_192 : i32
          %convert_element_type3A_194 = arith.extui %ge3A_193 : i1 to i32
          %cond3A_195 = arith.constant 0 : i32
          %cond3A_196 = arith.cmpi ne, %convert_element_type3A_194, %cond3A_195 : i32
          scf.if %cond3A_196 {
            %sub3A = arith.constant 4 : i32
            %sub3A_203 = arith.subi %add3A_112, %sub3A : i32
            %dma_wait3A_204 = arith.constant 0 : i32
            %dma_wait3A_205 = tpu.memref_slice %arg12[%sub3A_203, %dma_wait3A_204] : memref<160x125xi32, #tpu.memory_space<vmem>> -> memref<1x125xi32, #tpu.memory_space<vmem>>
            %dma_wait3A_206 = tpu.memref_squeeze %dma_wait3A_205 : memref<1x125xi32, #tpu.memory_space<vmem>> -> memref<125xi32, #tpu.memory_space<vmem>>
            %dma_wait3A_207 = arith.constant 0 : i32
            %dma_wait3A_208 = arith.constant 0 : i32
            %dma_wait3A_209 = tpu.memref_slice %arg17[%dma_wait3A_207, %dma_wait3A_208] : memref<10240x64xf32, #tpu.memory_space<vmem_shared>> -> memref<10240x64xf32, #tpu.memory_space<vmem_shared>>
            tpu.wait_indirect_dma semaphore(%arg25 : memref<!tpu.dma_semaphore, #tpu.memory_space<semaphore_mem>>) src(%arg16 : memref<125x64xf32, #tpu.memory_space<vmem>>) dst(%dma_wait3A_209 : memref<10240x64xf32, #tpu.memory_space<vmem_shared>>)
          } else {
          }
          %dma_start3A_197 = arith.constant 0 : i32
          %dma_start3A_198 = tpu.memref_slice %arg11[%add3A_112, %dma_start3A_197] : memref<160x125xi32, #tpu.memory_space<vmem>> -> memref<1x125xi32, #tpu.memory_space<vmem>>
          %dma_start3A_199 = tpu.memref_squeeze %dma_start3A_198 : memref<1x125xi32, #tpu.memory_space<vmem>> -> memref<125xi32, #tpu.memory_space<vmem>>
          %dma_start3A_200 = arith.constant 0 : i32
          %dma_start3A_201 = arith.constant 0 : i32
          %dma_start3A_202 = tpu.memref_slice %arg3[%dma_start3A_200, %dma_start3A_201] : memref<10000x64xf32, #tpu.memory_space<hbm>> -> memref<10000x64xf32, #tpu.memory_space<hbm>>
          tpu.enqueue_indirect_dma source(%dma_start3A_202 : memref<10000x64xf32, #tpu.memory_space<hbm>>) target(%arg16 : memref<125x64xf32, #tpu.memory_space<vmem>>) offsets(%dma_start3A_199 : memref<125xi32, #tpu.memory_space<vmem>>) semaphore(%arg21 : memref<!tpu.dma_semaphore, #tpu.memory_space<semaphore_mem>>)
        } else {
        }
        %dma_wait3A_118 = arith.constant 0 : i32
        %dma_wait3A_119 = tpu.memref_slice %arg11[%add3A_110, %dma_wait3A_118] : memref<160x125xi32, #tpu.memory_space<vmem>> -> memref<1x125xi32, #tpu.memory_space<vmem>>
        %dma_wait3A_120 = tpu.memref_squeeze %dma_wait3A_119 : memref<1x125xi32, #tpu.memory_space<vmem>> -> memref<125xi32, #tpu.memory_space<vmem>>
        %dma_wait3A_121 = arith.constant 0 : i32
        %dma_wait3A_122 = arith.constant 0 : i32
        %dma_wait3A_123 = tpu.memref_slice %arg3[%dma_wait3A_121, %dma_wait3A_122] : memref<10000x64xf32, #tpu.memory_space<hbm>> -> memref<10000x64xf32, #tpu.memory_space<hbm>>
        tpu.wait_indirect_dma semaphore(%arg19 : memref<!tpu.dma_semaphore, #tpu.memory_space<semaphore_mem>>) src(%dma_wait3A_123 : memref<10000x64xf32, #tpu.memory_space<hbm>>) dst(%arg14 : memref<125x64xf32, #tpu.memory_space<vmem>>)
        %dma_start3A_124 = arith.constant 0 : i32
        %dma_start3A_125 = tpu.memref_slice %arg12[%add3A_110, %dma_start3A_124] : memref<160x125xi32, #tpu.memory_space<vmem>> -> memref<1x125xi32, #tpu.memory_space<vmem>>
        %dma_start3A_126 = tpu.memref_squeeze %dma_start3A_125 : memref<1x125xi32, #tpu.memory_space<vmem>> -> memref<125xi32, #tpu.memory_space<vmem>>
        %dma_start3A_127 = arith.constant 0 : i32
        %dma_start3A_128 = arith.constant 0 : i32
        %dma_start3A_129 = tpu.memref_slice %arg17[%dma_start3A_127, %dma_start3A_128] : memref<10240x64xf32, #tpu.memory_space<vmem_shared>> -> memref<10240x64xf32, #tpu.memory_space<vmem_shared>>
        tpu.enqueue_indirect_dma source(%arg14 : memref<125x64xf32, #tpu.memory_space<vmem>>) target(%dma_start3A_129 : memref<10240x64xf32, #tpu.memory_space<vmem_shared>>) offsets(%dma_start3A_126 : memref<125xi32, #tpu.memory_space<vmem>>) semaphore(%arg23 : memref<!tpu.dma_semaphore, #tpu.memory_space<semaphore_mem>>) {add = true}
        %ge3A_130 = arith.constant 80 : i32
        %ge3A_131 = arith.cmpi sge, %add3A_110, %ge3A_130 : i32
        %convert_element_type3A_132 = arith.extui %ge3A_131 : i1 to i32
        %cond3A_133 = arith.constant 0 : i32
        %cond3A_134 = arith.cmpi ne, %convert_element_type3A_132, %cond3A_133 : i32
        scf.if %cond3A_134 {
          %dma_start3A_192 = arith.constant 0 : i32
          %dma_start3A_193 = tpu.memref_slice %arg12[%add3A_110, %dma_start3A_192] : memref<160x125xi32, #tpu.memory_space<vmem>> -> memref<1x125xi32, #tpu.memory_space<vmem>>
          %dma_start3A_194 = tpu.memref_squeeze %dma_start3A_193 : memref<1x125xi32, #tpu.memory_space<vmem>> -> memref<125xi32, #tpu.memory_space<vmem>>
          %dma_start3A_195 = arith.constant 0 : i32
          %dma_start3A_196 = arith.constant 0 : i32
          %dma_start3A_197 = tpu.memref_slice %arg27[%dma_start3A_195, %dma_start3A_196] : memref<10240x16xf32, #tpu.memory_space<vmem_shared>> -> memref<10240x16xf32, #tpu.memory_space<vmem_shared>>
          tpu.enqueue_indirect_dma source(%arg26 : memref<125x16xf32, #tpu.memory_space<vmem>>) target(%dma_start3A_197 : memref<10240x16xf32, #tpu.memory_space<vmem_shared>>) offsets(%dma_start3A_194 : memref<125xi32, #tpu.memory_space<vmem>>) semaphore(%arg28 : memref<!tpu.dma_semaphore, #tpu.memory_space<semaphore_mem>>) {add = true}
        } else {
        }
        %mul3A_135 = arith.constant 4 : i32
        %mul3A_136 = arith.muli %scan3A_79, %mul3A_135 : i32
        %add3A_137 = arith.constant 2 : i32
        %add3A_138 = arith.addi %mul3A_136, %add3A_137 : i32
        %add3A_139 = arith.constant 2 : i32
        %add3A_140 = arith.addi %add3A_138, %add3A_139 : i32
        %lt3A_141 = arith.constant 160 : i32
        %lt3A_142 = arith.cmpi slt, %add3A_140, %lt3A_141 : i32
        %convert_element_type3A_143 = arith.extui %lt3A_142 : i1 to i32
        %cond3A_144 = arith.constant 0 : i32
        %cond3A_145 = arith.cmpi ne, %convert_element_type3A_143, %cond3A_144 : i32
        scf.if %cond3A_145 {
          %ge3A_192 = arith.constant 4 : i32
          %ge3A_193 = arith.cmpi sge, %add3A_140, %ge3A_192 : i32
          %convert_element_type3A_194 = arith.extui %ge3A_193 : i1 to i32
          %cond3A_195 = arith.constant 0 : i32
          %cond3A_196 = arith.cmpi ne, %convert_element_type3A_194, %cond3A_195 : i32
          scf.if %cond3A_196 {
            %sub3A = arith.constant 4 : i32
            %sub3A_203 = arith.subi %add3A_140, %sub3A : i32
            %dma_wait3A_204 = arith.constant 0 : i32
            %dma_wait3A_205 = tpu.memref_slice %arg12[%sub3A_203, %dma_wait3A_204] : memref<160x125xi32, #tpu.memory_space<vmem>> -> memref<1x125xi32, #tpu.memory_space<vmem>>
            %dma_wait3A_206 = tpu.memref_squeeze %dma_wait3A_205 : memref<1x125xi32, #tpu.memory_space<vmem>> -> memref<125xi32, #tpu.memory_space<vmem>>
            %dma_wait3A_207 = arith.constant 0 : i32
            %dma_wait3A_208 = arith.constant 0 : i32
            %dma_wait3A_209 = tpu.memref_slice %arg17[%dma_wait3A_207, %dma_wait3A_208] : memref<10240x64xf32, #tpu.memory_space<vmem_shared>> -> memref<10240x64xf32, #tpu.memory_space<vmem_shared>>
            tpu.wait_indirect_dma semaphore(%arg22 : memref<!tpu.dma_semaphore, #tpu.memory_space<semaphore_mem>>) src(%arg13 : memref<125x64xf32, #tpu.memory_space<vmem>>) dst(%dma_wait3A_209 : memref<10240x64xf32, #tpu.memory_space<vmem_shared>>)
          } else {
          }
          %dma_start3A_197 = arith.constant 0 : i32
          %dma_start3A_198 = tpu.memref_slice %arg11[%add3A_140, %dma_start3A_197] : memref<160x125xi32, #tpu.memory_space<vmem>> -> memref<1x125xi32, #tpu.memory_space<vmem>>
          %dma_start3A_199 = tpu.memref_squeeze %dma_start3A_198 : memref<1x125xi32, #tpu.memory_space<vmem>> -> memref<125xi32, #tpu.memory_space<vmem>>
          %dma_start3A_200 = arith.constant 0 : i32
          %dma_start3A_201 = arith.constant 0 : i32
          %dma_start3A_202 = tpu.memref_slice %arg3[%dma_start3A_200, %dma_start3A_201] : memref<10000x64xf32, #tpu.memory_space<hbm>> -> memref<10000x64xf32, #tpu.memory_space<hbm>>
          tpu.enqueue_indirect_dma source(%dma_start3A_202 : memref<10000x64xf32, #tpu.memory_space<hbm>>) target(%arg13 : memref<125x64xf32, #tpu.memory_space<vmem>>) offsets(%dma_start3A_199 : memref<125xi32, #tpu.memory_space<vmem>>) semaphore(%arg18 : memref<!tpu.dma_semaphore, #tpu.memory_space<semaphore_mem>>)
        } else {
        }
        %dma_wait3A_146 = arith.constant 0 : i32
        %dma_wait3A_147 = tpu.memref_slice %arg11[%add3A_138, %dma_wait3A_146] : memref<160x125xi32, #tpu.memory_space<vmem>> -> memref<1x125xi32, #tpu.memory_space<vmem>>
        %dma_wait3A_148 = tpu.memref_squeeze %dma_wait3A_147 : memref<1x125xi32, #tpu.memory_space<vmem>> -> memref<125xi32, #tpu.memory_space<vmem>>
        %dma_wait3A_149 = arith.constant 0 : i32
        %dma_wait3A_150 = arith.constant 0 : i32
        %dma_wait3A_151 = tpu.memref_slice %arg3[%dma_wait3A_149, %dma_wait3A_150] : memref<10000x64xf32, #tpu.memory_space<hbm>> -> memref<10000x64xf32, #tpu.memory_space<hbm>>
        tpu.wait_indirect_dma semaphore(%arg20 : memref<!tpu.dma_semaphore, #tpu.memory_space<semaphore_mem>>) src(%dma_wait3A_151 : memref<10000x64xf32, #tpu.memory_space<hbm>>) dst(%arg15 : memref<125x64xf32, #tpu.memory_space<vmem>>)
        %dma_start3A_152 = arith.constant 0 : i32
        %dma_start3A_153 = tpu.memref_slice %arg12[%add3A_138, %dma_start3A_152] : memref<160x125xi32, #tpu.memory_space<vmem>> -> memref<1x125xi32, #tpu.memory_space<vmem>>
        %dma_start3A_154 = tpu.memref_squeeze %dma_start3A_153 : memref<1x125xi32, #tpu.memory_space<vmem>> -> memref<125xi32, #tpu.memory_space<vmem>>
        %dma_start3A_155 = arith.constant 0 : i32
        %dma_start3A_156 = arith.constant 0 : i32
        %dma_start3A_157 = tpu.memref_slice %arg17[%dma_start3A_155, %dma_start3A_156] : memref<10240x64xf32, #tpu.memory_space<vmem_shared>> -> memref<10240x64xf32, #tpu.memory_space<vmem_shared>>
        tpu.enqueue_indirect_dma source(%arg15 : memref<125x64xf32, #tpu.memory_space<vmem>>) target(%dma_start3A_157 : memref<10240x64xf32, #tpu.memory_space<vmem_shared>>) offsets(%dma_start3A_154 : memref<125xi32, #tpu.memory_space<vmem>>) semaphore(%arg24 : memref<!tpu.dma_semaphore, #tpu.memory_space<semaphore_mem>>) {add = true}
        %ge3A_158 = arith.constant 80 : i32
        %ge3A_159 = arith.cmpi sge, %add3A_138, %ge3A_158 : i32
        %convert_element_type3A_160 = arith.extui %ge3A_159 : i1 to i32
        %cond3A_161 = arith.constant 0 : i32
        %cond3A_162 = arith.cmpi ne, %convert_element_type3A_160, %cond3A_161 : i32
        scf.if %cond3A_162 {
          %dma_start3A_192 = arith.constant 0 : i32
          %dma_start3A_193 = tpu.memref_slice %arg12[%add3A_138, %dma_start3A_192] : memref<160x125xi32, #tpu.memory_space<vmem>> -> memref<1x125xi32, #tpu.memory_space<vmem>>
          %dma_start3A_194 = tpu.memref_squeeze %dma_start3A_193 : memref<1x125xi32, #tpu.memory_space<vmem>> -> memref<125xi32, #tpu.memory_space<vmem>>
          %dma_start3A_195 = arith.constant 0 : i32
          %dma_start3A_196 = arith.constant 0 : i32
          %dma_start3A_197 = tpu.memref_slice %arg27[%dma_start3A_195, %dma_start3A_196] : memref<10240x16xf32, #tpu.memory_space<vmem_shared>> -> memref<10240x16xf32, #tpu.memory_space<vmem_shared>>
          tpu.enqueue_indirect_dma source(%arg26 : memref<125x16xf32, #tpu.memory_space<vmem>>) target(%dma_start3A_197 : memref<10240x16xf32, #tpu.memory_space<vmem_shared>>) offsets(%dma_start3A_194 : memref<125xi32, #tpu.memory_space<vmem>>) semaphore(%arg28 : memref<!tpu.dma_semaphore, #tpu.memory_space<semaphore_mem>>) {add = true}
        } else {
        }
        %mul3A_163 = arith.constant 4 : i32
        %mul3A_164 = arith.muli %scan3A_79, %mul3A_163 : i32
        %add3A_165 = arith.constant 3 : i32
        %add3A_166 = arith.addi %mul3A_164, %add3A_165 : i32
        %add3A_167 = arith.constant 2 : i32
        %add3A_168 = arith.addi %add3A_166, %add3A_167 : i32
        %lt3A_169 = arith.constant 160 : i32
        %lt3A_170 = arith.cmpi slt, %add3A_168, %lt3A_169 : i32
        %convert_element_type3A_171 = arith.extui %lt3A_170 : i1 to i32
        %cond3A_172 = arith.constant 0 : i32
        %cond3A_173 = arith.cmpi ne, %convert_element_type3A_171, %cond3A_172 : i32
        scf.if %cond3A_173 {
          %ge3A_192 = arith.constant 4 : i32
          %ge3A_193 = arith.cmpi sge, %add3A_168, %ge3A_192 : i32
          %convert_element_type3A_194 = arith.extui %ge3A_193 : i1 to i32
          %cond3A_195 = arith.constant 0 : i32
          %cond3A_196 = arith.cmpi ne, %convert_element_type3A_194, %cond3A_195 : i32
          scf.if %cond3A_196 {
            %sub3A = arith.constant 4 : i32
            %sub3A_203 = arith.subi %add3A_168, %sub3A : i32
            %dma_wait3A_204 = arith.constant 0 : i32
            %dma_wait3A_205 = tpu.memref_slice %arg12[%sub3A_203, %dma_wait3A_204] : memref<160x125xi32, #tpu.memory_space<vmem>> -> memref<1x125xi32, #tpu.memory_space<vmem>>
            %dma_wait3A_206 = tpu.memref_squeeze %dma_wait3A_205 : memref<1x125xi32, #tpu.memory_space<vmem>> -> memref<125xi32, #tpu.memory_space<vmem>>
            %dma_wait3A_207 = arith.constant 0 : i32
            %dma_wait3A_208 = arith.constant 0 : i32
            %dma_wait3A_209 = tpu.memref_slice %arg17[%dma_wait3A_207, %dma_wait3A_208] : memref<10240x64xf32, #tpu.memory_space<vmem_shared>> -> memref<10240x64xf32, #tpu.memory_space<vmem_shared>>
            tpu.wait_indirect_dma semaphore(%arg23 : memref<!tpu.dma_semaphore, #tpu.memory_space<semaphore_mem>>) src(%arg14 : memref<125x64xf32, #tpu.memory_space<vmem>>) dst(%dma_wait3A_209 : memref<10240x64xf32, #tpu.memory_space<vmem_shared>>)
          } else {
          }
          %dma_start3A_197 = arith.constant 0 : i32
          %dma_start3A_198 = tpu.memref_slice %arg11[%add3A_168, %dma_start3A_197] : memref<160x125xi32, #tpu.memory_space<vmem>> -> memref<1x125xi32, #tpu.memory_space<vmem>>
          %dma_start3A_199 = tpu.memref_squeeze %dma_start3A_198 : memref<1x125xi32, #tpu.memory_space<vmem>> -> memref<125xi32, #tpu.memory_space<vmem>>
          %dma_start3A_200 = arith.constant 0 : i32
          %dma_start3A_201 = arith.constant 0 : i32
          %dma_start3A_202 = tpu.memref_slice %arg3[%dma_start3A_200, %dma_start3A_201] : memref<10000x64xf32, #tpu.memory_space<hbm>> -> memref<10000x64xf32, #tpu.memory_space<hbm>>
          tpu.enqueue_indirect_dma source(%dma_start3A_202 : memref<10000x64xf32, #tpu.memory_space<hbm>>) target(%arg14 : memref<125x64xf32, #tpu.memory_space<vmem>>) offsets(%dma_start3A_199 : memref<125xi32, #tpu.memory_space<vmem>>) semaphore(%arg19 : memref<!tpu.dma_semaphore, #tpu.memory_space<semaphore_mem>>)
        } else {
        }
        %dma_wait3A_174 = arith.constant 0 : i32
        %dma_wait3A_175 = tpu.memref_slice %arg11[%add3A_166, %dma_wait3A_174] : memref<160x125xi32, #tpu.memory_space<vmem>> -> memref<1x125xi32, #tpu.memory_space<vmem>>
        %dma_wait3A_176 = tpu.memref_squeeze %dma_wait3A_175 : memref<1x125xi32, #tpu.memory_space<vmem>> -> memref<125xi32, #tpu.memory_space<vmem>>
        %dma_wait3A_177 = arith.constant 0 : i32
        %dma_wait3A_178 = arith.constant 0 : i32
        %dma_wait3A_179 = tpu.memref_slice %arg3[%dma_wait3A_177, %dma_wait3A_178] : memref<10000x64xf32, #tpu.memory_space<hbm>> -> memref<10000x64xf32, #tpu.memory_space<hbm>>
        tpu.wait_indirect_dma semaphore(%arg21 : memref<!tpu.dma_semaphore, #tpu.memory_space<semaphore_mem>>) src(%dma_wait3A_179 : memref<10000x64xf32, #tpu.memory_space<hbm>>) dst(%arg16 : memref<125x64xf32, #tpu.memory_space<vmem>>)
        %dma_start3A_180 = arith.constant 0 : i32
        %dma_start3A_181 = tpu.memref_slice %arg12[%add3A_166, %dma_start3A_180] : memref<160x125xi32, #tpu.memory_space<vmem>> -> memref<1x125xi32, #tpu.memory_space<vmem>>
        %dma_start3A_182 = tpu.memref_squeeze %dma_start3A_181 : memref<1x125xi32, #tpu.memory_space<vmem>> -> memref<125xi32, #tpu.memory_space<vmem>>
        %dma_start3A_183 = arith.constant 0 : i32
        %dma_start3A_184 = arith.constant 0 : i32
        %dma_start3A_185 = tpu.memref_slice %arg17[%dma_start3A_183, %dma_start3A_184] : memref<10240x64xf32, #tpu.memory_space<vmem_shared>> -> memref<10240x64xf32, #tpu.memory_space<vmem_shared>>
        tpu.enqueue_indirect_dma source(%arg16 : memref<125x64xf32, #tpu.memory_space<vmem>>) target(%dma_start3A_185 : memref<10240x64xf32, #tpu.memory_space<vmem_shared>>) offsets(%dma_start3A_182 : memref<125xi32, #tpu.memory_space<vmem>>) semaphore(%arg25 : memref<!tpu.dma_semaphore, #tpu.memory_space<semaphore_mem>>) {add = true}
        %ge3A_186 = arith.constant 80 : i32
        %ge3A_187 = arith.cmpi sge, %add3A_166, %ge3A_186 : i32
        %convert_element_type3A_188 = arith.extui %ge3A_187 : i1 to i32
        %cond3A_189 = arith.constant 0 : i32
        %cond3A_190 = arith.cmpi ne, %convert_element_type3A_188, %cond3A_189 : i32
        scf.if %cond3A_190 {
          %dma_start3A_192 = arith.constant 0 : i32
          %dma_start3A_193 = tpu.memref_slice %arg12[%add3A_166, %dma_start3A_192] : memref<160x125xi32, #tpu.memory_space<vmem>> -> memref<1x125xi32, #tpu.memory_space<vmem>>
          %dma_start3A_194 = tpu.memref_squeeze %dma_start3A_193 : memref<1x125xi32, #tpu.memory_space<vmem>> -> memref<125xi32, #tpu.memory_space<vmem>>
          %dma_start3A_195 = arith.constant 0 : i32
          %dma_start3A_196 = arith.constant 0 : i32
          %dma_start3A_197 = tpu.memref_slice %arg27[%dma_start3A_195, %dma_start3A_196] : memref<10240x16xf32, #tpu.memory_space<vmem_shared>> -> memref<10240x16xf32, #tpu.memory_space<vmem_shared>>
          tpu.enqueue_indirect_dma source(%arg26 : memref<125x16xf32, #tpu.memory_space<vmem>>) target(%dma_start3A_197 : memref<10240x16xf32, #tpu.memory_space<vmem_shared>>) offsets(%dma_start3A_194 : memref<125xi32, #tpu.memory_space<vmem>>) semaphore(%arg28 : memref<!tpu.dma_semaphore, #tpu.memory_space<semaphore_mem>>) {add = true}
        } else {
        }
        %scan3A_191 = arith.constant 0 : i32
        scf.yield %scan3A_191 : i32
      }
      %scan3A_51 = arith.constant 40 : i32
      %dma_wait3A = arith.constant 156 : i32
      %dma_wait3A_52 = arith.constant 0 : i32
      %dma_wait3A_53 = tpu.memref_slice %arg12[%dma_wait3A, %dma_wait3A_52] : memref<160x125xi32, #tpu.memory_space<vmem>> -> memref<1x125xi32, #tpu.memory_space<vmem>>
      %dma_wait3A_54 = tpu.memref_squeeze %dma_wait3A_53 : memref<1x125xi32, #tpu.memory_space<vmem>> -> memref<125xi32, #tpu.memory_space<vmem>>
      %dma_wait3A_55 = arith.constant 0 : i32
      %dma_wait3A_56 = arith.constant 0 : i32
      %dma_wait3A_57 = tpu.memref_slice %arg17[%dma_wait3A_55, %dma_wait3A_56] : memref<10240x64xf32, #tpu.memory_space<vmem_shared>> -> memref<10240x64xf32, #tpu.memory_space<vmem_shared>>
      tpu.wait_indirect_dma semaphore(%arg22 : memref<!tpu.dma_semaphore, #tpu.memory_space<semaphore_mem>>) src(%arg13 : memref<125x64xf32, #tpu.memory_space<vmem>>) dst(%dma_wait3A_57 : memref<10240x64xf32, #tpu.memory_space<vmem_shared>>)
      %dma_wait3A_58 = arith.constant 157 : i32
      %dma_wait3A_59 = arith.constant 0 : i32
      %dma_wait3A_60 = tpu.memref_slice %arg12[%dma_wait3A_58, %dma_wait3A_59] : memref<160x125xi32, #tpu.memory_space<vmem>> -> memref<1x125xi32, #tpu.memory_space<vmem>>
      %dma_wait3A_61 = tpu.memref_squeeze %dma_wait3A_60 : memref<1x125xi32, #tpu.memory_space<vmem>> -> memref<125xi32, #tpu.memory_space<vmem>>
      %dma_wait3A_62 = arith.constant 0 : i32
      %dma_wait3A_63 = arith.constant 0 : i32
      %dma_wait3A_64 = tpu.memref_slice %arg17[%dma_wait3A_62, %dma_wait3A_63] : memref<10240x64xf32, #tpu.memory_space<vmem_shared>> -> memref<10240x64xf32, #tpu.memory_space<vmem_shared>>
      tpu.wait_indirect_dma semaphore(%arg23 : memref<!tpu.dma_semaphore, #tpu.memory_space<semaphore_mem>>) src(%arg14 : memref<125x64xf32, #tpu.memory_space<vmem>>) dst(%dma_wait3A_64 : memref<10240x64xf32, #tpu.memory_space<vmem_shared>>)
      %dma_wait3A_65 = arith.constant 158 : i32
      %dma_wait3A_66 = arith.constant 0 : i32
      %dma_wait3A_67 = tpu.memref_slice %arg12[%dma_wait3A_65, %dma_wait3A_66] : memref<160x125xi32, #tpu.memory_space<vmem>> -> memref<1x125xi32, #tpu.memory_space<vmem>>
      %dma_wait3A_68 = tpu.memref_squeeze %dma_wait3A_67 : memref<1x125xi32, #tpu.memory_space<vmem>> -> memref<125xi32, #tpu.memory_space<vmem>>
      %dma_wait3A_69 = arith.constant 0 : i32
      %dma_wait3A_70 = arith.constant 0 : i32
      %dma_wait3A_71 = tpu.memref_slice %arg17[%dma_wait3A_69, %dma_wait3A_70] : memref<10240x64xf32, #tpu.memory_space<vmem_shared>> -> memref<10240x64xf32, #tpu.memory_space<vmem_shared>>
      tpu.wait_indirect_dma semaphore(%arg24 : memref<!tpu.dma_semaphore, #tpu.memory_space<semaphore_mem>>) src(%arg15 : memref<125x64xf32, #tpu.memory_space<vmem>>) dst(%dma_wait3A_71 : memref<10240x64xf32, #tpu.memory_space<vmem_shared>>)
      %dma_wait3A_72 = arith.constant 159 : i32
      %dma_wait3A_73 = arith.constant 0 : i32
      %dma_wait3A_74 = tpu.memref_slice %arg12[%dma_wait3A_72, %dma_wait3A_73] : memref<160x125xi32, #tpu.memory_space<vmem>> -> memref<1x125xi32, #tpu.memory_space<vmem>>
      %dma_wait3A_75 = tpu.memref_squeeze %dma_wait3A_74 : memref<1x125xi32, #tpu.memory_space<vmem>> -> memref<125xi32, #tpu.memory_space<vmem>>
      %dma_wait3A_76 = arith.constant 0 : i32
      %dma_wait3A_77 = arith.constant 0 : i32
      %dma_wait3A_78 = tpu.memref_slice %arg17[%dma_wait3A_76, %dma_wait3A_77] : memref<10240x64xf32, #tpu.memory_space<vmem_shared>> -> memref<10240x64xf32, #tpu.memory_space<vmem_shared>>
      tpu.wait_indirect_dma semaphore(%arg25 : memref<!tpu.dma_semaphore, #tpu.memory_space<semaphore_mem>>) src(%arg16 : memref<125x64xf32, #tpu.memory_space<vmem>>) dst(%dma_wait3A_78 : memref<10240x64xf32, #tpu.memory_space<vmem_shared>>)
    } else {
    }
    %mul3A_14 = arith.constant 80 : i32
    %mul3A_15 = arith.muli %arg0, %mul3A_14 : i32
    %scan3A = arith.constant 0 : i32
    %scan3A_16 = arith.constant 0 : i32
    %scan3A_17 = arith.constant 80 : i32
    %scan3A_18 = arith.addi %scan3A_16, %scan3A_17 : i32
    %scan3A_19 = arith.constant 1 : i32
    %scan3A_20 = scf.for %scan3A_32 = %scan3A_16 to %scan3A_18 step %scan3A_19 iter_args(%scan3A_33 = %scan3A) -> (i32)  : i32 {
      %add3A = arith.addi %mul3A_15, %scan3A_32 : i32
      %dma_wait3A = arith.constant 0 : i32
      %dma_wait3A_34 = tpu.memref_slice %arg12[%add3A, %dma_wait3A] : memref<160x125xi32, #tpu.memory_space<vmem>> -> memref<1x125xi32, #tpu.memory_space<vmem>>
      %dma_wait3A_35 = tpu.memref_squeeze %dma_wait3A_34 : memref<1x125xi32, #tpu.memory_space<vmem>> -> memref<125xi32, #tpu.memory_space<vmem>>
      %dma_wait3A_36 = arith.constant 0 : i32
      %dma_wait3A_37 = arith.constant 0 : i32
      %dma_wait3A_38 = tpu.memref_slice %arg27[%dma_wait3A_36, %dma_wait3A_37] : memref<10240x16xf32, #tpu.memory_space<vmem_shared>> -> memref<10240x16xf32, #tpu.memory_space<vmem_shared>>
      tpu.wait_indirect_dma semaphore(%arg28 : memref<!tpu.dma_semaphore, #tpu.memory_space<semaphore_mem>>) src(%arg26 : memref<125x16xf32, #tpu.memory_space<vmem>>) dst(%dma_wait3A_38 : memref<10240x16xf32, #tpu.memory_space<vmem_shared>>)
      %scan3A_39 = arith.constant 0 : i32
      scf.yield %scan3A_39 : i32
    }
    %scan3A_21 = arith.constant 80 : i32
    %barrier3A_22 = arith.constant 0 : index
    tpu.barrier barrier_id(%barrier3A_22)
    %lt3A = arith.constant 15 : i32
    %lt3A_23 = arith.cmpi slt, %arg1, %lt3A : i32
    %convert_element_type3A_24 = arith.extui %lt3A_23 : i1 to i32
    %cond3A_25 = arith.constant 0 : i32
    %cond3A_26 = arith.cmpi ne, %convert_element_type3A_24, %cond3A_25 : i32
    scf.if %cond3A_26 {
      %mul3A_32 = arith.constant 640 : i32
      %mul3A_33 = arith.muli %arg1, %mul3A_32 : i32
      %mul3A_34 = arith.constant 640 : i32
      %mul3A_35 = arith.muli %arg1, %mul3A_34 : i32
      "tpu.region"() ({
        %run_scoped3A = tpu.sem_alloc : memref<!tpu.dma_semaphore, #tpu.memory_space<semaphore_mem>>
        %dma_start3A = arith.constant 0 : i32
        %dma_start3A_40 = tpu.memref_slice %arg9[%arg0, %mul3A_35, %dma_start3A] : memref<2x10000x64xf32, #tpu.memory_space<hbm>> -> memref<1x640x64xf32, #tpu.memory_space<hbm>>
        %dma_start3A_41 = tpu.memref_squeeze %dma_start3A_40 : memref<1x640x64xf32, #tpu.memory_space<hbm>> -> memref<640x64xf32, #tpu.memory_space<hbm>>
        %dma_start3A_42 = arith.constant 0 : i32
        %dma_start3A_43 = tpu.memref_slice %arg17[%mul3A_33, %dma_start3A_42] : memref<10240x64xf32, #tpu.memory_space<vmem_shared>> -> memref<640x64xf32, #tpu.memory_space<vmem_shared>>
        tpu.enqueue_dma source(%dma_start3A_43 : memref<640x64xf32, #tpu.memory_space<vmem_shared>>) target(%dma_start3A_41 : memref<640x64xf32, #tpu.memory_space<hbm>>) target_semaphore(%run_scoped3A : memref<!tpu.dma_semaphore, #tpu.memory_space<semaphore_mem>>)
        %dma_wait3A = arith.constant 0 : i32
        %dma_wait3A_44 = tpu.memref_slice %arg9[%arg0, %mul3A_35, %dma_wait3A] : memref<2x10000x64xf32, #tpu.memory_space<hbm>> -> memref<1x640x64xf32, #tpu.memory_space<hbm>>
        %dma_wait3A_45 = tpu.memref_squeeze %dma_wait3A_44 : memref<1x640x64xf32, #tpu.memory_space<hbm>> -> memref<640x64xf32, #tpu.memory_space<hbm>>
        %dma_wait3A_46 = arith.constant 0 : i32
        %dma_wait3A_47 = tpu.memref_slice %arg17[%mul3A_33, %dma_wait3A_46] : memref<10240x64xf32, #tpu.memory_space<vmem_shared>> -> memref<640x64xf32, #tpu.memory_space<vmem_shared>>
        tpu.wait_dma2 semaphore(%run_scoped3A : memref<!tpu.dma_semaphore, #tpu.memory_space<semaphore_mem>>) src(%dma_wait3A_47 : memref<640x64xf32, #tpu.memory_space<vmem_shared>>) dst(%dma_wait3A_45 : memref<640x64xf32, #tpu.memory_space<hbm>>)
        tpu.yield
      }) : () -> ()
      %mul3A_36 = arith.constant 640 : i32
      %mul3A_37 = arith.muli %arg1, %mul3A_36 : i32
      %mul3A_38 = arith.constant 640 : i32
      %mul3A_39 = arith.muli %arg1, %mul3A_38 : i32
      "tpu.region"() ({
        %run_scoped3A = tpu.sem_alloc : memref<!tpu.dma_semaphore, #tpu.memory_space<semaphore_mem>>
        %dma_start3A = arith.constant 0 : i32
        %dma_start3A_40 = tpu.memref_slice %arg10[%arg0, %mul3A_39, %dma_start3A] : memref<2x10000x16xf32, #tpu.memory_space<hbm>> -> memref<1x640x16xf32, #tpu.memory_space<hbm>>
        %dma_start3A_41 = tpu.memref_squeeze %dma_start3A_40 : memref<1x640x16xf32, #tpu.memory_space<hbm>> -> memref<640x16xf32, #tpu.memory_space<hbm>>
        %dma_start3A_42 = arith.constant 0 : i32
        %dma_start3A_43 = tpu.memref_slice %arg27[%mul3A_37, %dma_start3A_42] : memref<10240x16xf32, #tpu.memory_space<vmem_shared>> -> memref<640x16xf32, #tpu.memory_space<vmem_shared>>
        tpu.enqueue_dma source(%dma_start3A_43 : memref<640x16xf32, #tpu.memory_space<vmem_shared>>) target(%dma_start3A_41 : memref<640x16xf32, #tpu.memory_space<hbm>>) target_semaphore(%run_scoped3A : memref<!tpu.dma_semaphore, #tpu.memory_space<semaphore_mem>>)
        %dma_wait3A = arith.constant 0 : i32
        %dma_wait3A_44 = tpu.memref_slice %arg10[%arg0, %mul3A_39, %dma_wait3A] : memref<2x10000x16xf32, #tpu.memory_space<hbm>> -> memref<1x640x16xf32, #tpu.memory_space<hbm>>
        %dma_wait3A_45 = tpu.memref_squeeze %dma_wait3A_44 : memref<1x640x16xf32, #tpu.memory_space<hbm>> -> memref<640x16xf32, #tpu.memory_space<hbm>>
        %dma_wait3A_46 = arith.constant 0 : i32
        %dma_wait3A_47 = tpu.memref_slice %arg27[%mul3A_37, %dma_wait3A_46] : memref<10240x16xf32, #tpu.memory_space<vmem_shared>> -> memref<640x16xf32, #tpu.memory_space<vmem_shared>>
        tpu.wait_dma2 semaphore(%run_scoped3A : memref<!tpu.dma_semaphore, #tpu.memory_space<semaphore_mem>>) src(%dma_wait3A_47 : memref<640x16xf32, #tpu.memory_space<vmem_shared>>) dst(%dma_wait3A_45 : memref<640x16xf32, #tpu.memory_space<hbm>>)
        tpu.yield
      }) : () -> ()
    } else {
    }
    %eq3A_27 = arith.constant 15 : i32
    %eq3A_28 = arith.cmpi eq, %arg1, %eq3A_27 : i32
    %convert_element_type3A_29 = arith.extui %eq3A_28 : i1 to i32
    %cond3A_30 = arith.constant 0 : i32
    %cond3A_31 = arith.cmpi ne, %convert_element_type3A_29, %cond3A_30 : i32
    scf.if %cond3A_31 {
      "tpu.region"() ({
        %run_scoped3A = tpu.sem_alloc : memref<!tpu.dma_semaphore, #tpu.memory_space<semaphore_mem>>
        %dma_start3A = arith.constant 9600 : i32
        %dma_start3A_32 = arith.constant 0 : i32
        %dma_start3A_33 = tpu.memref_slice %arg9[%arg0, %dma_start3A, %dma_start3A_32] : memref<2x10000x64xf32, #tpu.memory_space<hbm>> -> memref<1x400x64xf32, #tpu.memory_space<hbm>>
        %dma_start3A_34 = tpu.memref_squeeze %dma_start3A_33 : memref<1x400x64xf32, #tpu.memory_space<hbm>> -> memref<400x64xf32, #tpu.memory_space<hbm>>
        %dma_start3A_35 = arith.constant 9600 : i32
        %dma_start3A_36 = arith.constant 0 : i32
        %dma_start3A_37 = tpu.memref_slice %arg17[%dma_start3A_35, %dma_start3A_36] : memref<10240x64xf32, #tpu.memory_space<vmem_shared>> -> memref<400x64xf32, #tpu.memory_space<vmem_shared>>
        tpu.enqueue_dma source(%dma_start3A_37 : memref<400x64xf32, #tpu.memory_space<vmem_shared>>) target(%dma_start3A_34 : memref<400x64xf32, #tpu.memory_space<hbm>>) target_semaphore(%run_scoped3A : memref<!tpu.dma_semaphore, #tpu.memory_space<semaphore_mem>>)
        %dma_wait3A = arith.constant 9600 : i32
        %dma_wait3A_38 = arith.constant 0 : i32
        %dma_wait3A_39 = tpu.memref_slice %arg9[%arg0, %dma_wait3A, %dma_wait3A_38] : memref<2x10000x64xf32, #tpu.memory_space<hbm>> -> memref<1x400x64xf32, #tpu.memory_space<hbm>>
        %dma_wait3A_40 = tpu.memref_squeeze %dma_wait3A_39 : memref<1x400x64xf32, #tpu.memory_space<hbm>> -> memref<400x64xf32, #tpu.memory_space<hbm>>
        %dma_wait3A_41 = arith.constant 9600 : i32
        %dma_wait3A_42 = arith.constant 0 : i32
        %dma_wait3A_43 = tpu.memref_slice %arg17[%dma_wait3A_41, %dma_wait3A_42] : memref<10240x64xf32, #tpu.memory_space<vmem_shared>> -> memref<400x64xf32, #tpu.memory_space<vmem_shared>>
        tpu.wait_dma2 semaphore(%run_scoped3A : memref<!tpu.dma_semaphore, #tpu.memory_space<semaphore_mem>>) src(%dma_wait3A_43 : memref<400x64xf32, #tpu.memory_space<vmem_shared>>) dst(%dma_wait3A_40 : memref<400x64xf32, #tpu.memory_space<hbm>>)
        tpu.yield
      }) : () -> ()
      "tpu.region"() ({
        %run_scoped3A = tpu.sem_alloc : memref<!tpu.dma_semaphore, #tpu.memory_space<semaphore_mem>>
        %dma_start3A = arith.constant 9600 : i32
        %dma_start3A_32 = arith.constant 0 : i32
        %dma_start3A_33 = tpu.memref_slice %arg10[%arg0, %dma_start3A, %dma_start3A_32] : memref<2x10000x16xf32, #tpu.memory_space<hbm>> -> memref<1x400x16xf32, #tpu.memory_space<hbm>>
        %dma_start3A_34 = tpu.memref_squeeze %dma_start3A_33 : memref<1x400x16xf32, #tpu.memory_space<hbm>> -> memref<400x16xf32, #tpu.memory_space<hbm>>
        %dma_start3A_35 = arith.constant 9600 : i32
        %dma_start3A_36 = arith.constant 0 : i32
        %dma_start3A_37 = tpu.memref_slice %arg27[%dma_start3A_35, %dma_start3A_36] : memref<10240x16xf32, #tpu.memory_space<vmem_shared>> -> memref<400x16xf32, #tpu.memory_space<vmem_shared>>
        tpu.enqueue_dma source(%dma_start3A_37 : memref<400x16xf32, #tpu.memory_space<vmem_shared>>) target(%dma_start3A_34 : memref<400x16xf32, #tpu.memory_space<hbm>>) target_semaphore(%run_scoped3A : memref<!tpu.dma_semaphore, #tpu.memory_space<semaphore_mem>>)
        %dma_wait3A = arith.constant 9600 : i32
        %dma_wait3A_38 = arith.constant 0 : i32
        %dma_wait3A_39 = tpu.memref_slice %arg10[%arg0, %dma_wait3A, %dma_wait3A_38] : memref<2x10000x16xf32, #tpu.memory_space<hbm>> -> memref<1x400x16xf32, #tpu.memory_space<hbm>>
        %dma_wait3A_40 = tpu.memref_squeeze %dma_wait3A_39 : memref<1x400x16xf32, #tpu.memory_space<hbm>> -> memref<400x16xf32, #tpu.memory_space<hbm>>
        %dma_wait3A_41 = arith.constant 9600 : i32
        %dma_wait3A_42 = arith.constant 0 : i32
        %dma_wait3A_43 = tpu.memref_slice %arg27[%dma_wait3A_41, %dma_wait3A_42] : memref<10240x16xf32, #tpu.memory_space<vmem_shared>> -> memref<400x16xf32, #tpu.memory_space<vmem_shared>>
        tpu.wait_dma2 semaphore(%run_scoped3A : memref<!tpu.dma_semaphore, #tpu.memory_space<semaphore_mem>>) src(%dma_wait3A_43 : memref<400x16xf32, #tpu.memory_space<vmem_shared>>) dst(%dma_wait3A_40 : memref<400x16xf32, #tpu.memory_space<hbm>>)
        tpu.yield
      }) : () -> ()
    } else {
    }
    return
  }
}

#map = affine_map<(d0, d1) -> (0)>
module attributes {stable_mosaic.version = 14 : i64} {
  func.func @sc_pair_readout(%arg0: i32, %arg1: i32, %arg2: memref<80000xf32, #tpu.memory_space<hbm>>, %arg3: memref<50000xi32, #tpu.memory_space<hbm>>, %arg4: memref<50000xi32, #tpu.memory_space<hbm>>, %arg5: memref<50000xf32, #tpu.memory_space<hbm>>, %arg6: memref<80000xf32, #tpu.memory_space<vmem>>, %arg7: memref<1552xi32, #tpu.memory_space<vmem>>, %arg8: memref<1552xi32, #tpu.memory_space<vmem>>, %arg9: memref<1552xf32, #tpu.memory_space<vmem>>, %arg10: memref<336xi32, #tpu.memory_space<vmem>>, %arg11: memref<336xi32, #tpu.memory_space<vmem>>, %arg12: memref<336xf32, #tpu.memory_space<vmem>>) attributes {dimension_semantics = [#tpu.dimension_semantics<core_parallel>, #tpu.dimension_semantics<subcore_parallel>], iteration_bounds = array<i64: 2, 16>, scalar_prefetch = 0 : i64, scratch_operands = 7 : i64, tpu.core_type = #tpu.core_type<sc_vector_subcore>, window_params = [{transform_indices = #map}, {transform_indices = #map}, {transform_indices = #map}, {transform_indices = #map}]} {
    %mul3A = arith.constant 2 : i32
    %mul3A_0 = arith.muli %arg1, %mul3A : i32
    %add3A = arith.addi %mul3A_0, %arg0 : i32
    %mul3A_1 = arith.constant 1552 : i32
    %mul3A_2 = arith.muli %add3A, %mul3A_1 : i32
    "tpu.region"() ({
      %run_scoped3A = tpu.sem_alloc : memref<!tpu.dma_semaphore, #tpu.memory_space<semaphore_mem>>
      tpu.enqueue_dma source(%arg2 : memref<80000xf32, #tpu.memory_space<hbm>>) target(%arg6 : memref<80000xf32, #tpu.memory_space<vmem>>) target_semaphore(%run_scoped3A : memref<!tpu.dma_semaphore, #tpu.memory_space<semaphore_mem>>)
      tpu.wait_dma2 semaphore(%run_scoped3A : memref<!tpu.dma_semaphore, #tpu.memory_space<semaphore_mem>>) src(%arg2 : memref<80000xf32, #tpu.memory_space<hbm>>) dst(%arg6 : memref<80000xf32, #tpu.memory_space<vmem>>)
      tpu.yield
    }) : () -> ()
    "tpu.region"() ({
      %run_scoped3A = tpu.sem_alloc : memref<!tpu.dma_semaphore, #tpu.memory_space<semaphore_mem>>
      %dma_start3A = tpu.memref_slice %arg3[%mul3A_2] : memref<50000xi32, #tpu.memory_space<hbm>> -> memref<1552xi32, #tpu.memory_space<hbm>>
      %dma_start3A_11 = tpu.memref_slice %arg3[%mul3A_2] : memref<50000xi32, #tpu.memory_space<hbm>> -> memref<1552xi32, #tpu.memory_space<hbm>>
      tpu.enqueue_dma source(%dma_start3A_11 : memref<1552xi32, #tpu.memory_space<hbm>>) target(%arg7 : memref<1552xi32, #tpu.memory_space<vmem>>) target_semaphore(%run_scoped3A : memref<!tpu.dma_semaphore, #tpu.memory_space<semaphore_mem>>)
      %dma_wait3A = tpu.memref_slice %arg3[%mul3A_2] : memref<50000xi32, #tpu.memory_space<hbm>> -> memref<1552xi32, #tpu.memory_space<hbm>>
      %dma_wait3A_12 = tpu.memref_slice %arg3[%mul3A_2] : memref<50000xi32, #tpu.memory_space<hbm>> -> memref<1552xi32, #tpu.memory_space<hbm>>
      tpu.wait_dma2 semaphore(%run_scoped3A : memref<!tpu.dma_semaphore, #tpu.memory_space<semaphore_mem>>) src(%dma_wait3A_12 : memref<1552xi32, #tpu.memory_space<hbm>>) dst(%arg7 : memref<1552xi32, #tpu.memory_space<vmem>>)
      tpu.yield
    }) : () -> ()
    "tpu.region"() ({
      %run_scoped3A = tpu.sem_alloc : memref<!tpu.dma_semaphore, #tpu.memory_space<semaphore_mem>>
      %dma_start3A = tpu.memref_slice %arg4[%mul3A_2] : memref<50000xi32, #tpu.memory_space<hbm>> -> memref<1552xi32, #tpu.memory_space<hbm>>
      %dma_start3A_11 = tpu.memref_slice %arg4[%mul3A_2] : memref<50000xi32, #tpu.memory_space<hbm>> -> memref<1552xi32, #tpu.memory_space<hbm>>
      tpu.enqueue_dma source(%dma_start3A_11 : memref<1552xi32, #tpu.memory_space<hbm>>) target(%arg8 : memref<1552xi32, #tpu.memory_space<vmem>>) target_semaphore(%run_scoped3A : memref<!tpu.dma_semaphore, #tpu.memory_space<semaphore_mem>>)
      %dma_wait3A = tpu.memref_slice %arg4[%mul3A_2] : memref<50000xi32, #tpu.memory_space<hbm>> -> memref<1552xi32, #tpu.memory_space<hbm>>
      %dma_wait3A_12 = tpu.memref_slice %arg4[%mul3A_2] : memref<50000xi32, #tpu.memory_space<hbm>> -> memref<1552xi32, #tpu.memory_space<hbm>>
      tpu.wait_dma2 semaphore(%run_scoped3A : memref<!tpu.dma_semaphore, #tpu.memory_space<semaphore_mem>>) src(%dma_wait3A_12 : memref<1552xi32, #tpu.memory_space<hbm>>) dst(%arg8 : memref<1552xi32, #tpu.memory_space<vmem>>)
      tpu.yield
    }) : () -> ()
    %scan3A = arith.constant 0 : i32
    %scan3A_3 = arith.constant 0 : i32
    %scan3A_4 = arith.constant 97 : i32
    %scan3A_5 = arith.addi %scan3A_3, %scan3A_4 : i32
    %scan3A_6 = arith.constant 1 : i32
    %scan3A_7 = scf.for %scan3A_11 = %scan3A_3 to %scan3A_5 step %scan3A_6 iter_args(%scan3A_12 = %scan3A) -> (i32)  : i32 {
      %mul3A_13 = arith.constant 16 : i32
      %mul3A_14 = arith.muli %scan3A_11, %mul3A_13 : i32
      %get3A = arith.index_cast %mul3A_14 : i32 to index
      %get3A_15 = tpu.vector_load %arg7[%get3A] {strides = array<i32>} : memref<1552xi32, #tpu.memory_space<vmem>>, vector<16xi32>,
      %mul3A_16 = arith.constant 8 : i32
      %mul3A_17 = vector.broadcast %mul3A_16 : i32 to vector<16xi32>
      %mul3A_18 = arith.muli %get3A_15, %mul3A_17 : vector<16xi32>
      %mul3A_19 = arith.constant 16 : i32
      %mul3A_20 = arith.muli %scan3A_11, %mul3A_19 : i32
      %get3A_21 = arith.index_cast %mul3A_20 : i32 to index
      %get3A_22 = tpu.vector_load %arg8[%get3A_21] {strides = array<i32>} : memref<1552xi32, #tpu.memory_space<vmem>>, vector<16xi32>,
      %mul3A_23 = arith.constant 8 : i32
      %mul3A_24 = vector.broadcast %mul3A_23 : i32 to vector<16xi32>
      %mul3A_25 = arith.muli %get3A_22, %mul3A_24 : vector<16xi32>
      %add3A_26 = arith.constant 1 : i32
      %add3A_27 = vector.broadcast %add3A_26 : i32 to vector<16xi32>
      %add3A_28 = arith.addi %mul3A_25, %add3A_27 : vector<16xi32>
      %gather3A = tpu.vector_load_idx %arg6[%mul3A_18] : memref<80000xf32, #tpu.memory_space<vmem>>[vector<16xi32>], vector<16xf32>,
      %gather3A_29 = tpu.vector_load_idx %arg6[%add3A_28] : memref<80000xf32, #tpu.memory_space<vmem>>[vector<16xi32>], vector<16xf32>,
      %add3A_30 = arith.addf %gather3A, %gather3A_29 : vector<16xf32>
      %neg3A = arith.constant 0.000000e+00 : f32
      %neg3A_31 = vector.broadcast %neg3A : f32 to vector<16xf32>
      %neg3A_32 = arith.subf %neg3A_31, %add3A_30 : vector<16xf32>
      %exp3A = math.exp %neg3A_32 : vector<16xf32>
      %add3A_33 = arith.constant 1.000000e+00 : f32
      %add3A_34 = vector.broadcast %add3A_33 : f32 to vector<16xf32>
      %add3A_35 = arith.addf %add3A_34, %exp3A : vector<16xf32>
      %div3A = arith.constant 1.000000e+00 : f32
      %div3A_36 = vector.broadcast %div3A : f32 to vector<16xf32>
      %div3A_37 = arith.divf %div3A_36, %add3A_35 : vector<16xf32>
      %mul3A_38 = arith.constant 16 : i32
      %mul3A_39 = arith.muli %scan3A_11, %mul3A_38 : i32
      %swap3A = arith.index_cast %mul3A_39 : i32 to index
      %swap3A_40 = tpu.vector_load %arg9[%swap3A] {strides = array<i32>} : memref<1552xf32, #tpu.memory_space<vmem>>, vector<16xf32>,
      tpu.vector_store %arg9[%swap3A], %div3A_37 {strides = array<i32>} : memref<1552xf32, #tpu.memory_space<vmem>>, vector<16xf32>,
      %scan3A_41 = arith.constant 0 : i32
      scf.yield %scan3A_41 : i32
    }
    %scan3A_8 = arith.constant 97 : i32
    "tpu.region"() ({
      %run_scoped3A = tpu.sem_alloc : memref<!tpu.dma_semaphore, #tpu.memory_space<semaphore_mem>>
      %dma_start3A = tpu.memref_slice %arg5[%mul3A_2] : memref<50000xf32, #tpu.memory_space<hbm>> -> memref<1552xf32, #tpu.memory_space<hbm>>
      %dma_start3A_11 = tpu.memref_slice %arg5[%mul3A_2] : memref<50000xf32, #tpu.memory_space<hbm>> -> memref<1552xf32, #tpu.memory_space<hbm>>
      tpu.enqueue_dma source(%arg9 : memref<1552xf32, #tpu.memory_space<vmem>>) target(%dma_start3A_11 : memref<1552xf32, #tpu.memory_space<hbm>>) target_semaphore(%run_scoped3A : memref<!tpu.dma_semaphore, #tpu.memory_space<semaphore_mem>>)
      %dma_wait3A = tpu.memref_slice %arg5[%mul3A_2] : memref<50000xf32, #tpu.memory_space<hbm>> -> memref<1552xf32, #tpu.memory_space<hbm>>
      %dma_wait3A_12 = tpu.memref_slice %arg5[%mul3A_2] : memref<50000xf32, #tpu.memory_space<hbm>> -> memref<1552xf32, #tpu.memory_space<hbm>>
      tpu.wait_dma2 semaphore(%run_scoped3A : memref<!tpu.dma_semaphore, #tpu.memory_space<semaphore_mem>>) src(%arg9 : memref<1552xf32, #tpu.memory_space<vmem>>) dst(%dma_wait3A_12 : memref<1552xf32, #tpu.memory_space<hbm>>)
      tpu.yield
    }) : () -> ()
    %eq3A = arith.constant 0 : i32
    %eq3A_9 = arith.cmpi eq, %add3A, %eq3A : i32
    %convert_element_type3A = arith.extui %eq3A_9 : i1 to i32
    %cond3A = arith.constant 0 : i32
    %cond3A_10 = arith.cmpi ne, %convert_element_type3A, %cond3A : i32
    scf.if %cond3A_10 {
      "tpu.region"() ({
        %run_scoped3A = tpu.sem_alloc : memref<!tpu.dma_semaphore, #tpu.memory_space<semaphore_mem>>
        %dma_start3A = arith.constant 49664 : i32
        %dma_start3A_18 = tpu.memref_slice %arg3[%dma_start3A] : memref<50000xi32, #tpu.memory_space<hbm>> -> memref<336xi32, #tpu.memory_space<hbm>>
        %dma_start3A_19 = arith.constant 49664 : i32
        %dma_start3A_20 = tpu.memref_slice %arg3[%dma_start3A_19] : memref<50000xi32, #tpu.memory_space<hbm>> -> memref<336xi32, #tpu.memory_space<hbm>>
        tpu.enqueue_dma source(%dma_start3A_20 : memref<336xi32, #tpu.memory_space<hbm>>) target(%arg10 : memref<336xi32, #tpu.memory_space<vmem>>) target_semaphore(%run_scoped3A : memref<!tpu.dma_semaphore, #tpu.memory_space<semaphore_mem>>)
        %dma_wait3A = arith.constant 49664 : i32
        %dma_wait3A_21 = tpu.memref_slice %arg3[%dma_wait3A] : memref<50000xi32, #tpu.memory_space<hbm>> -> memref<336xi32, #tpu.memory_space<hbm>>
        %dma_wait3A_22 = arith.constant 49664 : i32
        %dma_wait3A_23 = tpu.memref_slice %arg3[%dma_wait3A_22] : memref<50000xi32, #tpu.memory_space<hbm>> -> memref<336xi32, #tpu.memory_space<hbm>>
        tpu.wait_dma2 semaphore(%run_scoped3A : memref<!tpu.dma_semaphore, #tpu.memory_space<semaphore_mem>>) src(%dma_wait3A_23 : memref<336xi32, #tpu.memory_space<hbm>>) dst(%arg10 : memref<336xi32, #tpu.memory_space<vmem>>)
        tpu.yield
      }) : () -> ()
      "tpu.region"() ({
        %run_scoped3A = tpu.sem_alloc : memref<!tpu.dma_semaphore, #tpu.memory_space<semaphore_mem>>
        %dma_start3A = arith.constant 49664 : i32
        %dma_start3A_18 = tpu.memref_slice %arg4[%dma_start3A] : memref<50000xi32, #tpu.memory_space<hbm>> -> memref<336xi32, #tpu.memory_space<hbm>>
        %dma_start3A_19 = arith.constant 49664 : i32
        %dma_start3A_20 = tpu.memref_slice %arg4[%dma_start3A_19] : memref<50000xi32, #tpu.memory_space<hbm>> -> memref<336xi32, #tpu.memory_space<hbm>>
        tpu.enqueue_dma source(%dma_start3A_20 : memref<336xi32, #tpu.memory_space<hbm>>) target(%arg11 : memref<336xi32, #tpu.memory_space<vmem>>) target_semaphore(%run_scoped3A : memref<!tpu.dma_semaphore, #tpu.memory_space<semaphore_mem>>)
        %dma_wait3A = arith.constant 49664 : i32
        %dma_wait3A_21 = tpu.memref_slice %arg4[%dma_wait3A] : memref<50000xi32, #tpu.memory_space<hbm>> -> memref<336xi32, #tpu.memory_space<hbm>>
        %dma_wait3A_22 = arith.constant 49664 : i32
        %dma_wait3A_23 = tpu.memref_slice %arg4[%dma_wait3A_22] : memref<50000xi32, #tpu.memory_space<hbm>> -> memref<336xi32, #tpu.memory_space<hbm>>
        tpu.wait_dma2 semaphore(%run_scoped3A : memref<!tpu.dma_semaphore, #tpu.memory_space<semaphore_mem>>) src(%dma_wait3A_23 : memref<336xi32, #tpu.memory_space<hbm>>) dst(%arg11 : memref<336xi32, #tpu.memory_space<vmem>>)
        tpu.yield
      }) : () -> ()
      %scan3A_11 = arith.constant 0 : i32
      %scan3A_12 = arith.constant 0 : i32
      %scan3A_13 = arith.constant 21 : i32
      %scan3A_14 = arith.addi %scan3A_12, %scan3A_13 : i32
      %scan3A_15 = arith.constant 1 : i32
      %scan3A_16 = scf.for %scan3A_18 = %scan3A_12 to %scan3A_14 step %scan3A_15 iter_args(%scan3A_19 = %scan3A_11) -> (i32)  : i32 {
        %mul3A_20 = arith.constant 16 : i32
        %mul3A_21 = arith.muli %scan3A_18, %mul3A_20 : i32
        %get3A = arith.index_cast %mul3A_21 : i32 to index
        %get3A_22 = tpu.vector_load %arg10[%get3A] {strides = array<i32>} : memref<336xi32, #tpu.memory_space<vmem>>, vector<16xi32>,
        %mul3A_23 = arith.constant 8 : i32
        %mul3A_24 = vector.broadcast %mul3A_23 : i32 to vector<16xi32>
        %mul3A_25 = arith.muli %get3A_22, %mul3A_24 : vector<16xi32>
        %mul3A_26 = arith.constant 16 : i32
        %mul3A_27 = arith.muli %scan3A_18, %mul3A_26 : i32
        %get3A_28 = arith.index_cast %mul3A_27 : i32 to index
        %get3A_29 = tpu.vector_load %arg11[%get3A_28] {strides = array<i32>} : memref<336xi32, #tpu.memory_space<vmem>>, vector<16xi32>,
        %mul3A_30 = arith.constant 8 : i32
        %mul3A_31 = vector.broadcast %mul3A_30 : i32 to vector<16xi32>
        %mul3A_32 = arith.muli %get3A_29, %mul3A_31 : vector<16xi32>
        %add3A_33 = arith.constant 1 : i32
        %add3A_34 = vector.broadcast %add3A_33 : i32 to vector<16xi32>
        %add3A_35 = arith.addi %mul3A_32, %add3A_34 : vector<16xi32>
        %gather3A = tpu.vector_load_idx %arg6[%mul3A_25] : memref<80000xf32, #tpu.memory_space<vmem>>[vector<16xi32>], vector<16xf32>,
        %gather3A_36 = tpu.vector_load_idx %arg6[%add3A_35] : memref<80000xf32, #tpu.memory_space<vmem>>[vector<16xi32>], vector<16xf32>,
        %add3A_37 = arith.addf %gather3A, %gather3A_36 : vector<16xf32>
        %neg3A = arith.constant 0.000000e+00 : f32
        %neg3A_38 = vector.broadcast %neg3A : f32 to vector<16xf32>
        %neg3A_39 = arith.subf %neg3A_38, %add3A_37 : vector<16xf32>
        %exp3A = math.exp %neg3A_39 : vector<16xf32>
        %add3A_40 = arith.constant 1.000000e+00 : f32
        %add3A_41 = vector.broadcast %add3A_40 : f32 to vector<16xf32>
        %add3A_42 = arith.addf %add3A_41, %exp3A : vector<16xf32>
        %div3A = arith.constant 1.000000e+00 : f32
        %div3A_43 = vector.broadcast %div3A : f32 to vector<16xf32>
        %div3A_44 = arith.divf %div3A_43, %add3A_42 : vector<16xf32>
        %mul3A_45 = arith.constant 16 : i32
        %mul3A_46 = arith.muli %scan3A_18, %mul3A_45 : i32
        %swap3A = arith.index_cast %mul3A_46 : i32 to index
        %swap3A_47 = tpu.vector_load %arg12[%swap3A] {strides = array<i32>} : memref<336xf32, #tpu.memory_space<vmem>>, vector<16xf32>,
        tpu.vector_store %arg12[%swap3A], %div3A_44 {strides = array<i32>} : memref<336xf32, #tpu.memory_space<vmem>>, vector<16xf32>,
        %scan3A_48 = arith.constant 0 : i32
        scf.yield %scan3A_48 : i32
      }
      %scan3A_17 = arith.constant 21 : i32
      "tpu.region"() ({
        %run_scoped3A = tpu.sem_alloc : memref<!tpu.dma_semaphore, #tpu.memory_space<semaphore_mem>>
        %dma_start3A = arith.constant 49664 : i32
        %dma_start3A_18 = tpu.memref_slice %arg5[%dma_start3A] : memref<50000xf32, #tpu.memory_space<hbm>> -> memref<336xf32, #tpu.memory_space<hbm>>
        %dma_start3A_19 = arith.constant 49664 : i32
        %dma_start3A_20 = tpu.memref_slice %arg5[%dma_start3A_19] : memref<50000xf32, #tpu.memory_space<hbm>> -> memref<336xf32, #tpu.memory_space<hbm>>
        tpu.enqueue_dma source(%arg12 : memref<336xf32, #tpu.memory_space<vmem>>) target(%dma_start3A_20 : memref<336xf32, #tpu.memory_space<hbm>>) target_semaphore(%run_scoped3A : memref<!tpu.dma_semaphore, #tpu.memory_space<semaphore_mem>>)
        %dma_wait3A = arith.constant 49664 : i32
        %dma_wait3A_21 = tpu.memref_slice %arg5[%dma_wait3A] : memref<50000xf32, #tpu.memory_space<hbm>> -> memref<336xf32, #tpu.memory_space<hbm>>
        %dma_wait3A_22 = arith.constant 49664 : i32
        %dma_wait3A_23 = tpu.memref_slice %arg5[%dma_wait3A_22] : memref<50000xf32, #tpu.memory_space<hbm>> -> memref<336xf32, #tpu.memory_space<hbm>>
        tpu.wait_dma2 semaphore(%run_scoped3A : memref<!tpu.dma_semaphore, #tpu.memory_space<semaphore_mem>>) src(%arg12 : memref<336xf32, #tpu.memory_space<vmem>>) dst(%dma_wait3A_23 : memref<336xf32, #tpu.memory_space<hbm>>)
        tpu.yield
      }) : () -> ()
    } else {
    }
    return
  }
}

#map = affine_map<(d0, d1) -> (0, 0)>
#map1 = affine_map<(d0, d1) -> (0, 0, 0)>
module attributes {stable_mosaic.version = 14 : i64} {
  func.func @sc_scalar_agg(%arg0: i32, %arg1: i32, %arg2: memref<10000x16xf32, #tpu.memory_space<hbm>>, %arg3: memref<2560x125xi32, #tpu.memory_space<hbm>>, %arg4: memref<2560x125xi32, #tpu.memory_space<hbm>>, %arg5: memref<640x16xf32, #tpu.memory_space<hbm>>, %arg6: memref<2x10000x16xf32, #tpu.memory_space<hbm>>, %arg7: memref<80x125xi32, #tpu.memory_space<vmem>>, %arg8: memref<80x125xi32, #tpu.memory_space<vmem>>, %arg9: memref<125x16xf32, #tpu.memory_space<vmem>>, %arg10: memref<125x16xf32, #tpu.memory_space<vmem>>, %arg11: memref<125x16xf32, #tpu.memory_space<vmem>>, %arg12: memref<125x16xf32, #tpu.memory_space<vmem>>, %arg13: memref<10240x16xf32, #tpu.memory_space<vmem_shared>>, %arg14: memref<!tpu.dma_semaphore, #tpu.memory_space<semaphore_mem>>, %arg15: memref<!tpu.dma_semaphore, #tpu.memory_space<semaphore_mem>>, %arg16: memref<!tpu.dma_semaphore, #tpu.memory_space<semaphore_mem>>, %arg17: memref<!tpu.dma_semaphore, #tpu.memory_space<semaphore_mem>>, %arg18: memref<!tpu.dma_semaphore, #tpu.memory_space<semaphore_mem>>, %arg19: memref<!tpu.dma_semaphore, #tpu.memory_space<semaphore_mem>>, %arg20: memref<!tpu.dma_semaphore, #tpu.memory_space<semaphore_mem>>, %arg21: memref<!tpu.dma_semaphore, #tpu.memory_space<semaphore_mem>>) attributes {dimension_semantics = [#tpu.dimension_semantics<core_parallel>, #tpu.dimension_semantics<subcore_parallel>], iteration_bounds = array<i64: 2, 16>, scalar_prefetch = 0 : i64, scratch_operands = 15 : i64, tpu.core_type = #tpu.core_type<sc_vector_subcore>, window_params = [{transform_indices = #map}, {transform_indices = #map}, {transform_indices = #map}, {transform_indices = #map}, {transform_indices = #map1}]} {
    %mul3A = arith.constant 2 : i32
    %mul3A_0 = arith.muli %arg1, %mul3A : i32
    %add3A = arith.addi %mul3A_0, %arg0 : i32
    %mul3A_1 = arith.constant 640 : i32
    %mul3A_2 = arith.muli %arg1, %mul3A_1 : i32
    "tpu.region"() ({
      %run_scoped3A = tpu.sem_alloc : memref<!tpu.dma_semaphore, #tpu.memory_space<semaphore_mem>>
      %dma_start3A_60 = arith.constant 0 : i32
      %dma_start3A_61 = tpu.memref_slice %arg13[%mul3A_2, %dma_start3A_60] : memref<10240x16xf32, #tpu.memory_space<vmem_shared>> -> memref<640x16xf32, #tpu.memory_space<vmem_shared>>
      tpu.enqueue_dma source(%arg5 : memref<640x16xf32, #tpu.memory_space<hbm>>) target(%dma_start3A_61 : memref<640x16xf32, #tpu.memory_space<vmem_shared>>) target_semaphore(%run_scoped3A : memref<!tpu.dma_semaphore, #tpu.memory_space<semaphore_mem>>)
      %dma_wait3A_62 = arith.constant 0 : i32
      %dma_wait3A_63 = tpu.memref_slice %arg13[%mul3A_2, %dma_wait3A_62] : memref<10240x16xf32, #tpu.memory_space<vmem_shared>> -> memref<640x16xf32, #tpu.memory_space<vmem_shared>>
      tpu.wait_dma2 semaphore(%run_scoped3A : memref<!tpu.dma_semaphore, #tpu.memory_space<semaphore_mem>>) src(%arg5 : memref<640x16xf32, #tpu.memory_space<hbm>>) dst(%dma_wait3A_63 : memref<640x16xf32, #tpu.memory_space<vmem_shared>>)
      tpu.yield
    }) : () -> ()
    %mul3A_3 = arith.constant 80 : i32
    %mul3A_4 = arith.muli %add3A, %mul3A_3 : i32
    "tpu.region"() ({
      %run_scoped3A = tpu.sem_alloc : memref<!tpu.dma_semaphore, #tpu.memory_space<semaphore_mem>>
      %dma_start3A_60 = arith.constant 0 : i32
      %dma_start3A_61 = tpu.memref_slice %arg3[%mul3A_4, %dma_start3A_60] : memref<2560x125xi32, #tpu.memory_space<hbm>> -> memref<80x125xi32, #tpu.memory_space<hbm>>
      %dma_start3A_62 = arith.constant 0 : i32
      %dma_start3A_63 = tpu.memref_slice %arg3[%mul3A_4, %dma_start3A_62] : memref<2560x125xi32, #tpu.memory_space<hbm>> -> memref<80x125xi32, #tpu.memory_space<hbm>>
      tpu.enqueue_dma source(%dma_start3A_63 : memref<80x125xi32, #tpu.memory_space<hbm>>) target(%arg7 : memref<80x125xi32, #tpu.memory_space<vmem>>) target_semaphore(%run_scoped3A : memref<!tpu.dma_semaphore, #tpu.memory_space<semaphore_mem>>)
      %dma_wait3A_64 = arith.constant 0 : i32
      %dma_wait3A_65 = tpu.memref_slice %arg3[%mul3A_4, %dma_wait3A_64] : memref<2560x125xi32, #tpu.memory_space<hbm>> -> memref<80x125xi32, #tpu.memory_space<hbm>>
      %dma_wait3A_66 = arith.constant 0 : i32
      %dma_wait3A_67 = tpu.memref_slice %arg3[%mul3A_4, %dma_wait3A_66] : memref<2560x125xi32, #tpu.memory_space<hbm>> -> memref<80x125xi32, #tpu.memory_space<hbm>>
      tpu.wait_dma2 semaphore(%run_scoped3A : memref<!tpu.dma_semaphore, #tpu.memory_space<semaphore_mem>>) src(%dma_wait3A_67 : memref<80x125xi32, #tpu.memory_space<hbm>>) dst(%arg7 : memref<80x125xi32, #tpu.memory_space<vmem>>)
      tpu.yield
    }) : () -> ()
    %mul3A_5 = arith.constant 80 : i32
    %mul3A_6 = arith.muli %add3A, %mul3A_5 : i32
    "tpu.region"() ({
      %run_scoped3A = tpu.sem_alloc : memref<!tpu.dma_semaphore, #tpu.memory_space<semaphore_mem>>
      %dma_start3A_60 = arith.constant 0 : i32
      %dma_start3A_61 = tpu.memref_slice %arg4[%mul3A_6, %dma_start3A_60] : memref<2560x125xi32, #tpu.memory_space<hbm>> -> memref<80x125xi32, #tpu.memory_space<hbm>>
      %dma_start3A_62 = arith.constant 0 : i32
      %dma_start3A_63 = tpu.memref_slice %arg4[%mul3A_6, %dma_start3A_62] : memref<2560x125xi32, #tpu.memory_space<hbm>> -> memref<80x125xi32, #tpu.memory_space<hbm>>
      tpu.enqueue_dma source(%dma_start3A_63 : memref<80x125xi32, #tpu.memory_space<hbm>>) target(%arg8 : memref<80x125xi32, #tpu.memory_space<vmem>>) target_semaphore(%run_scoped3A : memref<!tpu.dma_semaphore, #tpu.memory_space<semaphore_mem>>)
      %dma_wait3A_64 = arith.constant 0 : i32
      %dma_wait3A_65 = tpu.memref_slice %arg4[%mul3A_6, %dma_wait3A_64] : memref<2560x125xi32, #tpu.memory_space<hbm>> -> memref<80x125xi32, #tpu.memory_space<hbm>>
      %dma_wait3A_66 = arith.constant 0 : i32
      %dma_wait3A_67 = tpu.memref_slice %arg4[%mul3A_6, %dma_wait3A_66] : memref<2560x125xi32, #tpu.memory_space<hbm>> -> memref<80x125xi32, #tpu.memory_space<hbm>>
      tpu.wait_dma2 semaphore(%run_scoped3A : memref<!tpu.dma_semaphore, #tpu.memory_space<semaphore_mem>>) src(%dma_wait3A_67 : memref<80x125xi32, #tpu.memory_space<hbm>>) dst(%arg8 : memref<80x125xi32, #tpu.memory_space<vmem>>)
      tpu.yield
    }) : () -> ()
    %barrier3A = arith.constant 0 : index
    tpu.barrier barrier_id(%barrier3A)
    %dma_start3A = arith.constant 0 : i32
    %dma_start3A_7 = arith.constant 0 : i32
    %dma_start3A_8 = tpu.memref_slice %arg7[%dma_start3A, %dma_start3A_7] : memref<80x125xi32, #tpu.memory_space<vmem>> -> memref<1x125xi32, #tpu.memory_space<vmem>>
    %dma_start3A_9 = tpu.memref_squeeze %dma_start3A_8 : memref<1x125xi32, #tpu.memory_space<vmem>> -> memref<125xi32, #tpu.memory_space<vmem>>
    %dma_start3A_10 = arith.constant 0 : i32
    %dma_start3A_11 = arith.constant 0 : i32
    %dma_start3A_12 = tpu.memref_slice %arg2[%dma_start3A_10, %dma_start3A_11] : memref<10000x16xf32, #tpu.memory_space<hbm>> -> memref<10000x16xf32, #tpu.memory_space<hbm>>
    tpu.enqueue_indirect_dma source(%dma_start3A_12 : memref<10000x16xf32, #tpu.memory_space<hbm>>) target(%arg9 : memref<125x16xf32, #tpu.memory_space<vmem>>) offsets(%dma_start3A_9 : memref<125xi32, #tpu.memory_space<vmem>>) semaphore(%arg14 : memref<!tpu.dma_semaphore, #tpu.memory_space<semaphore_mem>>)
    %dma_start3A_13 = arith.constant 1 : i32
    %dma_start3A_14 = arith.constant 0 : i32
    %dma_start3A_15 = tpu.memref_slice %arg7[%dma_start3A_13, %dma_start3A_14] : memref<80x125xi32, #tpu.memory_space<vmem>> -> memref<1x125xi32, #tpu.memory_space<vmem>>
    %dma_start3A_16 = tpu.memref_squeeze %dma_start3A_15 : memref<1x125xi32, #tpu.memory_space<vmem>> -> memref<125xi32, #tpu.memory_space<vmem>>
    %dma_start3A_17 = arith.constant 0 : i32
    %dma_start3A_18 = arith.constant 0 : i32
    %dma_start3A_19 = tpu.memref_slice %arg2[%dma_start3A_17, %dma_start3A_18] : memref<10000x16xf32, #tpu.memory_space<hbm>> -> memref<10000x16xf32, #tpu.memory_space<hbm>>
    tpu.enqueue_indirect_dma source(%dma_start3A_19 : memref<10000x16xf32, #tpu.memory_space<hbm>>) target(%arg10 : memref<125x16xf32, #tpu.memory_space<vmem>>) offsets(%dma_start3A_16 : memref<125xi32, #tpu.memory_space<vmem>>) semaphore(%arg15 : memref<!tpu.dma_semaphore, #tpu.memory_space<semaphore_mem>>)
    %scan3A = arith.constant 0 : i32
    %scan3A_20 = arith.constant 0 : i32
    %scan3A_21 = arith.constant 20 : i32
    %scan3A_22 = arith.addi %scan3A_20, %scan3A_21 : i32
    %scan3A_23 = arith.constant 1 : i32
    %scan3A_24 = scf.for %scan3A_60 = %scan3A_20 to %scan3A_22 step %scan3A_23 iter_args(%scan3A_61 = %scan3A) -> (i32)  : i32 {
      %mul3A_62 = arith.constant 4 : i32
      %mul3A_63 = arith.muli %scan3A_60, %mul3A_62 : i32
      %add3A_64 = arith.constant 0 : i32
      %add3A_65 = arith.addi %mul3A_63, %add3A_64 : i32
      %add3A_66 = arith.constant 2 : i32
      %add3A_67 = arith.addi %add3A_65, %add3A_66 : i32
      %lt3A_68 = arith.constant 80 : i32
      %lt3A_69 = arith.cmpi slt, %add3A_67, %lt3A_68 : i32
      %convert_element_type3A_70 = arith.extui %lt3A_69 : i1 to i32
      %cond3A_71 = arith.constant 0 : i32
      %cond3A_72 = arith.cmpi ne, %convert_element_type3A_70, %cond3A_71 : i32
      scf.if %cond3A_72 {
        %ge3A = arith.constant 4 : i32
        %ge3A_155 = arith.cmpi sge, %add3A_67, %ge3A : i32
        %convert_element_type3A_156 = arith.extui %ge3A_155 : i1 to i32
        %cond3A_157 = arith.constant 0 : i32
        %cond3A_158 = arith.cmpi ne, %convert_element_type3A_156, %cond3A_157 : i32
        scf.if %cond3A_158 {
          %sub3A = arith.constant 4 : i32
          %sub3A_165 = arith.subi %add3A_67, %sub3A : i32
          %dma_wait3A_166 = arith.constant 0 : i32
          %dma_wait3A_167 = tpu.memref_slice %arg8[%sub3A_165, %dma_wait3A_166] : memref<80x125xi32, #tpu.memory_space<vmem>> -> memref<1x125xi32, #tpu.memory_space<vmem>>
          %dma_wait3A_168 = tpu.memref_squeeze %dma_wait3A_167 : memref<1x125xi32, #tpu.memory_space<vmem>> -> memref<125xi32, #tpu.memory_space<vmem>>
          %dma_wait3A_169 = arith.constant 0 : i32
          %dma_wait3A_170 = arith.constant 0 : i32
          %dma_wait3A_171 = tpu.memref_slice %arg13[%dma_wait3A_169, %dma_wait3A_170] : memref<10240x16xf32, #tpu.memory_space<vmem_shared>> -> memref<10240x16xf32, #tpu.memory_space<vmem_shared>>
          tpu.wait_indirect_dma semaphore(%arg20 : memref<!tpu.dma_semaphore, #tpu.memory_space<semaphore_mem>>) src(%arg11 : memref<125x16xf32, #tpu.memory_space<vmem>>) dst(%dma_wait3A_171 : memref<10240x16xf32, #tpu.memory_space<vmem_shared>>)
        } else {
        }
        %dma_start3A_159 = arith.constant 0 : i32
        %dma_start3A_160 = tpu.memref_slice %arg7[%add3A_67, %dma_start3A_159] : memref<80x125xi32, #tpu.memory_space<vmem>> -> memref<1x125xi32, #tpu.memory_space<vmem>>
        %dma_start3A_161 = tpu.memref_squeeze %dma_start3A_160 : memref<1x125xi32, #tpu.memory_space<vmem>> -> memref<125xi32, #tpu.memory_space<vmem>>
        %dma_start3A_162 = arith.constant 0 : i32
        %dma_start3A_163 = arith.constant 0 : i32
        %dma_start3A_164 = tpu.memref_slice %arg2[%dma_start3A_162, %dma_start3A_163] : memref<10000x16xf32, #tpu.memory_space<hbm>> -> memref<10000x16xf32, #tpu.memory_space<hbm>>
        tpu.enqueue_indirect_dma source(%dma_start3A_164 : memref<10000x16xf32, #tpu.memory_space<hbm>>) target(%arg11 : memref<125x16xf32, #tpu.memory_space<vmem>>) offsets(%dma_start3A_161 : memref<125xi32, #tpu.memory_space<vmem>>) semaphore(%arg16 : memref<!tpu.dma_semaphore, #tpu.memory_space<semaphore_mem>>)
      } else {
      }
      %dma_wait3A_73 = arith.constant 0 : i32
      %dma_wait3A_74 = tpu.memref_slice %arg7[%add3A_65, %dma_wait3A_73] : memref<80x125xi32, #tpu.memory_space<vmem>> -> memref<1x125xi32, #tpu.memory_space<vmem>>
      %dma_wait3A_75 = tpu.memref_squeeze %dma_wait3A_74 : memref<1x125xi32, #tpu.memory_space<vmem>> -> memref<125xi32, #tpu.memory_space<vmem>>
      %dma_wait3A_76 = arith.constant 0 : i32
      %dma_wait3A_77 = arith.constant 0 : i32
      %dma_wait3A_78 = tpu.memref_slice %arg2[%dma_wait3A_76, %dma_wait3A_77] : memref<10000x16xf32, #tpu.memory_space<hbm>> -> memref<10000x16xf32, #tpu.memory_space<hbm>>
      tpu.wait_indirect_dma semaphore(%arg14 : memref<!tpu.dma_semaphore, #tpu.memory_space<semaphore_mem>>) src(%dma_wait3A_78 : memref<10000x16xf32, #tpu.memory_space<hbm>>) dst(%arg9 : memref<125x16xf32, #tpu.memory_space<vmem>>)
      %dma_start3A_79 = arith.constant 0 : i32
      %dma_start3A_80 = tpu.memref_slice %arg8[%add3A_65, %dma_start3A_79] : memref<80x125xi32, #tpu.memory_space<vmem>> -> memref<1x125xi32, #tpu.memory_space<vmem>>
      %dma_start3A_81 = tpu.memref_squeeze %dma_start3A_80 : memref<1x125xi32, #tpu.memory_space<vmem>> -> memref<125xi32, #tpu.memory_space<vmem>>
      %dma_start3A_82 = arith.constant 0 : i32
      %dma_start3A_83 = arith.constant 0 : i32
      %dma_start3A_84 = tpu.memref_slice %arg13[%dma_start3A_82, %dma_start3A_83] : memref<10240x16xf32, #tpu.memory_space<vmem_shared>> -> memref<10240x16xf32, #tpu.memory_space<vmem_shared>>
      tpu.enqueue_indirect_dma source(%arg9 : memref<125x16xf32, #tpu.memory_space<vmem>>) target(%dma_start3A_84 : memref<10240x16xf32, #tpu.memory_space<vmem_shared>>) offsets(%dma_start3A_81 : memref<125xi32, #tpu.memory_space<vmem>>) semaphore(%arg18 : memref<!tpu.dma_semaphore, #tpu.memory_space<semaphore_mem>>) {add = true}
      %mul3A_85 = arith.constant 4 : i32
      %mul3A_86 = arith.muli %scan3A_60, %mul3A_85 : i32
      %add3A_87 = arith.constant 1 : i32
      %add3A_88 = arith.addi %mul3A_86, %add3A_87 : i32
      %add3A_89 = arith.constant 2 : i32
      %add3A_90 = arith.addi %add3A_88, %add3A_89 : i32
      %lt3A_91 = arith.constant 80 : i32
      %lt3A_92 = arith.cmpi slt, %add3A_90, %lt3A_91 : i32
      %convert_element_type3A_93 = arith.extui %lt3A_92 : i1 to i32
      %cond3A_94 = arith.constant 0 : i32
      %cond3A_95 = arith.cmpi ne, %convert_element_type3A_93, %cond3A_94 : i32
      scf.if %cond3A_95 {
        %ge3A = arith.constant 4 : i32
        %ge3A_155 = arith.cmpi sge, %add3A_90, %ge3A : i32
        %convert_element_type3A_156 = arith.extui %ge3A_155 : i1 to i32
        %cond3A_157 = arith.constant 0 : i32
        %cond3A_158 = arith.cmpi ne, %convert_element_type3A_156, %cond3A_157 : i32
        scf.if %cond3A_158 {
          %sub3A = arith.constant 4 : i32
          %sub3A_165 = arith.subi %add3A_90, %sub3A : i32
          %dma_wait3A_166 = arith.constant 0 : i32
          %dma_wait3A_167 = tpu.memref_slice %arg8[%sub3A_165, %dma_wait3A_166] : memref<80x125xi32, #tpu.memory_space<vmem>> -> memref<1x125xi32, #tpu.memory_space<vmem>>
          %dma_wait3A_168 = tpu.memref_squeeze %dma_wait3A_167 : memref<1x125xi32, #tpu.memory_space<vmem>> -> memref<125xi32, #tpu.memory_space<vmem>>
          %dma_wait3A_169 = arith.constant 0 : i32
          %dma_wait3A_170 = arith.constant 0 : i32
          %dma_wait3A_171 = tpu.memref_slice %arg13[%dma_wait3A_169, %dma_wait3A_170] : memref<10240x16xf32, #tpu.memory_space<vmem_shared>> -> memref<10240x16xf32, #tpu.memory_space<vmem_shared>>
          tpu.wait_indirect_dma semaphore(%arg21 : memref<!tpu.dma_semaphore, #tpu.memory_space<semaphore_mem>>) src(%arg12 : memref<125x16xf32, #tpu.memory_space<vmem>>) dst(%dma_wait3A_171 : memref<10240x16xf32, #tpu.memory_space<vmem_shared>>)
        } else {
        }
        %dma_start3A_159 = arith.constant 0 : i32
        %dma_start3A_160 = tpu.memref_slice %arg7[%add3A_90, %dma_start3A_159] : memref<80x125xi32, #tpu.memory_space<vmem>> -> memref<1x125xi32, #tpu.memory_space<vmem>>
        %dma_start3A_161 = tpu.memref_squeeze %dma_start3A_160 : memref<1x125xi32, #tpu.memory_space<vmem>> -> memref<125xi32, #tpu.memory_space<vmem>>
        %dma_start3A_162 = arith.constant 0 : i32
        %dma_start3A_163 = arith.constant 0 : i32
        %dma_start3A_164 = tpu.memref_slice %arg2[%dma_start3A_162, %dma_start3A_163] : memref<10000x16xf32, #tpu.memory_space<hbm>> -> memref<10000x16xf32, #tpu.memory_space<hbm>>
        tpu.enqueue_indirect_dma source(%dma_start3A_164 : memref<10000x16xf32, #tpu.memory_space<hbm>>) target(%arg12 : memref<125x16xf32, #tpu.memory_space<vmem>>) offsets(%dma_start3A_161 : memref<125xi32, #tpu.memory_space<vmem>>) semaphore(%arg17 : memref<!tpu.dma_semaphore, #tpu.memory_space<semaphore_mem>>)
      } else {
      }
      %dma_wait3A_96 = arith.constant 0 : i32
      %dma_wait3A_97 = tpu.memref_slice %arg7[%add3A_88, %dma_wait3A_96] : memref<80x125xi32, #tpu.memory_space<vmem>> -> memref<1x125xi32, #tpu.memory_space<vmem>>
      %dma_wait3A_98 = tpu.memref_squeeze %dma_wait3A_97 : memref<1x125xi32, #tpu.memory_space<vmem>> -> memref<125xi32, #tpu.memory_space<vmem>>
      %dma_wait3A_99 = arith.constant 0 : i32
      %dma_wait3A_100 = arith.constant 0 : i32
      %dma_wait3A_101 = tpu.memref_slice %arg2[%dma_wait3A_99, %dma_wait3A_100] : memref<10000x16xf32, #tpu.memory_space<hbm>> -> memref<10000x16xf32, #tpu.memory_space<hbm>>
      tpu.wait_indirect_dma semaphore(%arg15 : memref<!tpu.dma_semaphore, #tpu.memory_space<semaphore_mem>>) src(%dma_wait3A_101 : memref<10000x16xf32, #tpu.memory_space<hbm>>) dst(%arg10 : memref<125x16xf32, #tpu.memory_space<vmem>>)
      %dma_start3A_102 = arith.constant 0 : i32
      %dma_start3A_103 = tpu.memref_slice %arg8[%add3A_88, %dma_start3A_102] : memref<80x125xi32, #tpu.memory_space<vmem>> -> memref<1x125xi32, #tpu.memory_space<vmem>>
      %dma_start3A_104 = tpu.memref_squeeze %dma_start3A_103 : memref<1x125xi32, #tpu.memory_space<vmem>> -> memref<125xi32, #tpu.memory_space<vmem>>
      %dma_start3A_105 = arith.constant 0 : i32
      %dma_start3A_106 = arith.constant 0 : i32
      %dma_start3A_107 = tpu.memref_slice %arg13[%dma_start3A_105, %dma_start3A_106] : memref<10240x16xf32, #tpu.memory_space<vmem_shared>> -> memref<10240x16xf32, #tpu.memory_space<vmem_shared>>
      tpu.enqueue_indirect_dma source(%arg10 : memref<125x16xf32, #tpu.memory_space<vmem>>) target(%dma_start3A_107 : memref<10240x16xf32, #tpu.memory_space<vmem_shared>>) offsets(%dma_start3A_104 : memref<125xi32, #tpu.memory_space<vmem>>) semaphore(%arg19 : memref<!tpu.dma_semaphore, #tpu.memory_space<semaphore_mem>>) {add = true}
      %mul3A_108 = arith.constant 4 : i32
      %mul3A_109 = arith.muli %scan3A_60, %mul3A_108 : i32
      %add3A_110 = arith.constant 2 : i32
      %add3A_111 = arith.addi %mul3A_109, %add3A_110 : i32
      %add3A_112 = arith.constant 2 : i32
      %add3A_113 = arith.addi %add3A_111, %add3A_112 : i32
      %lt3A_114 = arith.constant 80 : i32
      %lt3A_115 = arith.cmpi slt, %add3A_113, %lt3A_114 : i32
      %convert_element_type3A_116 = arith.extui %lt3A_115 : i1 to i32
      %cond3A_117 = arith.constant 0 : i32
      %cond3A_118 = arith.cmpi ne, %convert_element_type3A_116, %cond3A_117 : i32
      scf.if %cond3A_118 {
        %ge3A = arith.constant 4 : i32
        %ge3A_155 = arith.cmpi sge, %add3A_113, %ge3A : i32
        %convert_element_type3A_156 = arith.extui %ge3A_155 : i1 to i32
        %cond3A_157 = arith.constant 0 : i32
        %cond3A_158 = arith.cmpi ne, %convert_element_type3A_156, %cond3A_157 : i32
        scf.if %cond3A_158 {
          %sub3A = arith.constant 4 : i32
          %sub3A_165 = arith.subi %add3A_113, %sub3A : i32
          %dma_wait3A_166 = arith.constant 0 : i32
          %dma_wait3A_167 = tpu.memref_slice %arg8[%sub3A_165, %dma_wait3A_166] : memref<80x125xi32, #tpu.memory_space<vmem>> -> memref<1x125xi32, #tpu.memory_space<vmem>>
          %dma_wait3A_168 = tpu.memref_squeeze %dma_wait3A_167 : memref<1x125xi32, #tpu.memory_space<vmem>> -> memref<125xi32, #tpu.memory_space<vmem>>
          %dma_wait3A_169 = arith.constant 0 : i32
          %dma_wait3A_170 = arith.constant 0 : i32
          %dma_wait3A_171 = tpu.memref_slice %arg13[%dma_wait3A_169, %dma_wait3A_170] : memref<10240x16xf32, #tpu.memory_space<vmem_shared>> -> memref<10240x16xf32, #tpu.memory_space<vmem_shared>>
          tpu.wait_indirect_dma semaphore(%arg18 : memref<!tpu.dma_semaphore, #tpu.memory_space<semaphore_mem>>) src(%arg9 : memref<125x16xf32, #tpu.memory_space<vmem>>) dst(%dma_wait3A_171 : memref<10240x16xf32, #tpu.memory_space<vmem_shared>>)
        } else {
        }
        %dma_start3A_159 = arith.constant 0 : i32
        %dma_start3A_160 = tpu.memref_slice %arg7[%add3A_113, %dma_start3A_159] : memref<80x125xi32, #tpu.memory_space<vmem>> -> memref<1x125xi32, #tpu.memory_space<vmem>>
        %dma_start3A_161 = tpu.memref_squeeze %dma_start3A_160 : memref<1x125xi32, #tpu.memory_space<vmem>> -> memref<125xi32, #tpu.memory_space<vmem>>
        %dma_start3A_162 = arith.constant 0 : i32
        %dma_start3A_163 = arith.constant 0 : i32
        %dma_start3A_164 = tpu.memref_slice %arg2[%dma_start3A_162, %dma_start3A_163] : memref<10000x16xf32, #tpu.memory_space<hbm>> -> memref<10000x16xf32, #tpu.memory_space<hbm>>
        tpu.enqueue_indirect_dma source(%dma_start3A_164 : memref<10000x16xf32, #tpu.memory_space<hbm>>) target(%arg9 : memref<125x16xf32, #tpu.memory_space<vmem>>) offsets(%dma_start3A_161 : memref<125xi32, #tpu.memory_space<vmem>>) semaphore(%arg14 : memref<!tpu.dma_semaphore, #tpu.memory_space<semaphore_mem>>)
      } else {
      }
      %dma_wait3A_119 = arith.constant 0 : i32
      %dma_wait3A_120 = tpu.memref_slice %arg7[%add3A_111, %dma_wait3A_119] : memref<80x125xi32, #tpu.memory_space<vmem>> -> memref<1x125xi32, #tpu.memory_space<vmem>>
      %dma_wait3A_121 = tpu.memref_squeeze %dma_wait3A_120 : memref<1x125xi32, #tpu.memory_space<vmem>> -> memref<125xi32, #tpu.memory_space<vmem>>
      %dma_wait3A_122 = arith.constant 0 : i32
      %dma_wait3A_123 = arith.constant 0 : i32
      %dma_wait3A_124 = tpu.memref_slice %arg2[%dma_wait3A_122, %dma_wait3A_123] : memref<10000x16xf32, #tpu.memory_space<hbm>> -> memref<10000x16xf32, #tpu.memory_space<hbm>>
      tpu.wait_indirect_dma semaphore(%arg16 : memref<!tpu.dma_semaphore, #tpu.memory_space<semaphore_mem>>) src(%dma_wait3A_124 : memref<10000x16xf32, #tpu.memory_space<hbm>>) dst(%arg11 : memref<125x16xf32, #tpu.memory_space<vmem>>)
      %dma_start3A_125 = arith.constant 0 : i32
      %dma_start3A_126 = tpu.memref_slice %arg8[%add3A_111, %dma_start3A_125] : memref<80x125xi32, #tpu.memory_space<vmem>> -> memref<1x125xi32, #tpu.memory_space<vmem>>
      %dma_start3A_127 = tpu.memref_squeeze %dma_start3A_126 : memref<1x125xi32, #tpu.memory_space<vmem>> -> memref<125xi32, #tpu.memory_space<vmem>>
      %dma_start3A_128 = arith.constant 0 : i32
      %dma_start3A_129 = arith.constant 0 : i32
      %dma_start3A_130 = tpu.memref_slice %arg13[%dma_start3A_128, %dma_start3A_129] : memref<10240x16xf32, #tpu.memory_space<vmem_shared>> -> memref<10240x16xf32, #tpu.memory_space<vmem_shared>>
      tpu.enqueue_indirect_dma source(%arg11 : memref<125x16xf32, #tpu.memory_space<vmem>>) target(%dma_start3A_130 : memref<10240x16xf32, #tpu.memory_space<vmem_shared>>) offsets(%dma_start3A_127 : memref<125xi32, #tpu.memory_space<vmem>>) semaphore(%arg20 : memref<!tpu.dma_semaphore, #tpu.memory_space<semaphore_mem>>) {add = true}
      %mul3A_131 = arith.constant 4 : i32
      %mul3A_132 = arith.muli %scan3A_60, %mul3A_131 : i32
      %add3A_133 = arith.constant 3 : i32
      %add3A_134 = arith.addi %mul3A_132, %add3A_133 : i32
      %add3A_135 = arith.constant 2 : i32
      %add3A_136 = arith.addi %add3A_134, %add3A_135 : i32
      %lt3A_137 = arith.constant 80 : i32
      %lt3A_138 = arith.cmpi slt, %add3A_136, %lt3A_137 : i32
      %convert_element_type3A_139 = arith.extui %lt3A_138 : i1 to i32
      %cond3A_140 = arith.constant 0 : i32
      %cond3A_141 = arith.cmpi ne, %convert_element_type3A_139, %cond3A_140 : i32
      scf.if %cond3A_141 {
        %ge3A = arith.constant 4 : i32
        %ge3A_155 = arith.cmpi sge, %add3A_136, %ge3A : i32
        %convert_element_type3A_156 = arith.extui %ge3A_155 : i1 to i32
        %cond3A_157 = arith.constant 0 : i32
        %cond3A_158 = arith.cmpi ne, %convert_element_type3A_156, %cond3A_157 : i32
        scf.if %cond3A_158 {
          %sub3A = arith.constant 4 : i32
          %sub3A_165 = arith.subi %add3A_136, %sub3A : i32
          %dma_wait3A_166 = arith.constant 0 : i32
          %dma_wait3A_167 = tpu.memref_slice %arg8[%sub3A_165, %dma_wait3A_166] : memref<80x125xi32, #tpu.memory_space<vmem>> -> memref<1x125xi32, #tpu.memory_space<vmem>>
          %dma_wait3A_168 = tpu.memref_squeeze %dma_wait3A_167 : memref<1x125xi32, #tpu.memory_space<vmem>> -> memref<125xi32, #tpu.memory_space<vmem>>
          %dma_wait3A_169 = arith.constant 0 : i32
          %dma_wait3A_170 = arith.constant 0 : i32
          %dma_wait3A_171 = tpu.memref_slice %arg13[%dma_wait3A_169, %dma_wait3A_170] : memref<10240x16xf32, #tpu.memory_space<vmem_shared>> -> memref<10240x16xf32, #tpu.memory_space<vmem_shared>>
          tpu.wait_indirect_dma semaphore(%arg19 : memref<!tpu.dma_semaphore, #tpu.memory_space<semaphore_mem>>) src(%arg10 : memref<125x16xf32, #tpu.memory_space<vmem>>) dst(%dma_wait3A_171 : memref<10240x16xf32, #tpu.memory_space<vmem_shared>>)
        } else {
        }
        %dma_start3A_159 = arith.constant 0 : i32
        %dma_start3A_160 = tpu.memref_slice %arg7[%add3A_136, %dma_start3A_159] : memref<80x125xi32, #tpu.memory_space<vmem>> -> memref<1x125xi32, #tpu.memory_space<vmem>>
        %dma_start3A_161 = tpu.memref_squeeze %dma_start3A_160 : memref<1x125xi32, #tpu.memory_space<vmem>> -> memref<125xi32, #tpu.memory_space<vmem>>
        %dma_start3A_162 = arith.constant 0 : i32
        %dma_start3A_163 = arith.constant 0 : i32
        %dma_start3A_164 = tpu.memref_slice %arg2[%dma_start3A_162, %dma_start3A_163] : memref<10000x16xf32, #tpu.memory_space<hbm>> -> memref<10000x16xf32, #tpu.memory_space<hbm>>
        tpu.enqueue_indirect_dma source(%dma_start3A_164 : memref<10000x16xf32, #tpu.memory_space<hbm>>) target(%arg10 : memref<125x16xf32, #tpu.memory_space<vmem>>) offsets(%dma_start3A_161 : memref<125xi32, #tpu.memory_space<vmem>>) semaphore(%arg15 : memref<!tpu.dma_semaphore, #tpu.memory_space<semaphore_mem>>)
      } else {
      }
      %dma_wait3A_142 = arith.constant 0 : i32
      %dma_wait3A_143 = tpu.memref_slice %arg7[%add3A_134, %dma_wait3A_142] : memref<80x125xi32, #tpu.memory_space<vmem>> -> memref<1x125xi32, #tpu.memory_space<vmem>>
      %dma_wait3A_144 = tpu.memref_squeeze %dma_wait3A_143 : memref<1x125xi32, #tpu.memory_space<vmem>> -> memref<125xi32, #tpu.memory_space<vmem>>
      %dma_wait3A_145 = arith.constant 0 : i32
      %dma_wait3A_146 = arith.constant 0 : i32
      %dma_wait3A_147 = tpu.memref_slice %arg2[%dma_wait3A_145, %dma_wait3A_146] : memref<10000x16xf32, #tpu.memory_space<hbm>> -> memref<10000x16xf32, #tpu.memory_space<hbm>>
      tpu.wait_indirect_dma semaphore(%arg17 : memref<!tpu.dma_semaphore, #tpu.memory_space<semaphore_mem>>) src(%dma_wait3A_147 : memref<10000x16xf32, #tpu.memory_space<hbm>>) dst(%arg12 : memref<125x16xf32, #tpu.memory_space<vmem>>)
      %dma_start3A_148 = arith.constant 0 : i32
      %dma_start3A_149 = tpu.memref_slice %arg8[%add3A_134, %dma_start3A_148] : memref<80x125xi32, #tpu.memory_space<vmem>> -> memref<1x125xi32, #tpu.memory_space<vmem>>
      %dma_start3A_150 = tpu.memref_squeeze %dma_start3A_149 : memref<1x125xi32, #tpu.memory_space<vmem>> -> memref<125xi32, #tpu.memory_space<vmem>>
      %dma_start3A_151 = arith.constant 0 : i32
      %dma_start3A_152 = arith.constant 0 : i32
      %dma_start3A_153 = tpu.memref_slice %arg13[%dma_start3A_151, %dma_start3A_152] : memref<10240x16xf32, #tpu.memory_space<vmem_shared>> -> memref<10240x16xf32, #tpu.memory_space<vmem_shared>>
      tpu.enqueue_indirect_dma source(%arg12 : memref<125x16xf32, #tpu.memory_space<vmem>>) target(%dma_start3A_153 : memref<10240x16xf32, #tpu.memory_space<vmem_shared>>) offsets(%dma_start3A_150 : memref<125xi32, #tpu.memory_space<vmem>>) semaphore(%arg21 : memref<!tpu.dma_semaphore, #tpu.memory_space<semaphore_mem>>) {add = true}
      %scan3A_154 = arith.constant 0 : i32
      scf.yield %scan3A_154 : i32
    }
    %scan3A_25 = arith.constant 20 : i32
    %dma_wait3A = arith.constant 76 : i32
    %dma_wait3A_26 = arith.constant 0 : i32
    %dma_wait3A_27 = tpu.memref_slice %arg8[%dma_wait3A, %dma_wait3A_26] : memref<80x125xi32, #tpu.memory_space<vmem>> -> memref<1x125xi32, #tpu.memory_space<vmem>>
    %dma_wait3A_28 = tpu.memref_squeeze %dma_wait3A_27 : memref<1x125xi32, #tpu.memory_space<vmem>> -> memref<125xi32, #tpu.memory_space<vmem>>
    %dma_wait3A_29 = arith.constant 0 : i32
    %dma_wait3A_30 = arith.constant 0 : i32
    %dma_wait3A_31 = tpu.memref_slice %arg13[%dma_wait3A_29, %dma_wait3A_30] : memref<10240x16xf32, #tpu.memory_space<vmem_shared>> -> memref<10240x16xf32, #tpu.memory_space<vmem_shared>>
    tpu.wait_indirect_dma semaphore(%arg18 : memref<!tpu.dma_semaphore, #tpu.memory_space<semaphore_mem>>) src(%arg9 : memref<125x16xf32, #tpu.memory_space<vmem>>) dst(%dma_wait3A_31 : memref<10240x16xf32, #tpu.memory_space<vmem_shared>>)
    %dma_wait3A_32 = arith.constant 77 : i32
    %dma_wait3A_33 = arith.constant 0 : i32
    %dma_wait3A_34 = tpu.memref_slice %arg8[%dma_wait3A_32, %dma_wait3A_33] : memref<80x125xi32, #tpu.memory_space<vmem>> -> memref<1x125xi32, #tpu.memory_space<vmem>>
    %dma_wait3A_35 = tpu.memref_squeeze %dma_wait3A_34 : memref<1x125xi32, #tpu.memory_space<vmem>> -> memref<125xi32, #tpu.memory_space<vmem>>
    %dma_wait3A_36 = arith.constant 0 : i32
    %dma_wait3A_37 = arith.constant 0 : i32
    %dma_wait3A_38 = tpu.memref_slice %arg13[%dma_wait3A_36, %dma_wait3A_37] : memref<10240x16xf32, #tpu.memory_space<vmem_shared>> -> memref<10240x16xf32, #tpu.memory_space<vmem_shared>>
    tpu.wait_indirect_dma semaphore(%arg19 : memref<!tpu.dma_semaphore, #tpu.memory_space<semaphore_mem>>) src(%arg10 : memref<125x16xf32, #tpu.memory_space<vmem>>) dst(%dma_wait3A_38 : memref<10240x16xf32, #tpu.memory_space<vmem_shared>>)
    %dma_wait3A_39 = arith.constant 78 : i32
    %dma_wait3A_40 = arith.constant 0 : i32
    %dma_wait3A_41 = tpu.memref_slice %arg8[%dma_wait3A_39, %dma_wait3A_40] : memref<80x125xi32, #tpu.memory_space<vmem>> -> memref<1x125xi32, #tpu.memory_space<vmem>>
    %dma_wait3A_42 = tpu.memref_squeeze %dma_wait3A_41 : memref<1x125xi32, #tpu.memory_space<vmem>> -> memref<125xi32, #tpu.memory_space<vmem>>
    %dma_wait3A_43 = arith.constant 0 : i32
    %dma_wait3A_44 = arith.constant 0 : i32
    %dma_wait3A_45 = tpu.memref_slice %arg13[%dma_wait3A_43, %dma_wait3A_44] : memref<10240x16xf32, #tpu.memory_space<vmem_shared>> -> memref<10240x16xf32, #tpu.memory_space<vmem_shared>>
    tpu.wait_indirect_dma semaphore(%arg20 : memref<!tpu.dma_semaphore, #tpu.memory_space<semaphore_mem>>) src(%arg11 : memref<125x16xf32, #tpu.memory_space<vmem>>) dst(%dma_wait3A_45 : memref<10240x16xf32, #tpu.memory_space<vmem_shared>>)
    %dma_wait3A_46 = arith.constant 79 : i32
    %dma_wait3A_47 = arith.constant 0 : i32
    %dma_wait3A_48 = tpu.memref_slice %arg8[%dma_wait3A_46, %dma_wait3A_47] : memref<80x125xi32, #tpu.memory_space<vmem>> -> memref<1x125xi32, #tpu.memory_space<vmem>>
    %dma_wait3A_49 = tpu.memref_squeeze %dma_wait3A_48 : memref<1x125xi32, #tpu.memory_space<vmem>> -> memref<125xi32, #tpu.memory_space<vmem>>
    %dma_wait3A_50 = arith.constant 0 : i32
    %dma_wait3A_51 = arith.constant 0 : i32
    %dma_wait3A_52 = tpu.memref_slice %arg13[%dma_wait3A_50, %dma_wait3A_51] : memref<10240x16xf32, #tpu.memory_space<vmem_shared>> -> memref<10240x16xf32, #tpu.memory_space<vmem_shared>>
    tpu.wait_indirect_dma semaphore(%arg21 : memref<!tpu.dma_semaphore, #tpu.memory_space<semaphore_mem>>) src(%arg12 : memref<125x16xf32, #tpu.memory_space<vmem>>) dst(%dma_wait3A_52 : memref<10240x16xf32, #tpu.memory_space<vmem_shared>>)
    %barrier3A_53 = arith.constant 0 : index
    tpu.barrier barrier_id(%barrier3A_53)
    %lt3A = arith.constant 15 : i32
    %lt3A_54 = arith.cmpi slt, %arg1, %lt3A : i32
    %convert_element_type3A = arith.extui %lt3A_54 : i1 to i32
    %cond3A = arith.constant 0 : i32
    %cond3A_55 = arith.cmpi ne, %convert_element_type3A, %cond3A : i32
    scf.if %cond3A_55 {
      %mul3A_60 = arith.constant 640 : i32
      %mul3A_61 = arith.muli %arg1, %mul3A_60 : i32
      %mul3A_62 = arith.constant 640 : i32
      %mul3A_63 = arith.muli %arg1, %mul3A_62 : i32
      "tpu.region"() ({
        %run_scoped3A = tpu.sem_alloc : memref<!tpu.dma_semaphore, #tpu.memory_space<semaphore_mem>>
        %dma_start3A_64 = arith.constant 0 : i32
        %dma_start3A_65 = tpu.memref_slice %arg6[%arg0, %mul3A_63, %dma_start3A_64] : memref<2x10000x16xf32, #tpu.memory_space<hbm>> -> memref<1x640x16xf32, #tpu.memory_space<hbm>>
        %dma_start3A_66 = tpu.memref_squeeze %dma_start3A_65 : memref<1x640x16xf32, #tpu.memory_space<hbm>> -> memref<640x16xf32, #tpu.memory_space<hbm>>
        %dma_start3A_67 = arith.constant 0 : i32
        %dma_start3A_68 = tpu.memref_slice %arg13[%mul3A_61, %dma_start3A_67] : memref<10240x16xf32, #tpu.memory_space<vmem_shared>> -> memref<640x16xf32, #tpu.memory_space<vmem_shared>>
        tpu.enqueue_dma source(%dma_start3A_68 : memref<640x16xf32, #tpu.memory_space<vmem_shared>>) target(%dma_start3A_66 : memref<640x16xf32, #tpu.memory_space<hbm>>) target_semaphore(%run_scoped3A : memref<!tpu.dma_semaphore, #tpu.memory_space<semaphore_mem>>)
        %dma_wait3A_69 = arith.constant 0 : i32
        %dma_wait3A_70 = tpu.memref_slice %arg6[%arg0, %mul3A_63, %dma_wait3A_69] : memref<2x10000x16xf32, #tpu.memory_space<hbm>> -> memref<1x640x16xf32, #tpu.memory_space<hbm>>
        %dma_wait3A_71 = tpu.memref_squeeze %dma_wait3A_70 : memref<1x640x16xf32, #tpu.memory_space<hbm>> -> memref<640x16xf32, #tpu.memory_space<hbm>>
        %dma_wait3A_72 = arith.constant 0 : i32
        %dma_wait3A_73 = tpu.memref_slice %arg13[%mul3A_61, %dma_wait3A_72] : memref<10240x16xf32, #tpu.memory_space<vmem_shared>> -> memref<640x16xf32, #tpu.memory_space<vmem_shared>>
        tpu.wait_dma2 semaphore(%run_scoped3A : memref<!tpu.dma_semaphore, #tpu.memory_space<semaphore_mem>>) src(%dma_wait3A_73 : memref<640x16xf32, #tpu.memory_space<vmem_shared>>) dst(%dma_wait3A_71 : memref<640x16xf32, #tpu.memory_space<hbm>>)
        tpu.yield
      }) : () -> ()
    } else {
    }
    %eq3A = arith.constant 15 : i32
    %eq3A_56 = arith.cmpi eq, %arg1, %eq3A : i32
    %convert_element_type3A_57 = arith.extui %eq3A_56 : i1 to i32
    %cond3A_58 = arith.constant 0 : i32
    %cond3A_59 = arith.cmpi ne, %convert_element_type3A_57, %cond3A_58 : i32
    scf.if %cond3A_59 {
      "tpu.region"() ({
        %run_scoped3A = tpu.sem_alloc : memref<!tpu.dma_semaphore, #tpu.memory_space<semaphore_mem>>
        %dma_start3A_60 = arith.constant 9600 : i32
        %dma_start3A_61 = arith.constant 0 : i32
        %dma_start3A_62 = tpu.memref_slice %arg6[%arg0, %dma_start3A_60, %dma_start3A_61] : memref<2x10000x16xf32, #tpu.memory_space<hbm>> -> memref<1x400x16xf32, #tpu.memory_space<hbm>>
        %dma_start3A_63 = tpu.memref_squeeze %dma_start3A_62 : memref<1x400x16xf32, #tpu.memory_space<hbm>> -> memref<400x16xf32, #tpu.memory_space<hbm>>
        %dma_start3A_64 = arith.constant 9600 : i32
        %dma_start3A_65 = arith.constant 0 : i32
        %dma_start3A_66 = tpu.memref_slice %arg13[%dma_start3A_64, %dma_start3A_65] : memref<10240x16xf32, #tpu.memory_space<vmem_shared>> -> memref<400x16xf32, #tpu.memory_space<vmem_shared>>
        tpu.enqueue_dma source(%dma_start3A_66 : memref<400x16xf32, #tpu.memory_space<vmem_shared>>) target(%dma_start3A_63 : memref<400x16xf32, #tpu.memory_space<hbm>>) target_semaphore(%run_scoped3A : memref<!tpu.dma_semaphore, #tpu.memory_space<semaphore_mem>>)
        %dma_wait3A_67 = arith.constant 9600 : i32
        %dma_wait3A_68 = arith.constant 0 : i32
        %dma_wait3A_69 = tpu.memref_slice %arg6[%arg0, %dma_wait3A_67, %dma_wait3A_68] : memref<2x10000x16xf32, #tpu.memory_space<hbm>> -> memref<1x400x16xf32, #tpu.memory_space<hbm>>
        %dma_wait3A_70 = tpu.memref_squeeze %dma_wait3A_69 : memref<1x400x16xf32, #tpu.memory_space<hbm>> -> memref<400x16xf32, #tpu.memory_space<hbm>>
        %dma_wait3A_71 = arith.constant 9600 : i32
        %dma_wait3A_72 = arith.constant 0 : i32
        %dma_wait3A_73 = tpu.memref_slice %arg13[%dma_wait3A_71, %dma_wait3A_72] : memref<10240x16xf32, #tpu.memory_space<vmem_shared>> -> memref<400x16xf32, #tpu.memory_space<vmem_shared>>
        tpu.wait_dma2 semaphore(%run_scoped3A : memref<!tpu.dma_semaphore, #tpu.memory_space<semaphore_mem>>) src(%dma_wait3A_73 : memref<400x16xf32, #tpu.memory_space<vmem_shared>>) dst(%dma_wait3A_70 : memref<400x16xf32, #tpu.memory_space<hbm>>)
        tpu.yield
      }) : () -> ()
    } else {
    }
    return
  }
}

module attributes {stable_mosaic.version = 14 : i64} {
  func.func @_tc1_body(%arg0: i32, %arg1: memref<1000x64xf32, #tpu.memory_space<vmem>>, %arg2: memref<1000x64xf32, #tpu.memory_space<vmem>>, %arg3: memref<1000x16xf32, #tpu.memory_space<vmem>>, %arg4: memref<1000x16xf32, #tpu.memory_space<vmem>>, %arg5: memref<1000x128xf32, #tpu.memory_space<vmem>>, %arg6: memref<256x64xf32, #tpu.memory_space<vmem>>, %arg7: memref<256x64xf32, #tpu.memory_space<vmem>>, %arg8: memref<1x256xf32, #tpu.memory_space<vmem>>, %arg9: memref<256x128xf32, #tpu.memory_space<vmem>>, %arg10: memref<64x256xf32, #tpu.memory_space<vmem>>, %arg11: memref<64x256xf32, #tpu.memory_space<vmem>>, %arg12: memref<64x256xf32, #tpu.memory_space<vmem>>, %arg13: memref<64x256xf32, #tpu.memory_space<vmem>>, %arg14: memref<2x64xf32, #tpu.memory_space<vmem>>, %arg15: memref<2x64xf32, #tpu.memory_space<vmem>>, %arg16: memref<1x64xf32, #tpu.memory_space<vmem>>, %arg17: memref<1x64xf32, #tpu.memory_space<vmem>>, %arg18: memref<1x2xf32, #tpu.memory_space<vmem>>, %arg19: memref<1000x16xf32, #tpu.memory_space<vmem>>, %arg20: memref<1000x8xf32, #tpu.memory_space<vmem>>) attributes {dimension_semantics = [#tpu.dimension_semantics<arbitrary>], iteration_bounds = array<i64: 10>, scalar_prefetch = 0 : i64, scratch_operands = 0 : i64, tpu.core_type = #tpu.core_type<tc>, window_params = [{transform_indices = @transform_0, window_bounds = array<i64: 1000, 64>}, {transform_indices = @transform_1, window_bounds = array<i64: 1000, 64>}, {transform_indices = @transform_2, window_bounds = array<i64: 1000, 16>}, {transform_indices = @transform_3, window_bounds = array<i64: 1000, 16>}, {transform_indices = @transform_4, window_bounds = array<i64: 1000, 128>}, {pipeline_mode = #tpu.pipeline_mode<synchronous>, transform_indices = @transform_5, window_bounds = array<i64: 256, 64>}, {pipeline_mode = #tpu.pipeline_mode<synchronous>, transform_indices = @transform_6, window_bounds = array<i64: 256, 64>}, {pipeline_mode = #tpu.pipeline_mode<synchronous>, transform_indices = @transform_7, window_bounds = array<i64: 1, 256>}, {pipeline_mode = #tpu.pipeline_mode<synchronous>, transform_indices = @transform_8, window_bounds = array<i64: 256, 128>}, {pipeline_mode = #tpu.pipeline_mode<synchronous>, transform_indices = @transform_9, window_bounds = array<i64: 64, 256>}, {pipeline_mode = #tpu.pipeline_mode<synchronous>, transform_indices = @transform_10, window_bounds = array<i64: 64, 256>}, {pipeline_mode = #tpu.pipeline_mode<synchronous>, transform_indices = @transform_11, window_bounds = array<i64: 64, 256>}, {pipeline_mode = #tpu.pipeline_mode<synchronous>, transform_indices = @transform_12, window_bounds = array<i64: 64, 256>}, {pipeline_mode = #tpu.pipeline_mode<synchronous>, transform_indices = @transform_13, window_bounds = array<i64: 2, 64>}, {pipeline_mode = #tpu.pipeline_mode<synchronous>, transform_indices = @transform_14, window_bounds = array<i64: 2, 64>}, {pipeline_mode = #tpu.pipeline_mode<synchronous>, transform_indices = @transform_15, window_bounds = array<i64: 1, 64>}, {pipeline_mode = #tpu.pipeline_mode<synchronous>, transform_indices = @transform_16, window_bounds = array<i64: 1, 64>}, {pipeline_mode = #tpu.pipeline_mode<synchronous>, transform_indices = @transform_17, window_bounds = array<i64: 1, 2>}, {transform_indices = @transform_18, window_bounds = array<i64: 1000, 16>}, {transform_indices = @transform_19, window_bounds = array<i64: 1000, 8>}]} {
    %get3A = arith.constant 0 : index
    %get3A_0 = arith.constant 0 : index
    %get3A_1 = vector.load %arg3[%get3A, %get3A_0] : memref<1000x16xf32, #tpu.memory_space<vmem>>, vector<1000x1xf32>
    %get3A_2 = arith.constant 0 : index
    %get3A_3 = arith.constant 0 : index
    %get3A_4 = vector.load %arg4[%get3A_2, %get3A_3] : memref<1000x16xf32, #tpu.memory_space<vmem>>, vector<1000x1xf32>
    %add3A = arith.addf %get3A_1, %get3A_4 : vector<1000x1xf32>
    %max3A = arith.constant 1.000000e+00 : f32
    %max3A_5 = vector.broadcast %max3A : f32 to vector<1000x1xf32>
    %max3A_6 = arith.maximumf %add3A, %max3A_5 : vector<1000x1xf32>
    %get3A_7 = arith.constant 0 : index
    %get3A_8 = arith.constant 0 : index
    %get3A_9 = vector.load %arg1[%get3A_7, %get3A_8] : memref<1000x64xf32, #tpu.memory_space<vmem>>, vector<1000x64xf32>
    %div3A = vector.broadcast %max3A_6 : vector<1000x1xf32> to vector<1000x64xf32>
    %div3A_10 = arith.divf %get3A_9, %div3A : vector<1000x64xf32>
    %get3A_11 = arith.constant 0 : index
    %get3A_12 = arith.constant 0 : index
    %get3A_13 = vector.load %arg6[%get3A_11, %get3A_12] : memref<256x64xf32, #tpu.memory_space<vmem>>, vector<256x64xf32>
    %dot_general3A = arith.constant dense<0.000000e+00> : vector<1000x256xf32>
    %dot_general3A_14 = tpu.matmul %div3A_10, %get3A_13, %dot_general3A {dimension_numbers = #tpu.dot_dimension_numbers<[1], [1], [0], [0], [0, 0, 1, 0], [], []>, precision = #tpu.contract_precision<fp32>, transpose_lhs_hint = false} : vector<1000x64xf32>, vector<256x64xf32>, vector<1000x256xf32> -> vector<1000x256xf32>
    %get3A_15 = arith.constant 0 : index
    %get3A_16 = arith.constant 0 : index
    %get3A_17 = vector.load %arg2[%get3A_15, %get3A_16] : memref<1000x64xf32, #tpu.memory_space<vmem>>, vector<1000x64xf32>
    %div3A_18 = vector.broadcast %max3A_6 : vector<1000x1xf32> to vector<1000x64xf32>
    %div3A_19 = arith.divf %get3A_17, %div3A_18 : vector<1000x64xf32>
    %get3A_20 = arith.constant 0 : index
    %get3A_21 = arith.constant 0 : index
    %get3A_22 = vector.load %arg7[%get3A_20, %get3A_21] : memref<256x64xf32, #tpu.memory_space<vmem>>, vector<256x64xf32>
    %dot_general3A_23 = arith.constant dense<0.000000e+00> : vector<1000x256xf32>
    %dot_general3A_24 = tpu.matmul %div3A_19, %get3A_22, %dot_general3A_23 {dimension_numbers = #tpu.dot_dimension_numbers<[1], [1], [0], [0], [0, 0, 1, 0], [], []>, precision = #tpu.contract_precision<fp32>, transpose_lhs_hint = false} : vector<1000x64xf32>, vector<256x64xf32>, vector<1000x256xf32> -> vector<1000x256xf32>
    %add3A_25 = arith.addf %dot_general3A_14, %dot_general3A_24 : vector<1000x256xf32>
    %get3A_26 = arith.constant 0 : index
    %get3A_27 = arith.constant 0 : index
    %get3A_28 = vector.load %arg8[%get3A_26, %get3A_27] : memref<1x256xf32, #tpu.memory_space<vmem>>, vector<1x256xf32>
    %add3A_29 = vector.broadcast %get3A_28 : vector<1x256xf32> to vector<1000x256xf32>
    %add3A_30 = arith.addf %add3A_25, %add3A_29 : vector<1000x256xf32>
    %get3A_31 = arith.constant 0 : index
    %get3A_32 = arith.constant 0 : index
    %get3A_33 = vector.load %arg5[%get3A_31, %get3A_32] : memref<1000x128xf32, #tpu.memory_space<vmem>>, vector<1000x128xf32>
    %get3A_34 = arith.constant 0 : index
    %get3A_35 = arith.constant 0 : index
    %get3A_36 = vector.load %arg9[%get3A_34, %get3A_35] : memref<256x128xf32, #tpu.memory_space<vmem>>, vector<256x128xf32>
    %dot_general3A_37 = arith.constant dense<0.000000e+00> : vector<1000x256xf32>
    %dot_general3A_38 = tpu.matmul %get3A_33, %get3A_36, %dot_general3A_37 {dimension_numbers = #tpu.dot_dimension_numbers<[1], [1], [0], [0], [0, 0, 1, 0], [], []>, precision = #tpu.contract_precision<fp32>, transpose_lhs_hint = false} : vector<1000x128xf32>, vector<256x128xf32>, vector<1000x256xf32> -> vector<1000x256xf32>
    %add3A_39 = arith.addf %add3A_30, %dot_general3A_38 : vector<1000x256xf32>
    %max3A_40 = arith.constant 0.000000e+00 : f32
    %max3A_41 = vector.broadcast %max3A_40 : f32 to vector<1000x256xf32>
    %max3A_42 = arith.maximumf %add3A_39, %max3A_41 : vector<1000x256xf32>
    %get3A_43 = arith.constant 0 : index
    %get3A_44 = arith.constant 0 : index
    %get3A_45 = vector.load %arg14[%get3A_43, %get3A_44] : memref<2x64xf32, #tpu.memory_space<vmem>>, vector<2x64xf32>
    %get3A_46 = arith.constant 0 : index
    %get3A_47 = arith.constant 0 : index
    %get3A_48 = vector.load %arg10[%get3A_46, %get3A_47] : memref<64x256xf32, #tpu.memory_space<vmem>>, vector<64x256xf32>
    %dot_general3A_49 = arith.constant dense<0.000000e+00> : vector<2x256xf32>
    %dot_general3A_50 = tpu.matmul %get3A_45, %get3A_48, %dot_general3A_49 {dimension_numbers = #tpu.dot_dimension_numbers<[1], [0], [0], [1], [0, 0, 1, 1], [], []>, precision = #tpu.contract_precision<fp32>, transpose_lhs_hint = false} : vector<2x64xf32>, vector<64x256xf32>, vector<2x256xf32> -> vector<2x256xf32>
    %get3A_51 = arith.constant 0 : index
    %get3A_52 = arith.constant 0 : index
    %get3A_53 = vector.load %arg15[%get3A_51, %get3A_52] : memref<2x64xf32, #tpu.memory_space<vmem>>, vector<2x64xf32>
    %get3A_54 = arith.constant 0 : index
    %get3A_55 = arith.constant 0 : index
    %get3A_56 = vector.load %arg11[%get3A_54, %get3A_55] : memref<64x256xf32, #tpu.memory_space<vmem>>, vector<64x256xf32>
    %dot_general3A_57 = arith.constant dense<0.000000e+00> : vector<2x256xf32>
    %dot_general3A_58 = tpu.matmul %get3A_53, %get3A_56, %dot_general3A_57 {dimension_numbers = #tpu.dot_dimension_numbers<[1], [0], [0], [1], [0, 0, 1, 1], [], []>, precision = #tpu.contract_precision<fp32>, transpose_lhs_hint = false} : vector<2x64xf32>, vector<64x256xf32>, vector<2x256xf32> -> vector<2x256xf32>
    %add3A_59 = arith.addf %dot_general3A_50, %dot_general3A_58 : vector<2x256xf32>
    %get3A_60 = arith.constant 0 : index
    %get3A_61 = arith.constant 0 : index
    %get3A_62 = vector.load %arg14[%get3A_60, %get3A_61] : memref<2x64xf32, #tpu.memory_space<vmem>>, vector<2x64xf32>
    %get3A_63 = arith.constant 0 : index
    %get3A_64 = arith.constant 0 : index
    %get3A_65 = vector.load %arg12[%get3A_63, %get3A_64] : memref<64x256xf32, #tpu.memory_space<vmem>>, vector<64x256xf32>
    %dot_general3A_66 = arith.constant dense<0.000000e+00> : vector<2x256xf32>
    %dot_general3A_67 = tpu.matmul %get3A_62, %get3A_65, %dot_general3A_66 {dimension_numbers = #tpu.dot_dimension_numbers<[1], [0], [0], [1], [0, 0, 1, 1], [], []>, precision = #tpu.contract_precision<fp32>, transpose_lhs_hint = false} : vector<2x64xf32>, vector<64x256xf32>, vector<2x256xf32> -> vector<2x256xf32>
    %get3A_68 = arith.constant 0 : index
    %get3A_69 = arith.constant 0 : index
    %get3A_70 = vector.load %arg15[%get3A_68, %get3A_69] : memref<2x64xf32, #tpu.memory_space<vmem>>, vector<2x64xf32>
    %get3A_71 = arith.constant 0 : index
    %get3A_72 = arith.constant 0 : index
    %get3A_73 = vector.load %arg13[%get3A_71, %get3A_72] : memref<64x256xf32, #tpu.memory_space<vmem>>, vector<64x256xf32>
    %dot_general3A_74 = arith.constant dense<0.000000e+00> : vector<2x256xf32>
    %dot_general3A_75 = tpu.matmul %get3A_70, %get3A_73, %dot_general3A_74 {dimension_numbers = #tpu.dot_dimension_numbers<[1], [0], [0], [1], [0, 0, 1, 1], [], []>, precision = #tpu.contract_precision<fp32>, transpose_lhs_hint = false} : vector<2x64xf32>, vector<64x256xf32>, vector<2x256xf32> -> vector<2x256xf32>
    %add3A_76 = arith.addf %dot_general3A_67, %dot_general3A_75 : vector<2x256xf32>
    %dot_general3A_77 = arith.constant dense<0.000000e+00> : vector<1000x2xf32>
    %dot_general3A_78 = tpu.matmul %max3A_42, %add3A_59, %dot_general3A_77 {dimension_numbers = #tpu.dot_dimension_numbers<[1], [1], [0], [0], [0, 0, 1, 0], [], []>, precision = #tpu.contract_precision<fp32>, transpose_lhs_hint = false} : vector<1000x256xf32>, vector<2x256xf32>, vector<1000x2xf32> -> vector<1000x2xf32>
    %dot_general3A_79 = arith.constant dense<0.000000e+00> : vector<1000x2xf32>
    %dot_general3A_80 = tpu.matmul %max3A_42, %add3A_76, %dot_general3A_79 {dimension_numbers = #tpu.dot_dimension_numbers<[1], [1], [0], [0], [0, 0, 1, 0], [], []>, precision = #tpu.contract_precision<fp32>, transpose_lhs_hint = false} : vector<1000x256xf32>, vector<2x256xf32>, vector<1000x2xf32> -> vector<1000x2xf32>
    %get3A_81 = arith.constant 0 : index
    %get3A_82 = arith.constant 0 : index
    %get3A_83 = vector.load %arg16[%get3A_81, %get3A_82] : memref<1x64xf32, #tpu.memory_space<vmem>>, vector<1x64xf32>
    %get3A_84 = arith.constant 0 : index
    %get3A_85 = arith.constant 0 : index
    %get3A_86 = vector.load %arg14[%get3A_84, %get3A_85] : memref<2x64xf32, #tpu.memory_space<vmem>>, vector<2x64xf32>
    %dot_general3A_87 = arith.constant dense<0.000000e+00> : vector<1x2xf32>
    %dot_general3A_88 = tpu.matmul %get3A_83, %get3A_86, %dot_general3A_87 {dimension_numbers = #tpu.dot_dimension_numbers<[1], [1], [0], [0], [0, 0, 1, 0], [], []>, precision = #tpu.contract_precision<fp32>, transpose_lhs_hint = false} : vector<1x64xf32>, vector<2x64xf32>, vector<1x2xf32> -> vector<1x2xf32>
    %add3A_89 = vector.broadcast %dot_general3A_88 : vector<1x2xf32> to vector<1000x2xf32>
    %add3A_90 = arith.addf %dot_general3A_80, %add3A_89 : vector<1000x2xf32>
    %get3A_91 = arith.constant 0 : index
    %get3A_92 = arith.constant 0 : index
    %get3A_93 = vector.load %arg17[%get3A_91, %get3A_92] : memref<1x64xf32, #tpu.memory_space<vmem>>, vector<1x64xf32>
    %get3A_94 = arith.constant 0 : index
    %get3A_95 = arith.constant 0 : index
    %get3A_96 = vector.load %arg15[%get3A_94, %get3A_95] : memref<2x64xf32, #tpu.memory_space<vmem>>, vector<2x64xf32>
    %dot_general3A_97 = arith.constant dense<0.000000e+00> : vector<1x2xf32>
    %dot_general3A_98 = tpu.matmul %get3A_93, %get3A_96, %dot_general3A_97 {dimension_numbers = #tpu.dot_dimension_numbers<[1], [1], [0], [0], [0, 0, 1, 0], [], []>, precision = #tpu.contract_precision<fp32>, transpose_lhs_hint = false} : vector<1x64xf32>, vector<2x64xf32>, vector<1x2xf32> -> vector<1x2xf32>
    %add3A_99 = vector.broadcast %dot_general3A_98 : vector<1x2xf32> to vector<1000x2xf32>
    %add3A_100 = arith.addf %add3A_90, %add3A_99 : vector<1000x2xf32>
    %broadcast_in_dim3A = arith.constant 0.000000e+00 : f32
    %broadcast_in_dim3A_101 = vector.broadcast %broadcast_in_dim3A : f32 to vector<1000x14xf32>
    %concatenate3A = tpu.concatenate %dot_general3A_78, %broadcast_in_dim3A_101 in 1 : vector<1000x2xf32>, vector<1000x14xf32> -> vector<1000x16xf32>
    %swap3A = arith.constant 0 : index
    %swap3A_102 = arith.constant 0 : index
    %swap3A_103 = vector.load %arg19[%swap3A, %swap3A_102] : memref<1000x16xf32, #tpu.memory_space<vmem>>, vector<1000x16xf32>
    tpu.vector_store %arg19[%swap3A, %swap3A_102], %concatenate3A {strides = array<i32>} : memref<1000x16xf32, #tpu.memory_space<vmem>>, vector<1000x16xf32>,
    %get3A_104 = arith.constant 0 : index
    %get3A_105 = arith.constant 0 : index
    %get3A_106 = vector.load %arg18[%get3A_104, %get3A_105] : memref<1x2xf32, #tpu.memory_space<vmem>>, vector<1x2xf32>
    %add3A_107 = vector.broadcast %get3A_106 : vector<1x2xf32> to vector<1000x2xf32>
    %add3A_108 = arith.addf %add3A_100, %add3A_107 : vector<1000x2xf32>
    %broadcast_in_dim3A_109 = arith.constant 0.000000e+00 : f32
    %broadcast_in_dim3A_110 = vector.broadcast %broadcast_in_dim3A_109 : f32 to vector<1000x6xf32>
    %concatenate3A_111 = tpu.concatenate %add3A_108, %broadcast_in_dim3A_110 in 1 : vector<1000x2xf32>, vector<1000x6xf32> -> vector<1000x8xf32>
    %swap3A_112 = arith.constant 0 : index
    %swap3A_113 = arith.constant 0 : index
    %swap3A_114 = vector.load %arg20[%swap3A_112, %swap3A_113] : memref<1000x8xf32, #tpu.memory_space<vmem>>, vector<1000x8xf32>
    tpu.vector_store %arg20[%swap3A_112, %swap3A_113], %concatenate3A_111 {strides = array<i32>} : memref<1000x8xf32, #tpu.memory_space<vmem>>, vector<1000x8xf32>,
    return
  }
  func.func @transform_0(%arg0: i32) -> (i32, i32) {
    %c0_i32 = arith.constant 0 : i32
    %c0_i32_0 = arith.constant 0 : i32
    return %arg0, %c0_i32 : i32, i32
  }
  func.func @transform_1(%arg0: i32) -> (i32, i32) {
    %c0_i32 = arith.constant 0 : i32
    %c0_i32_0 = arith.constant 0 : i32
    return %arg0, %c0_i32 : i32, i32
  }
  func.func @transform_2(%arg0: i32) -> (i32, i32) {
    %c0_i32 = arith.constant 0 : i32
    %c0_i32_0 = arith.constant 0 : i32
    return %arg0, %c0_i32 : i32, i32
  }
  func.func @transform_3(%arg0: i32) -> (i32, i32) {
    %c0_i32 = arith.constant 0 : i32
    %c0_i32_0 = arith.constant 0 : i32
    return %arg0, %c0_i32 : i32, i32
  }
  func.func @transform_4(%arg0: i32) -> (i32, i32) {
    %c0_i32 = arith.constant 0 : i32
    %c0_i32_0 = arith.constant 0 : i32
    return %arg0, %c0_i32 : i32, i32
  }
  func.func @transform_5(%arg0: i32) -> (i32, i32) {
    %c0_i32 = arith.constant 0 : i32
    %c0_i32_0 = arith.constant 0 : i32
    %c0_i32_1 = arith.constant 0 : i32
    return %c0_i32, %c0_i32_0 : i32, i32
  }
  func.func @transform_6(%arg0: i32) -> (i32, i32) {
    %c0_i32 = arith.constant 0 : i32
    %c0_i32_0 = arith.constant 0 : i32
    %c0_i32_1 = arith.constant 0 : i32
    return %c0_i32, %c0_i32_0 : i32, i32
  }
  func.func @transform_7(%arg0: i32) -> (i32, i32) {
    %c0_i32 = arith.constant 0 : i32
    %c0_i32_0 = arith.constant 0 : i32
    %c0_i32_1 = arith.constant 0 : i32
    return %c0_i32, %c0_i32_0 : i32, i32
  }
  func.func @transform_8(%arg0: i32) -> (i32, i32) {
    %c0_i32 = arith.constant 0 : i32
    %c0_i32_0 = arith.constant 0 : i32
    %c0_i32_1 = arith.constant 0 : i32
    return %c0_i32, %c0_i32_0 : i32, i32
  }
  func.func @transform_9(%arg0: i32) -> (i32, i32) {
    %c0_i32 = arith.constant 0 : i32
    %c0_i32_0 = arith.constant 0 : i32
    %c0_i32_1 = arith.constant 0 : i32
    return %c0_i32, %c0_i32_0 : i32, i32
  }
  func.func @transform_10(%arg0: i32) -> (i32, i32) {
    %c0_i32 = arith.constant 0 : i32
    %c0_i32_0 = arith.constant 0 : i32
    %c0_i32_1 = arith.constant 0 : i32
    return %c0_i32, %c0_i32_0 : i32, i32
  }
  func.func @transform_11(%arg0: i32) -> (i32, i32) {
    %c0_i32 = arith.constant 0 : i32
    %c0_i32_0 = arith.constant 0 : i32
    %c0_i32_1 = arith.constant 0 : i32
    return %c0_i32, %c0_i32_0 : i32, i32
  }
  func.func @transform_12(%arg0: i32) -> (i32, i32) {
    %c0_i32 = arith.constant 0 : i32
    %c0_i32_0 = arith.constant 0 : i32
    %c0_i32_1 = arith.constant 0 : i32
    return %c0_i32, %c0_i32_0 : i32, i32
  }
  func.func @transform_13(%arg0: i32) -> (i32, i32) {
    %c0_i32 = arith.constant 0 : i32
    %c0_i32_0 = arith.constant 0 : i32
    %c0_i32_1 = arith.constant 0 : i32
    return %c0_i32, %c0_i32_0 : i32, i32
  }
  func.func @transform_14(%arg0: i32) -> (i32, i32) {
    %c0_i32 = arith.constant 0 : i32
    %c0_i32_0 = arith.constant 0 : i32
    %c0_i32_1 = arith.constant 0 : i32
    return %c0_i32, %c0_i32_0 : i32, i32
  }
  func.func @transform_15(%arg0: i32) -> (i32, i32) {
    %c0_i32 = arith.constant 0 : i32
    %c0_i32_0 = arith.constant 0 : i32
    %c0_i32_1 = arith.constant 0 : i32
    return %c0_i32, %c0_i32_0 : i32, i32
  }
  func.func @transform_16(%arg0: i32) -> (i32, i32) {
    %c0_i32 = arith.constant 0 : i32
    %c0_i32_0 = arith.constant 0 : i32
    %c0_i32_1 = arith.constant 0 : i32
    return %c0_i32, %c0_i32_0 : i32, i32
  }
  func.func @transform_17(%arg0: i32) -> (i32, i32) {
    %c0_i32 = arith.constant 0 : i32
    %c0_i32_0 = arith.constant 0 : i32
    %c0_i32_1 = arith.constant 0 : i32
    return %c0_i32, %c0_i32_0 : i32, i32
  }
  func.func @transform_18(%arg0: i32) -> (i32, i32) {
    %c0_i32 = arith.constant 0 : i32
    %c0_i32_0 = arith.constant 0 : i32
    return %arg0, %c0_i32 : i32, i32
  }
  func.func @transform_19(%arg0: i32) -> (i32, i32) {
    %c0_i32 = arith.constant 0 : i32
    %c0_i32_0 = arith.constant 0 : i32
    return %arg0, %c0_i32 : i32, i32
  }
}

module attributes {stable_mosaic.version = 14 : i64} {
  func.func @_tc2_body(%arg0: i32, %arg1: memref<1000x16xf32, #tpu.memory_space<vmem>>, %arg2: memref<1000x16xf32, #tpu.memory_space<vmem>>, %arg3: memref<1000x16xf32, #tpu.memory_space<vmem>>, %arg4: memref<1000x16xf32, #tpu.memory_space<vmem>>, %arg5: memref<1000x8xf32, #tpu.memory_space<vmem>>, %arg6: memref<1000x8xf32, #tpu.memory_space<vmem>>) attributes {dimension_semantics = [#tpu.dimension_semantics<arbitrary>], iteration_bounds = array<i64: 10>, scalar_prefetch = 0 : i64, scratch_operands = 0 : i64, tpu.core_type = #tpu.core_type<tc>, window_params = [{transform_indices = @transform_0, window_bounds = array<i64: 1000, 16>}, {transform_indices = @transform_1, window_bounds = array<i64: 1000, 16>}, {transform_indices = @transform_2, window_bounds = array<i64: 1000, 16>}, {transform_indices = @transform_3, window_bounds = array<i64: 1000, 16>}, {transform_indices = @transform_4, window_bounds = array<i64: 1000, 8>}, {transform_indices = @transform_5, window_bounds = array<i64: 1000, 8>}]} {
    %get3A = arith.constant 0 : index
    %get3A_0 = arith.constant 0 : index
    %get3A_1 = vector.load %arg3[%get3A, %get3A_0] : memref<1000x16xf32, #tpu.memory_space<vmem>>, vector<1000x1xf32>
    %get3A_2 = arith.constant 0 : index
    %get3A_3 = arith.constant 0 : index
    %get3A_4 = vector.load %arg4[%get3A_2, %get3A_3] : memref<1000x16xf32, #tpu.memory_space<vmem>>, vector<1000x1xf32>
    %add3A = arith.addf %get3A_1, %get3A_4 : vector<1000x1xf32>
    %max3A = arith.constant 1.000000e+00 : f32
    %max3A_5 = vector.broadcast %max3A : f32 to vector<1000x1xf32>
    %max3A_6 = arith.maximumf %add3A, %max3A_5 : vector<1000x1xf32>
    %get3A_7 = arith.constant 0 : index
    %get3A_8 = arith.constant 0 : index
    %get3A_9 = vector.load %arg1[%get3A_7, %get3A_8] : memref<1000x16xf32, #tpu.memory_space<vmem>>, vector<1000x16xf32>
    %get3A_10 = arith.constant 0 : index
    %get3A_11 = arith.constant 0 : index
    %get3A_12 = vector.load %arg2[%get3A_10, %get3A_11] : memref<1000x16xf32, #tpu.memory_space<vmem>>, vector<1000x16xf32>
    %add3A_13 = arith.addf %get3A_9, %get3A_12 : vector<1000x16xf32>
    %slice3A = vector.extract_strided_slice %add3A_13 {offsets = [0, 0], sizes = [1000, 2], strides = [1, 1]} : vector<1000x16xf32> to vector<1000x2xf32>
    %div3A = vector.broadcast %max3A_6 : vector<1000x1xf32> to vector<1000x2xf32>
    %div3A_14 = arith.divf %slice3A, %div3A : vector<1000x2xf32>
    %get3A_15 = arith.constant 0 : index
    %get3A_16 = arith.constant 0 : index
    %get3A_17 = vector.load %arg5[%get3A_15, %get3A_16] : memref<1000x8xf32, #tpu.memory_space<vmem>>, vector<1000x2xf32>
    %add3A_18 = arith.addf %div3A_14, %get3A_17 : vector<1000x2xf32>
    %broadcast_in_dim3A = arith.constant 0.000000e+00 : f32
    %broadcast_in_dim3A_19 = vector.broadcast %broadcast_in_dim3A : f32 to vector<1000x6xf32>
    %concatenate3A = tpu.concatenate %add3A_18, %broadcast_in_dim3A_19 in 1 : vector<1000x2xf32>, vector<1000x6xf32> -> vector<1000x8xf32>
    %swap3A = arith.constant 0 : index
    %swap3A_20 = arith.constant 0 : index
    %swap3A_21 = vector.load %arg6[%swap3A, %swap3A_20] : memref<1000x8xf32, #tpu.memory_space<vmem>>, vector<1000x8xf32>
    tpu.vector_store %arg6[%swap3A, %swap3A_20], %concatenate3A {strides = array<i32>} : memref<1000x8xf32, #tpu.memory_space<vmem>>, vector<1000x8xf32>,
    return
  }
  func.func @transform_0(%arg0: i32) -> (i32, i32) {
    %c0_i32 = arith.constant 0 : i32
    %c0_i32_0 = arith.constant 0 : i32
    return %arg0, %c0_i32 : i32, i32
  }
  func.func @transform_1(%arg0: i32) -> (i32, i32) {
    %c0_i32 = arith.constant 0 : i32
    %c0_i32_0 = arith.constant 0 : i32
    return %arg0, %c0_i32 : i32, i32
  }
  func.func @transform_2(%arg0: i32) -> (i32, i32) {
    %c0_i32 = arith.constant 0 : i32
    %c0_i32_0 = arith.constant 0 : i32
    return %arg0, %c0_i32 : i32, i32
  }
  func.func @transform_3(%arg0: i32) -> (i32, i32) {
    %c0_i32 = arith.constant 0 : i32
    %c0_i32_0 = arith.constant 0 : i32
    return %arg0, %c0_i32 : i32, i32
  }
  func.func @transform_4(%arg0: i32) -> (i32, i32) {
    %c0_i32 = arith.constant 0 : i32
    %c0_i32_0 = arith.constant 0 : i32
    return %arg0, %c0_i32 : i32, i32
  }
  func.func @transform_5(%arg0: i32) -> (i32, i32) {
    %c0_i32 = arith.constant 0 : i32
    %c0_i32_0 = arith.constant 0 : i32
    return %arg0, %c0_i32 : i32, i32
  }
}

</mosaic_0001>

<sc_bundles>
// kernel: sc_edge_agg_halved_cnt1.3.cloned.1.call-start
scs
__scs_entry_jumppad:
0x0: {  	(pc) =	sbr.rel $0x88, $3  }
0x1: {  	(tag) =	ssettag $0x0;
	lr =	simm.s32 $0x1  }
0x2: {  	[smem:$0x3F96] =	sst lr;
	_ =	strace $0xD0000000  }
0x3: {  	_ = 	snop  }
0x4: {  	_ = 	snop  }
0x5: {  	_ = 	snop  }
0x6: {  	_ = 	snop  }
0x7: {  	_ = 	snop  }
__scs_overlays_trampoline_lowered:
0x8: {  	[smem:$0x3FA5] =	sst s0  }
0x9: {  	[smem:$0x3FA6] =	sst s1  }
0xa: {  	[smem:$0x3FA7] =	sst s2  }
0xb: {  	[smem:$0x3FA8] =	sst s3  }
0xc: {  	[smem:$0x3FA9] =	sst s4  }
0xd: {  	[smem:$0x3FAA] =	sst s5  }
0xe: {  	[smem:$0x3FAB] =	sst s6  }
0xf: {  	[smem:$0x3FAC] =	sst s7  }
0x10: {  	[smem:$0x3FAD] =	sst s8  }
0x11: {  	[smem:$0x3FAE] =	sst s9;
	s0 =	simm.s32 @!p0 $0x0  }
0x12: {  	s1 =	sld [smem:$0x3F94];
	s0 =	simm.s32 @p0 $0x1  }
0x13: {  	[smem:$0x3FAF] =	sst s0;
	s0 =	simm.s32 @!p1 $0x0  }
0x14: {  	s2 =	sld [smem:$0x3F93];
	s0 =	simm.s32 @p1 $0x1  }
0x15: {  	[smem:$0x3FB0] =	sst s0;
	s0 =	simm.s32 @!p2 $0x0  }
0x16: {  	s3 =	sld [smem:$0x3FDB];
	s0 =	simm.s32 @p2 $0x1  }
0x17: {  	s4 =	simm.s32 $0x1BF5;
	[smem:$0x3FB2] =	sst s0  }
0x18: {  	s0 =	sld [smem:$0x3F95];
	_ =	swait.ge [sflag:s4], $0x0  }
0x19: {  	s7 =	sld [smem:$0x3F96]  }
0x1a: {  	s8 =	sadd.s32 $0xFFFFE003, lr  }
0x1b: {  	s9 =	sadd.s32 $0xFFFFFEF7, lr;
	s5 =	simm.s32 $0xFFFFFFFF;
	p2 =	slt.u32 s8, $0xFFFFF086  }
0x1c: {  	p1 =	slt.u32 s9, $0xF7A;
	s5 =	simm.s32 @!p2 $0x0  }
0x1d: {  	s5 =	simm.s32 @p1 $0x1;
	p0 =	seq.s32 s7, s2  }
0x1e: {  	s7 =	smul.u32 @!p0 $0xF7A, s2;
	p2 =	seq.s32 @!p0 s5, $0x0  }
0x1f: {  	s9 =	smul.u32 $0xF7A, s1;
	s8 =	simm.s32 @!p0 $0x1BF5;
	p2 =	por !p2, p0  }
0x20: {  	[sflag:s8] =	ssyncset.s32 @!p0 $0xFFFFF086;
	s6 =	sadd.s32 @!p0 s3, s7;
	s7 =	simm.s32 @!p0 $0x108  }
0x21: {  	s3 =	sadd.s32 s3, s9;
	s6 =	sadd.s32 @!p0 $0x88, s6;
	s7 =	simm.s32 @p2 $0x1082  }
0x22: {  	[simem:s7], [sflag:s8] =	dma.local @!p0 [hbm:s6], $0xF7A  }
0x23: {  	s9 =	sor.u32 $0xD0000000, s2;
	s6 =	simm.s32 $0x108;
	_ =	swait.ge @!p0 [sflag:s8], $0x0  }
0x24: {  	s3 =	sadd.s32 $0x88, s3;
	s6 =	simm.s32 @!p1 $0x1082;
	[sflag:s4] =	ssyncset.s32 $0xFFFFF086  }
0x25: {  	[simem:s6], [sflag:s4] =	dma.local [hbm:s3], $0xF7A  }
0x26: {  	[smem:$0x3F96] =	sst s1;
	(tag) =	ssettag s2;
	_ =	strace s9  }
0x27: {  	s1 =	sld [smem:$0x3FA6]  }
0x28: {  	s2 =	sld [smem:$0x3FA7]  }
0x29: {  	s4 =	sld [smem:$0x3FA9]  }
0x2a: {  	p0 =	seq.s32 s5, $0x0;
	s5 =	sld [smem:$0x3FAA]  }
0x2b: {  	s6 =	sld [smem:$0x3FAB]  }
0x2c: {  	s7 =	sld [smem:$0x3FAC]  }
0x2d: {  	s3 =	simm.s32 $0x108;
	s8 =	sld [smem:$0x3FAD]  }
0x2e: {  	s3 =	simm.s32 @!p0 $0x1082;
	s9 =	sld [smem:$0x3FAE]  }
0x2f: {  	lr =	sadd.s32 s0, s3;
	s0 =	sld [smem:$0x3FA5]  }
0x30: {  	s3 =	sld [smem:$0x3FA8]  }
0x31: {  	[smem:$0x3FB1] =	sst s10  }
0x32: {  	s10 =	sld [smem:$0x3FAF];
	_ =	sdelay $0x3  }
0x33: {  	p0 =	seq.s32 s10, $0x1;
	s10 =	sld [smem:$0x3FB1];
	_ =	sdelay $0x3  }
0x34: {  	[smem:$0x3FB1] =	sst s10  }
0x35: {  	s10 =	sld [smem:$0x3FB0];
	_ =	sdelay $0x3  }
0x36: {  	p1 =	seq.s32 s10, $0x1;
	s10 =	sld [smem:$0x3FB1];
	_ =	sdelay $0x3  }
0x37: {  	[smem:$0x3FB1] =	sst s10  }
0x38: {  	s10 =	sld [smem:$0x3FB2]  }
0x39: {  	_ = 	snop;
	(pc) =	sbr.ind lr, $3  }
0x3a: {  	_ = 	snop  }
0x3b: {  	_ = 	snop  }
0x3c: {  	p2 =	seq.s32 s10, $0x1;
	s10 =	sld [smem:$0x3FB1]  }
0x3d: {  	_ =	shalt  }
0x3e: {  	_ =	shalt  }
0x3f: {  	_ =	shalt  }
0x40: {  	_ =	shalt  }
0x41: {  	_ =	shalt  }
0x42: {  	_ =	shalt  }
0x43: {  	_ =	shalt  }
0x44: {  	_ =	shalt  }
0x45: {  	_ =	shalt  }
0x46: {  	_ =	shalt  }
0x47: {  	_ =	shalt  }
0x48: {  	_ =	shalt  }
0x49: {  	_ =	shalt  }
0x4a: {  	_ =	shalt  }
0x4b: {  	_ =	shalt  }
0x4c: {  	_ =	shalt  }
0x4d: {  	_ =	shalt  }
0x4e: {  	_ =	shalt  }
0x4f: {  	_ =	shalt  }
0x50: {  	_ =	shalt  }
0x51: {  	_ =	shalt  }
0x52: {  	_ =	shalt  }
0x53: {  	_ =	shalt  }
0x54: {  	_ =	shalt  }
0x55: {  	_ =	shalt  }
0x56: {  	_ =	shalt  }
0x57: {  	_ =	shalt  }
0x58: {  	_ =	shalt  }
0x59: {  	_ =	shalt  }
0x5a: {  	_ =	shalt  }
0x5b: {  	_ =	shalt  }
0x5c: {  	_ =	shalt  }
0x5d: {  	_ =	shalt  }
0x5e: {  	_ =	shalt  }
0x5f: {  	_ =	shalt  }
0x60: {  	_ =	shalt  }
0x61: {  	_ =	shalt  }
0x62: {  	_ =	shalt  }
0x63: {  	_ =	shalt  }
0x64: {  	_ =	shalt  }
0x65: {  	_ =	shalt  }
0x66: {  	_ =	shalt  }
0x67: {  	_ =	shalt  }
0x68: {  	_ =	shalt  }
0x69: {  	_ =	shalt  }
0x6a: {  	_ =	shalt  }
0x6b: {  	_ =	shalt  }
0x6c: {  	_ =	shalt  }
0x6d: {  	_ =	shalt  }
0x6e: {  	_ =	shalt  }
0x6f: {  	_ =	shalt  }
0x70: {  	_ =	shalt  }
0x71: {  	_ =	shalt  }
0x72: {  	_ =	shalt  }
0x73: {  	_ =	shalt  }
0x74: {  	_ =	shalt  }
0x75: {  	_ =	shalt  }
0x76: {  	_ =	shalt  }
0x77: {  	_ =	shalt  }
0x78: {  	_ =	shalt  }
0x79: {  	_ =	shalt  }
0x7a: {  	_ =	shalt  }
0x7b: {  	_ =	shalt  }
0x7c: {  	_ =	shalt  }
0x7d: {  	_ =	shalt  }
0x7e: {  	_ =	shalt  }
0x7f: {  	_ =	shalt  }
0x80: {  	_ =	shalt  }
0x81: {  	_ =	shalt  }
0x82: {  	_ =	shalt  }
0x83: {  	_ =	shalt  }
0x84: {  	_ =	shalt  }
0x85: {  	_ =	shalt  }
0x86: {  	_ =	shalt  }
0x87: {  	_ =	shalt  }
.Lfunc_end0:
.L_simem_size_0:
called_computation_lowered:
.L_overlay_start_0:
0x88: {  	s2 =	sld [smem:$0x3FD9]  }
0x89: {  	s3 =	sld [smem:$0x3FFE];
	_ =	sdelay $0x1  }
0x8a: {  	s1 =	srdreg.scid  }
0x8b: {  	s0 =	sand.u32 $0x1, s1  }
0x8c: {  	s17 =	sshll.u32 s0, $0xA;
	s2 =	sadd.s32 s3, s2  }
0x8d: {  	s2 =	sadd.s32 s2, s17  }
0x8e: {  	[smem:$0x3FBD] =	sst s2  }
0x8f: {  	_ = 	snop  }
0x90: {  	s2 =	sld [smem:$0x3FD0];
	(tm) =	ssettm $0x1  }
0x91: {  	s18 =	sld [smem:$0x3FFB];
	_ =	sdelay $0x3  }
0x92: {  	_ =	strace s18  }
0x93: {  	s3 =	sld [smem:$0x3FFC];
	_ =	sdelay $0x3  }
0x94: {  	_ =	strace s3  }
0x95: {  	s3 =	sld [smem:$0x3FFD];
	_ =	sdelay $0x3  }
0x96: {  	_ =	strace s3  }
0x97: {  	_ =	strace $0x8FFFFFFF  }
0x98: {  	s19 =	sld [smem:$0x3FDB];
	_ =	sdelay $0x1  }
0x99: {  	s4 =	simm.s32 $_scs_section_size  }
0x9a: {  	s5 =	simm.s32 $_size__tile_overlayer_lowered;
	s6 =	simm.s32 $_tile_overlayer_lowered  }
0x9b: {  	s22 =	simm.s32 $0x1BFF;
	s21 =	sshll.u32 s6, $0x1;
	s3 =	sadd.s32 s4, s19  }
0x9c: {  	s7 =	simm.s32 $0x0;
	s20 =	sshll.u32 s5, $0x1;
	s5 =	sadd.s32 s21, s3  }
0x9d: {  	[timem:s7], [sflag:s22] =	dma.local [hbm:s5], s20  }
0x9e: {  	_ =	swait.ge [sflag:s22], s20  }
0x9f: {  	s4 =	ssub.s32 $0x0, s20;
	[sflag:s22] =	ssyncset.done $0x0  }
0xa0: {  	[sflag:s22] =	ssyncadd.s32 s4;
	_ =	sdelay $0x1  }
0xa1: {  	s23 =	simm.s32 $0x1B8B  }
0xa2: {  	_ =	swait.ge [sflag:s23], $0x1  }
0xa3: {  	[sflag:s23] =	ssyncset.done $0x0  }
0xa4: {  	s25 =	simm.s32 $0x1B8E;
	s24 =	sld [smem:$0x3FFE];
	[sflag:s23] =	ssyncadd.s32 $0xFFFFFFFF  }
0xa5: {  	s26 =	simm.s32 $execute0_lowered;
	[smem:$0x3FD2] =	sst s25  }
0xa6: {  	s5 =	sshll.u32 s26, $0x1;
	_ =	strace $0x80000046;
	[dreg:$0x1] =	wrdreg $0xFFFFFFFF  }
0xa7: {  	s28 =	simm.s32 $_size_execute0_lowered;
	s3 =	sadd.s32 s3, s5;
	[dreg:$0x0] =	wrdreg $0x0  }
0xa8: {  	s5 =	sshll.u32 s28, $0x1;
	[dreg:$0x2] =	wrdreg s3  }
0xa9: {  	[dreg:$0x3] =	wrdreg s5  }
0xaa: {  	[dreg:$0x4] =	wrdreg $0xC0  }
0xab: {  	_ =	task [dreg:s7], $0x5FFFF  }
0xac: {  	[dreg:$0x1] =	wrdreg $0xFFFFFFFF  }
0xad: {  	[dreg:$0x0] =	wrdreg $0x60  }
0xae: {  	[dreg:$0x2] =	wrdreg s24  }
0xaf: {  	[dreg:$0x3] =	wrdreg s2  }
0xb0: {  	[dreg:$0x4] =	wrdreg $0x11D000  }
0xb1: {  	[dreg:$0x5] =	wrdreg $0x1C4D00  }
0xb2: {  	[dreg:$0x6] =	wrdreg $0x9  }
0xb3: {  	_ =	task.clear_ibuf [dreg:s7], $0x7FFFF;
	_ =	strace $0x90000046  }
0xb4: {  	s29 =	simm.s32 $0x9;
	_ =	strace $0x80000048  }
0xb5: {  	_ =	swait.ge [sflag:s29], $0x1  }
0xb6: {  	[sflag:s29] =	ssyncadd.s32 $0xFFFFFFFF  }
0xb7: {  	_ =	strace $0x90000048  }
0xb8: {  	_ =	sfence  }
0xb9: {  	s30 =	sld [smem:$0x0];
	_ =	sdelay $0x2  }
0xba: {  	s31 =	sshll.u32 s1, $0xD;
	s1 =	sshrl.u32 s1, $0x2  }
0xbb: {  	s3 =	sand.u32 $0x4000, s31;
	s1 =	sadd.s32 s1, s30  }
0xbc: {  	s0 =	sor.u32 s3, s0;
	s1 =	sshll.u32 s1, $0x11  }
0xbd: {  	s0 =	sor.u32 s1, s0  }
0xbe: {  	s0 =	sadd.s32 $0x8F2B, s0  }
0xbf: {  	[sflag:s0] =	ssyncadd.remote.s32 $0x1  }
0xc0: {  	_ =	sfence.sel $0xFFFF  }
0xc1: {  	[dreg:$0x0] =	wrdreg $0xFFFFFFFF;
	(pc) =	sbr.abs _section_cstart, $3  }
0xc2: {  	[dreg:$0x1] =	wrdreg $0xFFFFFFFF  }
0xc3: {  	_ =	task.clear_ibuf [dreg:s7], $0x2FFFF;
	_ =	strace $0x9FFFFFFF  }
0xc4: {  	(tm) =	ssettm $0x7FFFFFFF  }
0xc5: {  	_ =	shalt  }
tec
execute0_lowered:
.L_overlay_start_1:
0x0: {  	(tag) =	ssettag $0x1  }
0x1: {  	s0 =	rddreg [dreg:$0x0]  }
0x2: {  	s3 =	rddreg [dreg:$0x2]  }
0x3: {  	s4 =	rddreg [dreg:$0x3];
	s1 =	simm.s32 $0x0  }
0x4: {  	s17 =	stileid.u32;
	s2 =	srdreg.scid;
	s29 =	simm.s32 $0xBF40  }
0x5: {  	s31 =	simm.s32 $0xDE80;
	s30 =	simm.s32 $0x5;
	s28 =	simm.s32 $0x6  }
0x6: {  	s5 =	simm.s32 $0x9F80;
	[smem:$0x7FF] =	sst s1;
	s16 =	smul.u32 $0xA00, s17  }
0x7: {  	s6 =	sadd.s32 $0x2AA00, s0;
	s7 =	sadd.s32 $0x17000, s0;
	s8 =	sadd.s32 $0x3E600, s0  }
0x8: {  	s18 =	sadd.s32 $0x3E400, s0;
	s2 =	sand.u32 $0x1, s2;
	s13 =	smul.u32 $0xA000, s17  }
0x9: {  	s19 =	sadd.s32 $0x48A00, s0;
	s14 =	smul.u32 $0x2800, s17;
	s11 =	sshll.u32 s17, $0x6  }
0xa: {  	p1 =	seq.s32 s17, $0xF;
	_ =	strace $0x80000047;
	[dreg:$0x5] =	wrdreg s8  }
0xb: {  	[dreg:$0x6] =	wrdreg s18;
	s9 =	ssub.s32 $0x2, s2;
	s15 =	smul.u32 $0x9C400, s2  }
0xc: {  	s11 =	sor.u32 $0x1C0A, s11;
	s20 =	smul.u32 $0x27100, s2;
	p0 =	seq.s32 s2, $0x1  }
0xd: {  	s8 =	simm.s32 $0x4;
	s1 =	sadd.s32 s16, s0;
	s10 =	sshrl.u32 s9, $0x1  }
0xe: {  	s0 =	sadd.s32 $0x3EC00, s0;
	s12 =	sadd.s32 s14, s4;
	s9 =	ssub.s32 s9, s10  }
0xf: {  	s10 =	sadd.s32 s13, s3;
	s16 =	sadd.s32 $0xD000, s1;
	s13 =	sadd.s32 s13, s15  }
0x10: {  	s1 =	sadd.s32 $0x3000, s1;
	s22 =	sadd.s32 s14, s20;
	s23 =	sshrl.u32 s15, $0x3  }
0x11: {  	s24 =	sshrl.u32 s20, $0x3;
	s20 =	simm.s32 $0xA;
	[dreg:$0x7] =	wrdreg s16  }
0x12: {  	s14 =	simm.s32 $0x8;
	s15 =	simm.s32 $0x9;
	[dreg:$0x8] =	wrdreg s1  }
0x13: {  	s21 =	sshrl.u32 s13, $0x3;
	s2 =	sadd.s32 s19, s23;
	s26 =	smax.u32 s9, $0x1  }
0x14: {  	s23 =	simm.s32 $0x7D;
	s9 =	simm.s32 $0x7;
	s13 =	simm.s32 $0x1  }
0x15: {  	s16 =	simm.s32 $0x0;
	s1 =	sadd.s32 s19, s21;
	s25 =	sadd.s32 $0x12C00, s2  }
0x16: {  	[dreg:$0xd] =	wrdreg s26;
	s21 =	simm.s32 $0x1BD00;
	s19 =	simm.s32 $0x5000  }
0x17: {  	s26 =	simm.s32 $0xA000;
	[dreg:$0x9] =	wrdreg s1;
	s1 =	sshrl.u32 s22, $0x3  }
0x18: {  	[dreg:$0xb] =	wrdreg s25;
	s1 =	sadd.s32 s0, s1;
	s0 =	sadd.s32 s0, s24  }
0x19: {  	[dreg:$0xa] =	wrdreg s1;
	s1 =	sadd.s32 $0x96000, s3;
	s0 =	sadd.s32 $0x4B00, s0  }
0x1a: {  	[dreg:$0xc] =	wrdreg s0;
	s0 =	sadd.s32 $0x25800, s4;
	s1 =	sshrl.u32 @p1 s1, $0x3  }
0x1b: {  	s2 =	simm.s32 $0xFDC0;
	[dreg:$0xe] =	wrdreg s1;
	s0 =	sshrl.u32 @p1 s0, $0x3  }
0x1c: {  	s1 =	simm.s32 $0x2;
	[dreg:$0xf] =	wrdreg s0;
	s0 =	simm.s32 $0x3  }
.LBB2_1:
0x1d: {  	s17 =	sshrl.u32 s10, $0x3;
	s18 =	rddreg [dreg:$0x1]  }
0x1e: {  	[spmem:s17], [sflag:s11] =	dma.local [hbm:s18], $0x1400  }
0x1f: {  	_ =	swait.ge [sflag:s20], $0x1400  }
0x20: {  	[sflag:s20] =	ssyncset.done $0x0  }
0x21: {  	s24 =	sshrl.u32 s12, $0x3;
	s25 =	rddreg [dreg:$0x5];
	[sflag:s20] =	ssyncadd.s32 $0xFFFFEC00  }
0x22: {  	[spmem:s24], [sflag:s11] =	dma.local [hbm:s25], $0x500  }
0x23: {  	_ =	swait.ge [sflag:s20], $0x500  }
0x24: {  	[sflag:s20] =	ssyncset.done $0x0  }
0x25: {  	s22 =	simm.s32 $0x0;
	s18 =	rddreg [dreg:$0x6];
	[sflag:s20] =	ssyncadd.s32 $0xFFFFFB00  }
0x26: {  	[tilespmem:s21], [sflag:$0xA] =	stream.linear.gather [hbm4b:s18+s22], $0x7D0, $0x38;
	[tilespmem:$0x1ECD0] =	vst v63  }
0x27: {  	_ =	swait.ge [sflag:s20], $0x7D0  }
0x28: {  	[sflag:s20] =	ssyncset.done $0x0  }
0x29: {  	s24 =	rddreg [dreg:$0x7];
	[sflag:s20] =	ssyncadd.s32 $0xFFFFF830  }
0x2a: {  	[tilespmem:s22], [sflag:$0xA] =	stream.linear.gather [hbm4b:s24+s22], $0x5000, $0x38;
	[tilespmem:$0x1ECD0] =	vst v63  }
0x2b: {  	_ =	swait.ge [sflag:s20], $0x5000  }
0x2c: {  	[sflag:s20] =	ssyncset.done $0x0  }
0x2d: {  	s25 =	rddreg [dreg:$0x8];
	[sflag:s20] =	ssyncadd.s32 $0xFFFFB000  }
0x2e: {  	[tilespmem:s19], [sflag:$0xA] =	stream.linear.gather [hbm4b:s25+s22], $0x5000, $0x38;
	[tilespmem:$0x1ECD0] =	vst v63  }
.Ltmp0:
0x2f: {  	_ =	swait.ge [sflag:s20], $0x5000;
	(pc) =	sbr.rel @!p0 .LBB2_2-.Ltmp0, $4  }
0x30: {  	[sflag:s20] =	ssyncset.done $0x0  }
0x31: {  	[sflag:s20] =	ssyncadd.s32 $0xFFFFB000  }
0x32: {  	[bflag:$0x0] =	sbarrier.arrive $0xFFFF  }
0x33: {  	s17 =	simm.s32 $0x0  }
0x34: {  	[tilespmem:s26], [sflag:$0x1] =	stream.indirect.gather [hbm4b:s7+s23], $0x40, s17, s23, $0xb8;
	[tilespmem:$0x1ECD0] =	vst v63  }
0x35: {  	s25 =	simm.s32 $0x80  }
0x36: {  	[tilespmem:s29], [sflag:$0x2] =	stream.indirect.gather [hbm4b:s7+s23], $0x40, s25, s23, $0xb8;
	[tilespmem:$0x1ECD0] =	vst v63  }
0x37: {  	s5 =	simm.s32 $0x100;
	s18 =	simm.s32 $0x1  }
0x38: {  	[tilespmem:s31], [sflag:$0x3] =	stream.indirect.gather [hbm4b:s7+s23], $0x40, s5, s23, $0xb8;
	[tilespmem:$0x1ECD0] =	vst v63  }
0x39: {  	_ =	swait.ge [sflag:s18], $0x1F40  }
0x3a: {  	[sflag:s18] =	ssyncset.done $0x0  }
0x3b: {  	[sflag:s18] =	ssyncadd.s32 $0xFFFFE0C0  }
0x3c: {  	[spmem:s3] =	stream.indirect.scatter.add.f32 [tilespmem:s26], [sflag:$0x5], $0x40, s19, s23, $0xb8;
	[tilespmem:$0x1ECD0] =	vst v63  }
0x3d: {  	s19 =	simm.s32 $0x180  }
0x3e: {  	[tilespmem:s2], [sflag:$0x4] =	stream.indirect.gather [hbm4b:s7+s23], $0x40, s19, s23, $0xb8;
	[tilespmem:$0x1ECD0] =	vst v63  }
0x3f: {  	_ =	swait.ge [sflag:s1], $0x1F40  }
0x40: {  	[sflag:s1] =	ssyncset.done $0x0  }
0x41: {  	s22 =	simm.s32 $0x5080;
	[sflag:s1] =	ssyncadd.s32 $0xFFFFE0C0  }
0x42: {  	[spmem:s3] =	stream.indirect.scatter.add.f32 [tilespmem:s29], [sflag:$0x6], $0x40, s22, s23, $0xb8;
	[tilespmem:$0x1ECD0] =	vst v63  }
0x43: {  	_ =	swait.ge [sflag:s30], $0x1F40  }
0x44: {  	[sflag:s30] =	ssyncset.done $0x0  }
0x45: {  	s24 =	simm.s32 $0x200;
	[sflag:s30] =	ssyncadd.s32 $0xFFFFE0C0  }
0x46: {  	[tilespmem:s26], [sflag:$0x1] =	stream.indirect.gather [hbm4b:s7+s23], $0x40, s24, s23, $0xb8;
	[tilespmem:$0x1ECD0] =	vst v63  }
0x47: {  	_ =	swait.ge [sflag:s0], $0x1F40  }
0x48: {  	[sflag:s0] =	ssyncset.done $0x0  }
0x49: {  	s25 =	simm.s32 $0x5100;
	[sflag:s0] =	ssyncadd.s32 $0xFFFFE0C0  }
0x4a: {  	[spmem:s3] =	stream.indirect.scatter.add.f32 [tilespmem:s31], [sflag:$0x7], $0x40, s25, s23, $0xb8;
	[tilespmem:$0x1ECD0] =	vst v63  }
0x4b: {  	_ =	swait.ge [sflag:s28], $0x1F40  }
0x4c: {  	[sflag:s28] =	ssyncset.done $0x0  }
0x4d: {  	s5 =	simm.s32 $0x280;
	[sflag:s28] =	ssyncadd.s32 $0xFFFFE0C0  }
0x4e: {  	[tilespmem:s29], [sflag:$0x2] =	stream.indirect.gather [hbm4b:s7+s23], $0x40, s5, s23, $0xb8;
	[tilespmem:$0x1ECD0] =	vst v63  }
0x4f: {  	_ =	swait.ge [sflag:s8], $0x1F40  }
0x50: {  	[sflag:s8] =	ssyncset.done $0x0  }
0x51: {  	s18 =	simm.s32 $0x5180;
	[sflag:s8] =	ssyncadd.s32 $0xFFFFE0C0  }
0x52: {  	[spmem:s3] =	stream.indirect.scatter.add.f32 [tilespmem:s2], [sflag:$0x8], $0x40, s18, s23, $0xb8;
	[tilespmem:$0x1ECD0] =	vst v63  }
0x53: {  	_ =	swait.ge [sflag:s9], $0x1F40  }
0x54: {  	[sflag:s9] =	ssyncset.done $0x0  }
0x55: {  	s19 =	simm.s32 $0x300;
	[sflag:s9] =	ssyncadd.s32 $0xFFFFE0C0  }
0x56: {  	[tilespmem:s31], [sflag:$0x3] =	stream.indirect.gather [hbm4b:s7+s23], $0x40, s19, s23, $0xb8;
	[tilespmem:$0x1ECD0] =	vst v63  }
0x57: {  	_ =	swait.ge [sflag:s13], $0x1F40  }
0x58: {  	[sflag:s13] =	ssyncset.done $0x0  }
0x59: {  	p2 =	por $0x1, $0x1;
	s19 =	simm.s32 $0x5200;
	[sflag:s13] =	ssyncadd.s32 $0xFFFFE0C0  }
0x5a: {  	[spmem:s3] =	stream.indirect.scatter.add.f32 [tilespmem:s26], [sflag:$0x5], $0x40, s19, s23, $0xb8;
	[tilespmem:$0x1ECD0] =	vst v63  }
0x5b: {  	s17 =	simm.s32 @!p2 $0x7D;
	s18 =	simm.s32 @!p2 $0x1BD00  }
0x5c: {  	[spmem:s4] =	stream.indirect.scatter.add.f32 @!p2 [tilespmem:s18], [sflag:$0x9], $0x10, s19, s17, $0xb8;
	[tilespmem:$0x1ECD0] =	vst v63  }
0x5d: {  	_ =	swait.ge [sflag:s14], $0x1F40  }
0x5e: {  	[sflag:s14] =	ssyncset.done $0x0  }
0x5f: {  	s22 =	simm.s32 $0x380;
	[sflag:s14] =	ssyncadd.s32 $0xFFFFE0C0  }
0x60: {  	[tilespmem:s2], [sflag:$0x4] =	stream.indirect.gather [hbm4b:s7+s23], $0x40, s22, s23, $0xb8;
	[tilespmem:$0x1ECD0] =	vst v63  }
0x61: {  	_ =	swait.ge [sflag:s1], $0x1F40  }
0x62: {  	[sflag:s1] =	ssyncset.done $0x0  }
0x63: {  	s19 =	simm.s32 $0x5280;
	[sflag:s1] =	ssyncadd.s32 $0xFFFFE0C0  }
0x64: {  	[spmem:s3] =	stream.indirect.scatter.add.f32 [tilespmem:s29], [sflag:$0x6], $0x40, s19, s23, $0xb8;
	[tilespmem:$0x1ECD0] =	vst v63  }
0x65: {  	_ = 	snop  }
0x66: {  	[spmem:s4] =	stream.indirect.scatter.add.f32 @!p2 [tilespmem:s18], [sflag:$0x9], $0x10, s19, s17, $0xb8;
	[tilespmem:$0x1ECD0] =	vst v63  }
0x67: {  	_ =	swait.ge [sflag:s30], $0x1F40  }
0x68: {  	[sflag:s30] =	ssyncset.done $0x0  }
0x69: {  	s24 =	simm.s32 $0x400;
	[sflag:s30] =	ssyncadd.s32 $0xFFFFE0C0  }
0x6a: {  	[tilespmem:s26], [sflag:$0x1] =	stream.indirect.gather [hbm4b:s7+s23], $0x40, s24, s23, $0xb8;
	[tilespmem:$0x1ECD0] =	vst v63  }
0x6b: {  	_ =	swait.ge [sflag:s0], $0x1F40  }
0x6c: {  	[sflag:s0] =	ssyncset.done $0x0  }
0x6d: {  	s19 =	simm.s32 $0x5300;
	[sflag:s0] =	ssyncadd.s32 $0xFFFFE0C0  }
0x6e: {  	[spmem:s3] =	stream.indirect.scatter.add.f32 [tilespmem:s31], [sflag:$0x7], $0x40, s19, s23, $0xb8;
	[tilespmem:$0x1ECD0] =	vst v63  }
0x6f: {  	_ = 	snop  }
0x70: {  	[spmem:s4] =	stream.indirect.scatter.add.f32 @!p2 [tilespmem:s18], [sflag:$0x9], $0x10, s19, s17, $0xb8;
	[tilespmem:$0x1ECD0] =	vst v63  }
0x71: {  	_ =	swait.ge [sflag:s28], $0x1F40  }
0x72: {  	[sflag:s28] =	ssyncset.done $0x0  }
0x73: {  	s25 =	simm.s32 $0x480;
	[sflag:s28] =	ssyncadd.s32 $0xFFFFE0C0  }
0x74: {  	[tilespmem:s29], [sflag:$0x2] =	stream.indirect.gather [hbm4b:s7+s23], $0x40, s25, s23, $0xb8;
	[tilespmem:$0x1ECD0] =	vst v63  }
0x75: {  	_ =	swait.ge [sflag:s8], $0x1F40  }
0x76: {  	s24 =	simm.s32 $0x2;
	[sflag:s8] =	ssyncset.done $0x0  }
0x77: {  	s19 =	simm.s32 $0x800;
	s25 =	simm.s32 $0x5380;
	[sflag:s8] =	ssyncadd.s32 $0xFFFFE0C0  }
0x78: {  	[spmem:s3] =	stream.indirect.scatter.add.f32 [tilespmem:s2], [sflag:$0x8], $0x40, s25, s23, $0xb8;
	[tilespmem:$0x1ECD0] =	vst v63  }
.LBB2_6:
0x79: {  	[spmem:s4] =	stream.indirect.scatter.add.f32 @!p2 [tilespmem:s18], [sflag:$0x9], $0x10, s25, s17, $0xb8;
	[tilespmem:$0x1ECD0] =	vst v63  }
0x7a: {  	s17 =	smov.u32 s19;
	s19 =	sadd.s32 $0x800, s19;
	_ =	swait.ge [sflag:s9], $0x1F40  }
0x7b: {  	s25 =	sshra.s32 s17, $0x2;
	p3 =	sne.s32 s19, $0x13000;
	[sflag:s9] =	ssyncset.done $0x0  }
0x7c: {  	s17 =	sadd.s32 $0x300, s25;
	[sflag:s9] =	ssyncadd.s32 $0xFFFFE0C0  }
0x7d: {  	[tilespmem:s31], [sflag:$0x3] =	stream.indirect.gather [hbm4b:s7+s23], $0x40, s17, s23, $0xb8;
	[tilespmem:$0x1ECD0] =	vst v63  }
0x7e: {  	_ =	swait.ge [sflag:s13], $0x1F40  }
0x7f: {  	[sflag:s13] =	ssyncset.done $0x0  }
0x80: {  	p2 =	slt.u32 s24, $0x14;
	s22 =	sadd.s32 $0x5200, s25;
	[sflag:s13] =	ssyncadd.s32 $0xFFFFE0C0  }
0x81: {  	[spmem:s3] =	stream.indirect.scatter.add.f32 [tilespmem:s26], [sflag:$0x5], $0x40, s22, s23, $0xb8;
	[tilespmem:$0x1ECD0] =	vst v63  }
0x82: {  	s18 =	simm.s32 @!p2 $0x1BD00;
	s17 =	simm.s32 @!p2 $0x7D  }
0x83: {  	[spmem:s4] =	stream.indirect.scatter.add.f32 @!p2 [tilespmem:s18], [sflag:$0x9], $0x10, s22, s17, $0xb8;
	[tilespmem:$0x1ECD0] =	vst v63  }
0x84: {  	_ =	swait.ge [sflag:s14], $0x1F40  }
0x85: {  	[sflag:s14] =	ssyncset.done $0x0  }
0x86: {  	s22 =	sadd.s32 $0x380, s25;
	[sflag:s14] =	ssyncadd.s32 $0xFFFFE0C0  }
0x87: {  	[tilespmem:s2], [sflag:$0x4] =	stream.indirect.gather [hbm4b:s7+s23], $0x40, s22, s23, $0xb8;
	[tilespmem:$0x1ECD0] =	vst v63  }
0x88: {  	_ =	swait.ge [sflag:s1], $0x1F40  }
0x89: {  	[sflag:s1] =	ssyncset.done $0x0  }
0x8a: {  	s22 =	sadd.s32 $0x5280, s25;
	[sflag:s1] =	ssyncadd.s32 $0xFFFFE0C0  }
0x8b: {  	[spmem:s3] =	stream.indirect.scatter.add.f32 [tilespmem:s29], [sflag:$0x6], $0x40, s22, s23, $0xb8;
	[tilespmem:$0x1ECD0] =	vst v63  }
0x8c: {  	_ = 	snop  }
0x8d: {  	[spmem:s4] =	stream.indirect.scatter.add.f32 @!p2 [tilespmem:s18], [sflag:$0x9], $0x10, s22, s17, $0xb8;
	[tilespmem:$0x1ECD0] =	vst v63  }
0x8e: {  	_ =	swait.ge [sflag:s30], $0x1F40  }
0x8f: {  	[sflag:s30] =	ssyncset.done $0x0  }
0x90: {  	s22 =	sadd.s32 $0x400, s25;
	[sflag:s30] =	ssyncadd.s32 $0xFFFFE0C0  }
0x91: {  	[tilespmem:s26], [sflag:$0x1] =	stream.indirect.gather [hbm4b:s7+s23], $0x40, s22, s23, $0xb8;
	[tilespmem:$0x1ECD0] =	vst v63  }
0x92: {  	_ =	swait.ge [sflag:s0], $0x1F40  }
0x93: {  	[sflag:s0] =	ssyncset.done $0x0  }
0x94: {  	s22 =	sadd.s32 $0x5300, s25;
	[sflag:s0] =	ssyncadd.s32 $0xFFFFE0C0  }
0x95: {  	[spmem:s3] =	stream.indirect.scatter.add.f32 [tilespmem:s31], [sflag:$0x7], $0x40, s22, s23, $0xb8;
	[tilespmem:$0x1ECD0] =	vst v63  }
0x96: {  	_ = 	snop  }
0x97: {  	[spmem:s4] =	stream.indirect.scatter.add.f32 @!p2 [tilespmem:s18], [sflag:$0x9], $0x10, s22, s17, $0xb8;
	[tilespmem:$0x1ECD0] =	vst v63  }
0x98: {  	_ =	swait.ge [sflag:s28], $0x1F40  }
0x99: {  	[sflag:s28] =	ssyncset.done $0x0  }
0x9a: {  	s22 =	sadd.s32 $0x480, s25;
	[sflag:s28] =	ssyncadd.s32 $0xFFFFE0C0  }
0x9b: {  	[tilespmem:s29], [sflag:$0x2] =	stream.indirect.gather [hbm4b:s7+s23], $0x40, s22, s23, $0xb8;
	[tilespmem:$0x1ECD0] =	vst v63  }
.Ltmp1:
0x9c: {  	_ =	swait.ge [sflag:s8], $0x1F40;
	(pc) =	sbr.rel @p3 .LBB2_6-.Ltmp1, $4  }
0x9d: {  	[sflag:s8] =	ssyncset.done $0x0  }
0x9e: {  	s25 =	sadd.s32 $0x5380, s25;
	[sflag:s8] =	ssyncadd.s32 $0xFFFFE0C0  }
0x9f: {  	[spmem:s3] =	stream.indirect.scatter.add.f32 [tilespmem:s2], [sflag:$0x8], $0x40, s25, s23, $0xb8;
	[tilespmem:$0x1ECD0] =	vst v63  }
0xa0: {  	s24 =	sadd.s32 $0x1, s24  }
0xa1: {  	[spmem:s4] =	stream.indirect.scatter.add.f32 @!p2 [tilespmem:s18], [sflag:$0x9], $0x10, s25, s17, $0xb8;
	[tilespmem:$0x1ECD0] =	vst v63  }
0xa2: {  	_ =	swait.ge [sflag:s9], $0x1F40  }
0xa3: {  	[sflag:s9] =	ssyncset.done $0x0  }
0xa4: {  	s5 =	simm.s32 $0x4F00;
	[sflag:s9] =	ssyncadd.s32 $0xFFFFE0C0  }
0xa5: {  	[tilespmem:s31], [sflag:$0x3] =	stream.indirect.gather [hbm4b:s7+s23], $0x40, s5, s23, $0xb8;
	[tilespmem:$0x1ECD0] =	vst v63  }
0xa6: {  	_ =	swait.ge [sflag:s13], $0x1F40  }
0xa7: {  	[sflag:s13] =	ssyncset.done $0x0  }
0xa8: {  	s18 =	simm.s32 $0x9E00;
	[sflag:s13] =	ssyncadd.s32 $0xFFFFE0C0  }
0xa9: {  	[spmem:s3] =	stream.indirect.scatter.add.f32 [tilespmem:s26], [sflag:$0x5], $0x40, s18, s23, $0xb8;
	[tilespmem:$0x1ECD0] =	vst v63  }
0xaa: {  	_ = 	snop  }
0xab: {  	[spmem:s4] =	stream.indirect.scatter.add.f32 [tilespmem:s21], [sflag:$0x9], $0x10, s18, s23, $0xb8;
	[tilespmem:$0x1ECD0] =	vst v63  }
0xac: {  	_ =	swait.ge [sflag:s14], $0x1F40  }
0xad: {  	[sflag:s14] =	ssyncset.done $0x0  }
0xae: {  	s19 =	simm.s32 $0x4F80;
	[sflag:s14] =	ssyncadd.s32 $0xFFFFE0C0  }
0xaf: {  	[tilespmem:s2], [sflag:$0x4] =	stream.indirect.gather [hbm4b:s7+s23], $0x40, s19, s23, $0xb8;
	[tilespmem:$0x1ECD0] =	vst v63  }
0xb0: {  	_ =	swait.ge [sflag:s1], $0x1F40  }
0xb1: {  	[sflag:s1] =	ssyncset.done $0x0  }
0xb2: {  	s22 =	simm.s32 $0x9E80;
	[sflag:s1] =	ssyncadd.s32 $0xFFFFE0C0  }
0xb3: {  	[spmem:s3] =	stream.indirect.scatter.add.f32 [tilespmem:s29], [sflag:$0x6], $0x40, s22, s23, $0xb8;
	[tilespmem:$0x1ECD0] =	vst v63  }
0xb4: {  	_ = 	snop  }
0xb5: {  	[spmem:s4] =	stream.indirect.scatter.add.f32 [tilespmem:s21], [sflag:$0x9], $0x10, s22, s23, $0xb8;
	[tilespmem:$0x1ECD0] =	vst v63  }
0xb6: {  	_ =	swait.ge [sflag:s0], $0x1F40  }
0xb7: {  	[sflag:s0] =	ssyncset.done $0x0  }
0xb8: {  	s24 =	simm.s32 $0x9F00;
	[sflag:s0] =	ssyncadd.s32 $0xFFFFE0C0  }
0xb9: {  	[spmem:s3] =	stream.indirect.scatter.add.f32 [tilespmem:s31], [sflag:$0x7], $0x40, s24, s23, $0xb8;
	[tilespmem:$0x1ECD0] =	vst v63  }
0xba: {  	_ = 	snop  }
0xbb: {  	[spmem:s4] =	stream.indirect.scatter.add.f32 [tilespmem:s21], [sflag:$0x9], $0x10, s24, s23, $0xb8;
	[tilespmem:$0x1ECD0] =	vst v63  }
0xbc: {  	_ =	swait.ge [sflag:s8], $0x1F40  }
.Ltmp2:
0xbd: {  	[sflag:s8] =	ssyncset.done $0x0;
	(pc) =	sbr.rel .LBB2_8-.Ltmp2, $4  }
0xbe: {  	s25 =	simm.s32 $0x9F80;
	[sflag:s8] =	ssyncadd.s32 $0xFFFFE0C0  }
0xbf: {  	[spmem:s3] =	stream.indirect.scatter.add.f32 [tilespmem:s2], [sflag:$0x8], $0x40, s25, s23, $0xb8;
	[tilespmem:$0x1ECD0] =	vst v63  }
0xc0: {  	s5 =	simm.s32 $0x9F80  }
0xc1: {  	[spmem:s4] =	stream.indirect.scatter.add.f32 [tilespmem:s21], [sflag:$0x9], $0x10, s25, s23, $0xb8;
	[tilespmem:$0x1ECD0] =	vst v63  }
.LBB2_2:
0xc2: {  	[tilespmem:s26], [sflag:$0x1] =	stream.indirect.gather [hbm4b:s6+s23], $0x40, s17, s23, $0xb8;
	[tilespmem:$0x1ECD0] =	vst v63  }
0xc3: {  	s22 =	simm.s32 $0x80  }
0xc4: {  	[tilespmem:s29], [sflag:$0x2] =	stream.indirect.gather [hbm4b:s6+s23], $0x40, s22, s23, $0xb8;
	[tilespmem:$0x1ECD0] =	vst v63  }
0xc5: {  	s24 =	simm.s32 $0x100;
	s25 =	simm.s32 $0x1  }
0xc6: {  	[tilespmem:s31], [sflag:$0x3] =	stream.indirect.gather [hbm4b:s6+s23], $0x40, s24, s23, $0xb8;
	[tilespmem:$0x1ECD0] =	vst v63  }
0xc7: {  	_ =	swait.ge [sflag:s25], $0x1F40  }
0xc8: {  	[sflag:s25] =	ssyncset.done $0x0  }
0xc9: {  	[sflag:s25] =	ssyncadd.s32 $0xFFFFE0C0  }
0xca: {  	[spmem:s3] =	stream.indirect.scatter.add.f32 [tilespmem:s26], [sflag:$0x5], $0x40, s19, s23, $0xb8;
	[tilespmem:$0x1ECD0] =	vst v63  }
0xcb: {  	_ = 	snop  }
0xcc: {  	[spmem:s4] =	stream.indirect.scatter.add.f32 [tilespmem:s21], [sflag:$0x9], $0x10, s19, s23, $0xb8;
	[tilespmem:$0x1ECD0] =	vst v63  }
0xcd: {  	s18 =	simm.s32 $0x180  }
0xce: {  	[tilespmem:s2], [sflag:$0x4] =	stream.indirect.gather [hbm4b:s6+s23], $0x40, s18, s23, $0xb8;
	[tilespmem:$0x1ECD0] =	vst v63  }
0xcf: {  	_ =	swait.ge [sflag:s1], $0x1F40  }
0xd0: {  	[sflag:s1] =	ssyncset.done $0x0  }
0xd1: {  	s19 =	simm.s32 $0x5080;
	[sflag:s1] =	ssyncadd.s32 $0xFFFFE0C0  }
0xd2: {  	[spmem:s3] =	stream.indirect.scatter.add.f32 [tilespmem:s29], [sflag:$0x6], $0x40, s19, s23, $0xb8;
	[tilespmem:$0x1ECD0] =	vst v63  }
0xd3: {  	_ = 	snop  }
0xd4: {  	[spmem:s4] =	stream.indirect.scatter.add.f32 [tilespmem:s21], [sflag:$0x9], $0x10, s19, s23, $0xb8;
	[tilespmem:$0x1ECD0] =	vst v63  }
0xd5: {  	_ =	swait.ge [sflag:s30], $0x1F40  }
0xd6: {  	[sflag:s30] =	ssyncset.done $0x0  }
0xd7: {  	s22 =	simm.s32 $0x200;
	[sflag:s30] =	ssyncadd.s32 $0xFFFFE0C0  }
0xd8: {  	[tilespmem:s26], [sflag:$0x1] =	stream.indirect.gather [hbm4b:s6+s23], $0x40, s22, s23, $0xb8;
	[tilespmem:$0x1ECD0] =	vst v63  }
0xd9: {  	_ =	swait.ge [sflag:s0], $0x1F40  }
0xda: {  	[sflag:s0] =	ssyncset.done $0x0  }
0xdb: {  	s24 =	simm.s32 $0x5100;
	[sflag:s0] =	ssyncadd.s32 $0xFFFFE0C0  }
0xdc: {  	[spmem:s3] =	stream.indirect.scatter.add.f32 [tilespmem:s31], [sflag:$0x7], $0x40, s24, s23, $0xb8;
	[tilespmem:$0x1ECD0] =	vst v63  }
0xdd: {  	_ = 	snop  }
0xde: {  	[spmem:s4] =	stream.indirect.scatter.add.f32 [tilespmem:s21], [sflag:$0x9], $0x10, s24, s23, $0xb8;
	[tilespmem:$0x1ECD0] =	vst v63  }
0xdf: {  	_ =	swait.ge [sflag:s28], $0x1F40  }
0xe0: {  	[sflag:s28] =	ssyncset.done $0x0  }
0xe1: {  	s25 =	simm.s32 $0x280;
	[sflag:s28] =	ssyncadd.s32 $0xFFFFE0C0  }
0xe2: {  	[tilespmem:s29], [sflag:$0x2] =	stream.indirect.gather [hbm4b:s6+s23], $0x40, s25, s23, $0xb8;
	[tilespmem:$0x1ECD0] =	vst v63  }
0xe3: {  	_ =	swait.ge [sflag:s8], $0x1F40  }
0xe4: {  	[sflag:s8] =	ssyncset.done $0x0  }
0xe5: {  	s18 =	simm.s32 $0x5180;
	[sflag:s8] =	ssyncadd.s32 $0xFFFFE0C0  }
0xe6: {  	[spmem:s3] =	stream.indirect.scatter.add.f32 [tilespmem:s2], [sflag:$0x8], $0x40, s18, s23, $0xb8;
	[tilespmem:$0x1ECD0] =	vst v63  }
0xe7: {  	_ = 	snop  }
0xe8: {  	[spmem:s4] =	stream.indirect.scatter.add.f32 [tilespmem:s21], [sflag:$0x9], $0x10, s18, s23, $0xb8;
	[tilespmem:$0x1ECD0] =	vst v63  }
0xe9: {  	_ =	swait.ge [sflag:s9], $0x1F40  }
0xea: {  	[sflag:s9] =	ssyncset.done $0x0  }
0xeb: {  	s19 =	simm.s32 $0x300;
	[sflag:s9] =	ssyncadd.s32 $0xFFFFE0C0  }
0xec: {  	[tilespmem:s31], [sflag:$0x3] =	stream.indirect.gather [hbm4b:s6+s23], $0x40, s19, s23, $0xb8;
	[tilespmem:$0x1ECD0] =	vst v63  }
0xed: {  	_ =	swait.ge [sflag:s13], $0x1F40  }
0xee: {  	[sflag:s13] =	ssyncset.done $0x0  }
0xef: {  	p2 =	por $0x0, $0x0;
	s19 =	simm.s32 $0x5200;
	[sflag:s13] =	ssyncadd.s32 $0xFFFFE0C0  }
0xf0: {  	[spmem:s3] =	stream.indirect.scatter.add.f32 [tilespmem:s26], [sflag:$0x5], $0x40, s19, s23, $0xb8;
	[tilespmem:$0x1ECD0] =	vst v63  }
0xf1: {  	s17 =	simm.s32 @!p2 $0x7D;
	s18 =	simm.s32 @!p2 $0x1BD00  }
0xf2: {  	[spmem:s4] =	stream.indirect.scatter.add.f32 @!p2 [tilespmem:s18], [sflag:$0x9], $0x10, s19, s17, $0xb8;
	[tilespmem:$0x1ECD0] =	vst v63  }
0xf3: {  	_ =	swait.ge [sflag:s14], $0x1F40  }
0xf4: {  	[sflag:s14] =	ssyncset.done $0x0  }
0xf5: {  	s22 =	simm.s32 $0x380;
	[sflag:s14] =	ssyncadd.s32 $0xFFFFE0C0  }
0xf6: {  	[tilespmem:s2], [sflag:$0x4] =	stream.indirect.gather [hbm4b:s6+s23], $0x40, s22, s23, $0xb8;
	[tilespmem:$0x1ECD0] =	vst v63  }
0xf7: {  	_ =	swait.ge [sflag:s1], $0x1F40  }
0xf8: {  	[sflag:s1] =	ssyncset.done $0x0  }
0xf9: {  	s19 =	simm.s32 $0x5280;
	[sflag:s1] =	ssyncadd.s32 $0xFFFFE0C0  }
0xfa: {  	[spmem:s3] =	stream.indirect.scatter.add.f32 [tilespmem:s29], [sflag:$0x6], $0x40, s19, s23, $0xb8;
	[tilespmem:$0x1ECD0] =	vst v63  }
0xfb: {  	_ = 	snop  }
0xfc: {  	[spmem:s4] =	stream.indirect.scatter.add.f32 @!p2 [tilespmem:s18], [sflag:$0x9], $0x10, s19, s17, $0xb8;
	[tilespmem:$0x1ECD0] =	vst v63  }
0xfd: {  	_ =	swait.ge [sflag:s30], $0x1F40  }
0xfe: {  	[sflag:s30] =	ssyncset.done $0x0  }
0xff: {  	s24 =	simm.s32 $0x400;
	[sflag:s30] =	ssyncadd.s32 $0xFFFFE0C0  }
0x100: {  	[tilespmem:s26], [sflag:$0x1] =	stream.indirect.gather [hbm4b:s6+s23], $0x40, s24, s23, $0xb8;
	[tilespmem:$0x1ECD0] =	vst v63  }
0x101: {  	_ =	swait.ge [sflag:s0], $0x1F40  }
0x102: {  	[sflag:s0] =	ssyncset.done $0x0  }
0x103: {  	s19 =	simm.s32 $0x5300;
	[sflag:s0] =	ssyncadd.s32 $0xFFFFE0C0  }
0x104: {  	[spmem:s3] =	stream.indirect.scatter.add.f32 [tilespmem:s31], [sflag:$0x7], $0x40, s19, s23, $0xb8;
	[tilespmem:$0x1ECD0] =	vst v63  }
0x105: {  	_ = 	snop  }
0x106: {  	[spmem:s4] =	stream.indirect.scatter.add.f32 @!p2 [tilespmem:s18], [sflag:$0x9], $0x10, s19, s17, $0xb8;
	[tilespmem:$0x1ECD0] =	vst v63  }
0x107: {  	_ =	swait.ge [sflag:s28], $0x1F40  }
0x108: {  	[sflag:s28] =	ssyncset.done $0x0  }
0x109: {  	s25 =	simm.s32 $0x480;
	[sflag:s28] =	ssyncadd.s32 $0xFFFFE0C0  }
0x10a: {  	[tilespmem:s29], [sflag:$0x2] =	stream.indirect.gather [hbm4b:s6+s23], $0x40, s25, s23, $0xb8;
	[tilespmem:$0x1ECD0] =	vst v63  }
0x10b: {  	_ =	swait.ge [sflag:s8], $0x1F40  }
0x10c: {  	s24 =	simm.s32 $0x2;
	[sflag:s8] =	ssyncset.done $0x0  }
0x10d: {  	s19 =	simm.s32 $0x800;
	s25 =	simm.s32 $0x5380;
	[sflag:s8] =	ssyncadd.s32 $0xFFFFE0C0  }
0x10e: {  	[spmem:s3] =	stream.indirect.scatter.add.f32 [tilespmem:s2], [sflag:$0x8], $0x40, s25, s23, $0xb8;
	[tilespmem:$0x1ECD0] =	vst v63  }
.LBB2_3:
0x10f: {  	[spmem:s4] =	stream.indirect.scatter.add.f32 @!p2 [tilespmem:s18], [sflag:$0x9], $0x10, s25, s17, $0xb8;
	[tilespmem:$0x1ECD0] =	vst v63  }
0x110: {  	s17 =	smov.u32 s19;
	s19 =	sadd.s32 $0x800, s19;
	_ =	swait.ge [sflag:s9], $0x1F40  }
0x111: {  	s25 =	sshra.s32 s17, $0x2;
	p3 =	seq.s32 s19, $0x13000;
	[sflag:s9] =	ssyncset.done $0x0  }
0x112: {  	s17 =	sadd.s32 $0x300, s25;
	[sflag:s9] =	ssyncadd.s32 $0xFFFFE0C0  }
0x113: {  	[tilespmem:s31], [sflag:$0x3] =	stream.indirect.gather [hbm4b:s6+s23], $0x40, s17, s23, $0xb8;
	[tilespmem:$0x1ECD0] =	vst v63  }
0x114: {  	_ =	swait.ge [sflag:s13], $0x1F40  }
0x115: {  	[sflag:s13] =	ssyncset.done $0x0  }
0x116: {  	p2 =	sgt.u32 s24, $0x13;
	s22 =	sadd.s32 $0x5200, s25;
	[sflag:s13] =	ssyncadd.s32 $0xFFFFE0C0  }
0x117: {  	[spmem:s3] =	stream.indirect.scatter.add.f32 [tilespmem:s26], [sflag:$0x5], $0x40, s22, s23, $0xb8;
	[tilespmem:$0x1ECD0] =	vst v63  }
0x118: {  	s18 =	simm.s32 @!p2 $0x1BD00;
	s17 =	simm.s32 @!p2 $0x7D  }
0x119: {  	[spmem:s4] =	stream.indirect.scatter.add.f32 @!p2 [tilespmem:s18], [sflag:$0x9], $0x10, s22, s17, $0xb8;
	[tilespmem:$0x1ECD0] =	vst v63  }
0x11a: {  	_ =	swait.ge [sflag:s14], $0x1F40  }
0x11b: {  	[sflag:s14] =	ssyncset.done $0x0  }
0x11c: {  	s22 =	sadd.s32 $0x380, s25;
	[sflag:s14] =	ssyncadd.s32 $0xFFFFE0C0  }
0x11d: {  	[tilespmem:s2], [sflag:$0x4] =	stream.indirect.gather [hbm4b:s6+s23], $0x40, s22, s23, $0xb8;
	[tilespmem:$0x1ECD0] =	vst v63  }
0x11e: {  	_ =	swait.ge [sflag:s1], $0x1F40  }
0x11f: {  	[sflag:s1] =	ssyncset.done $0x0  }
0x120: {  	s22 =	sadd.s32 $0x5280, s25;
	[sflag:s1] =	ssyncadd.s32 $0xFFFFE0C0  }
0x121: {  	[spmem:s3] =	stream.indirect.scatter.add.f32 [tilespmem:s29], [sflag:$0x6], $0x40, s22, s23, $0xb8;
	[tilespmem:$0x1ECD0] =	vst v63  }
0x122: {  	_ = 	snop  }
0x123: {  	[spmem:s4] =	stream.indirect.scatter.add.f32 @!p2 [tilespmem:s18], [sflag:$0x9], $0x10, s22, s17, $0xb8;
	[tilespmem:$0x1ECD0] =	vst v63  }
0x124: {  	_ =	swait.ge [sflag:s30], $0x1F40  }
0x125: {  	[sflag:s30] =	ssyncset.done $0x0  }
0x126: {  	s22 =	sadd.s32 $0x400, s25;
	[sflag:s30] =	ssyncadd.s32 $0xFFFFE0C0  }
0x127: {  	[tilespmem:s26], [sflag:$0x1] =	stream.indirect.gather [hbm4b:s6+s23], $0x40, s22, s23, $0xb8;
	[tilespmem:$0x1ECD0] =	vst v63  }
0x128: {  	_ =	swait.ge [sflag:s0], $0x1F40  }
0x129: {  	[sflag:s0] =	ssyncset.done $0x0  }
0x12a: {  	s22 =	sadd.s32 $0x5300, s25;
	[sflag:s0] =	ssyncadd.s32 $0xFFFFE0C0  }
0x12b: {  	[spmem:s3] =	stream.indirect.scatter.add.f32 [tilespmem:s31], [sflag:$0x7], $0x40, s22, s23, $0xb8;
	[tilespmem:$0x1ECD0] =	vst v63  }
0x12c: {  	_ = 	snop  }
0x12d: {  	[spmem:s4] =	stream.indirect.scatter.add.f32 @!p2 [tilespmem:s18], [sflag:$0x9], $0x10, s22, s17, $0xb8;
	[tilespmem:$0x1ECD0] =	vst v63  }
0x12e: {  	_ =	swait.ge [sflag:s28], $0x1F40  }
0x12f: {  	[sflag:s28] =	ssyncset.done $0x0  }
0x130: {  	s22 =	sadd.s32 $0x480, s25;
	[sflag:s28] =	ssyncadd.s32 $0xFFFFE0C0  }
0x131: {  	[tilespmem:s29], [sflag:$0x2] =	stream.indirect.gather [hbm4b:s6+s23], $0x40, s22, s23, $0xb8;
	[tilespmem:$0x1ECD0] =	vst v63  }
.Ltmp3:
0x132: {  	_ =	swait.ge [sflag:s8], $0x1F40;
	(pc) =	sbr.rel @!p3 .LBB2_3-.Ltmp3, $4  }
0x133: {  	[sflag:s8] =	ssyncset.done $0x0  }
0x134: {  	s25 =	sadd.s32 $0x5380, s25;
	[sflag:s8] =	ssyncadd.s32 $0xFFFFE0C0  }
0x135: {  	[spmem:s3] =	stream.indirect.scatter.add.f32 [tilespmem:s2], [sflag:$0x8], $0x40, s25, s23, $0xb8;
	[tilespmem:$0x1ECD0] =	vst v63  }
0x136: {  	s24 =	sadd.s32 $0x1, s24  }
0x137: {  	[spmem:s4] =	stream.indirect.scatter.add.f32 @!p2 [tilespmem:s18], [sflag:$0x9], $0x10, s25, s17, $0xb8;
	[tilespmem:$0x1ECD0] =	vst v63  }
0x138: {  	_ =	swait.ge [sflag:s9], $0x1F40  }
0x139: {  	[sflag:s9] =	ssyncset.done $0x0  }
0x13a: {  	s18 =	simm.s32 $0x4F00;
	[sflag:s9] =	ssyncadd.s32 $0xFFFFE0C0  }
0x13b: {  	[tilespmem:s31], [sflag:$0x3] =	stream.indirect.gather [hbm4b:s6+s23], $0x40, s18, s23, $0xb8;
	[tilespmem:$0x1ECD0] =	vst v63  }
0x13c: {  	_ =	swait.ge [sflag:s13], $0x1F40  }
0x13d: {  	[sflag:s13] =	ssyncset.done $0x0  }
0x13e: {  	s19 =	simm.s32 $0x9E00;
	[sflag:s13] =	ssyncadd.s32 $0xFFFFE0C0  }
0x13f: {  	[spmem:s3] =	stream.indirect.scatter.add.f32 [tilespmem:s26], [sflag:$0x5], $0x40, s19, s23, $0xb8;
	[tilespmem:$0x1ECD0] =	vst v63  }
0x140: {  	_ =	swait.ge [sflag:s14], $0x1F40  }
0x141: {  	[sflag:s14] =	ssyncset.done $0x0  }
0x142: {  	s22 =	simm.s32 $0x4F80;
	[sflag:s14] =	ssyncadd.s32 $0xFFFFE0C0  }
0x143: {  	[tilespmem:s2], [sflag:$0x4] =	stream.indirect.gather [hbm4b:s6+s23], $0x40, s22, s23, $0xb8;
	[tilespmem:$0x1ECD0] =	vst v63  }
0x144: {  	_ =	swait.ge [sflag:s1], $0x1F40  }
0x145: {  	[sflag:s1] =	ssyncset.done $0x0  }
0x146: {  	s24 =	simm.s32 $0x9E80;
	[sflag:s1] =	ssyncadd.s32 $0xFFFFE0C0  }
0x147: {  	[spmem:s3] =	stream.indirect.scatter.add.f32 [tilespmem:s29], [sflag:$0x6], $0x40, s24, s23, $0xb8;
	[tilespmem:$0x1ECD0] =	vst v63  }
0x148: {  	_ =	swait.ge [sflag:s0], $0x1F40  }
0x149: {  	[sflag:s0] =	ssyncset.done $0x0  }
0x14a: {  	s25 =	simm.s32 $0x9F00;
	[sflag:s0] =	ssyncadd.s32 $0xFFFFE0C0  }
0x14b: {  	[spmem:s3] =	stream.indirect.scatter.add.f32 [tilespmem:s31], [sflag:$0x7], $0x40, s25, s23, $0xb8;
	[tilespmem:$0x1ECD0] =	vst v63  }
0x14c: {  	_ =	swait.ge [sflag:s8], $0x1F40  }
0x14d: {  	[sflag:s8] =	ssyncset.done $0x0  }
0x14e: {  	[sflag:s8] =	ssyncadd.s32 $0xFFFFE0C0  }
0x14f: {  	[spmem:s3] =	stream.indirect.scatter.add.f32 [tilespmem:s2], [sflag:$0x8], $0x40, s5, s23, $0xb8;
	[tilespmem:$0x1ECD0] =	vst v63  }
.LBB2_8:
0x150: {  	_ =	swait.ge [sflag:s30], $0x1F40  }
0x151: {  	[sflag:s30] =	ssyncset.done $0x0  }
0x152: {  	[sflag:s30] =	ssyncadd.s32 $0xFFFFE0C0  }
0x153: {  	_ =	swait.ge [sflag:s28], $0x1F40  }
0x154: {  	[sflag:s28] =	ssyncset.done $0x0  }
0x155: {  	[sflag:s28] =	ssyncadd.s32 $0xFFFFE0C0  }
0x156: {  	_ =	swait.ge [sflag:s9], $0x1F40  }
0x157: {  	[sflag:s9] =	ssyncset.done $0x0  }
0x158: {  	[sflag:s9] =	ssyncadd.s32 $0xFFFFE0C0  }
0x159: {  	_ =	swait.ge [sflag:s14], $0x1F40  }
0x15a: {  	[sflag:s14] =	ssyncset.done $0x0  }
0x15b: {  	[sflag:s14] =	ssyncadd.s32 $0xFFFFE0C0  }
0x15c: {  	_ =	swait.ge [sflag:s15], $0x7D0  }
0x15d: {  	s17 =	simm.s32 $0x4F;
	[sflag:s15] =	ssyncset.done $0x0  }
.LBB2_9:
0x15e: {  	p2 =	sne.s32 s17, $0x1;
	s17 =	sadd.s32 $0xFFFFFFFF, s17;
	[sflag:s15] =	ssyncadd.s32 $0xFFFFF830  }
.Ltmp4:
0x15f: {  	(pc) =	sbr.rel @p2 .LBB2_9-.Ltmp4, $3  }
0x160: {  	_ =	sdelay $0x1  }
0x161: {  	_ =	swait.ge [sflag:s15], $0x7D0  }
0x162: {  	[sflag:s15] =	ssyncset.done $0x0  }
0x163: {  	[sflag:s15] =	ssyncadd.s32 $0xFFFFF830  }
0x164: {  	[bflag:$0x0] =	sbarrier.arrive $0xFFFF  }
0x165: {  	s17 =	rddreg [dreg:$0xb]  }
0x166: {  	s18 =	rddreg [dreg:$0xe]  }
0x167: {  	[hbm:s17], [sflag:s11] =	dma.local @p1 [spmem:s18], $0xC80  }
0x168: {  	s17 =	simm.s32 @p1 $0xA  }
0x169: {  	_ =	swait.ge @p1 [sflag:s17], $0xC80  }
0x16a: {  	[sflag:s17] =	ssyncset.done @p1 $0x0;
	s18 =	rddreg [dreg:$0xc]  }
0x16b: {  	s19 =	rddreg [dreg:$0xf];
	[sflag:s17] =	ssyncadd.s32 @p1 $0xFFFFF380  }
0x16c: {  	[hbm:s18], [sflag:s11] =	dma.local @p1 [spmem:s19], $0x320  }
0x16d: {  	_ =	swait.ge @p1 [sflag:s17], $0x320  }
0x16e: {  	[sflag:s17] =	ssyncset.done @p1 $0x0  }
0x16f: {  	s18 =	rddreg [dreg:$0x9];
	[sflag:s17] =	ssyncadd.s32 @p1 $0xFFFFFCE0;
	s17 =	sshrl.u32 @!p1 s10, $0x3  }
0x170: {  	[hbm:s18], [sflag:s11] =	dma.local @!p1 [spmem:s17], $0x1400  }
0x171: {  	s17 =	simm.s32 @!p1 $0xA  }
0x172: {  	_ =	swait.ge @!p1 [sflag:s17], $0x1400  }
0x173: {  	[sflag:s17] =	ssyncset.done @!p1 $0x0  }
0x174: {  	s18 =	sshrl.u32 @!p1 s12, $0x3;
	s19 =	rddreg [dreg:$0xa];
	[sflag:s17] =	ssyncadd.s32 @!p1 $0xFFFFEC00  }
0x175: {  	[hbm:s19], [sflag:s11] =	dma.local @!p1 [spmem:s18], $0x500  }
0x176: {  	_ =	swait.ge @!p1 [sflag:s17], $0x500  }
0x177: {  	s16 =	sadd.s32 $0x1, s16;
	s25 =	rddreg [dreg:$0xd]  }
0x178: {  	p2 =	sne.s32 s16, s25  }
.Ltmp5:
0x179: {  	_ = 	snop;
	(pc) =	sbr.rel @p2 .LBB2_1-.Ltmp5, $3  }
0x17a: {  	_ =	sdelay $0x1  }
0x17b: {  	[sflag:s17] =	ssyncset.done @!p1 $0x0  }
0x17c: {  	s19 =	simm.s32 $0x5000;
	[sflag:s17] =	ssyncadd.s32 @!p1 $0xFFFFFB00  }
0x17d: {  	_ =	sfence.sel $0x180000  }
0x17e: {  	[bflag:$0x0] =	sbarrier.arrive $0xFFFF  }
0x17f: {  	_ =	strace $0x90000047  }
0x180: {  	s0 =	stileid.u32;
	[bflag:$0x2] =	sbarrier.arrive $0xFFFF  }
0x181: {  	p0 =	sne.s32 s0, $0x0;
	s0 =	rddreg [dreg:$0x4]  }
0x182: {  	s0 =	sadd.s32 @!p0 $0x100000, s0  }
0x183: {  	[sflag:s0] =	ssyncadd.tile.s32 @!p0 $0x1;
	_ =	shalt  }
.Lfunc_end2:
_tile_overlayer_lowered:
.L_overlay_start_2:
0x184: {  	(tag) =	ssettag $0x2  }
0x185: {  	s0 =	rddreg [dreg:$0x0];
	s2 =	stileid.u32  }
0x186: {  	s1 =	rddreg [dreg:$0x1];
	p0 =	sne.s32 s2, $0x0  }
0x187: {  	s3 =	rddreg [dreg:$0x2];
	[bflag:$0x3] =	sbarrier.arrive $0xFFFF;
	s2 =	simm.s32 @!p0 $0x1C0A  }
0x188: {  	[timem:s3], [sflag:s2] =	dma.local @!p0 [hbm:s0], s1  }
0x189: {  	s0 =	simm.s32 @!p0 $0xA  }
0x18a: {  	_ =	swait.ge @!p0 [sflag:s0], s1  }
0x18b: {  	s1 =	ssub.s32 @!p0 $0x0, s1;
	[sflag:s0] =	ssyncset.done @!p0 $0x0  }
0x18c: {  	[sflag:s0] =	ssyncadd.s32 @!p0 s1  }
0x18d: {  	[bflag:$0x3] =	sbarrier.arrive $0xFFFF  }
0x18e: {  	_ =	shalt  }

// kernel: sc_pair_readout.3.cloned.1.call-start
scs
__scs_entry_jumppad:
0x0: {  	(pc) =	sbr.rel $0x88, $3  }
0x1: {  	(tag) =	ssettag $0x0;
	lr =	simm.s32 $0x1  }
0x2: {  	[smem:$0x3F96] =	sst lr;
	_ =	strace $0xD0000000  }
0x3: {  	_ = 	snop  }
0x4: {  	_ = 	snop  }
0x5: {  	_ = 	snop  }
0x6: {  	_ = 	snop  }
0x7: {  	_ = 	snop  }
__scs_overlays_trampoline_lowered:
0x8: {  	[smem:$0x3FA5] =	sst s0  }
0x9: {  	[smem:$0x3FA6] =	sst s1  }
0xa: {  	[smem:$0x3FA7] =	sst s2  }
0xb: {  	[smem:$0x3FA8] =	sst s3  }
0xc: {  	[smem:$0x3FA9] =	sst s4  }
0xd: {  	[smem:$0x3FAA] =	sst s5  }
0xe: {  	[smem:$0x3FAB] =	sst s6  }
0xf: {  	[smem:$0x3FAC] =	sst s7  }
0x10: {  	[smem:$0x3FAD] =	sst s8  }
0x11: {  	[smem:$0x3FAE] =	sst s9;
	s0 =	simm.s32 @!p0 $0x0  }
0x12: {  	s1 =	sld [smem:$0x3F94];
	s0 =	simm.s32 @p0 $0x1  }
0x13: {  	[smem:$0x3FAF] =	sst s0;
	s0 =	simm.s32 @!p1 $0x0  }
0x14: {  	s2 =	sld [smem:$0x3F93];
	s0 =	simm.s32 @p1 $0x1  }
0x15: {  	[smem:$0x3FB0] =	sst s0;
	s0 =	simm.s32 @!p2 $0x0  }
0x16: {  	s3 =	sld [smem:$0x3FDB];
	s0 =	simm.s32 @p2 $0x1  }
0x17: {  	s4 =	simm.s32 $0x1BF5;
	[smem:$0x3FB2] =	sst s0  }
0x18: {  	s0 =	sld [smem:$0x3F95];
	_ =	swait.ge [sflag:s4], $0x0  }
0x19: {  	s7 =	sld [smem:$0x3F96]  }
0x1a: {  	s8 =	sadd.s32 $0xFFFFE003, lr  }
0x1b: {  	s9 =	sadd.s32 $0xFFFFFEF7, lr;
	s5 =	simm.s32 $0xFFFFFFFF;
	p2 =	slt.u32 s8, $0xFFFFF086  }
0x1c: {  	p1 =	slt.u32 s9, $0xF7A;
	s5 =	simm.s32 @!p2 $0x0  }
0x1d: {  	s5 =	simm.s32 @p1 $0x1;
	p0 =	seq.s32 s7, s2  }
0x1e: {  	s7 =	smul.u32 @!p0 $0xF7A, s2;
	p2 =	seq.s32 @!p0 s5, $0x0  }
0x1f: {  	s9 =	smul.u32 $0xF7A, s1;
	s8 =	simm.s32 @!p0 $0x1BF5;
	p2 =	por !p2, p0  }
0x20: {  	[sflag:s8] =	ssyncset.s32 @!p0 $0xFFFFF086;
	s6 =	sadd.s32 @!p0 s3, s7;
	s7 =	simm.s32 @!p0 $0x108  }
0x21: {  	s3 =	sadd.s32 s3, s9;
	s6 =	sadd.s32 @!p0 $0x88, s6;
	s7 =	simm.s32 @p2 $0x1082  }
0x22: {  	[simem:s7], [sflag:s8] =	dma.local @!p0 [hbm:s6], $0xF7A  }
0x23: {  	s9 =	sor.u32 $0xD0000000, s2;
	s6 =	simm.s32 $0x108;
	_ =	swait.ge @!p0 [sflag:s8], $0x0  }
0x24: {  	s3 =	sadd.s32 $0x88, s3;
	s6 =	simm.s32 @!p1 $0x1082;
	[sflag:s4] =	ssyncset.s32 $0xFFFFF086  }
0x25: {  	[simem:s6], [sflag:s4] =	dma.local [hbm:s3], $0xF7A  }
0x26: {  	[smem:$0x3F96] =	sst s1;
	(tag) =	ssettag s2;
	_ =	strace s9  }
0x27: {  	s1 =	sld [smem:$0x3FA6]  }
0x28: {  	s2 =	sld [smem:$0x3FA7]  }
0x29: {  	s4 =	sld [smem:$0x3FA9]  }
0x2a: {  	p0 =	seq.s32 s5, $0x0;
	s5 =	sld [smem:$0x3FAA]  }
0x2b: {  	s6 =	sld [smem:$0x3FAB]  }
0x2c: {  	s7 =	sld [smem:$0x3FAC]  }
0x2d: {  	s3 =	simm.s32 $0x108;
	s8 =	sld [smem:$0x3FAD]  }
0x2e: {  	s3 =	simm.s32 @!p0 $0x1082;
	s9 =	sld [smem:$0x3FAE]  }
0x2f: {  	lr =	sadd.s32 s0, s3;
	s0 =	sld [smem:$0x3FA5]  }
0x30: {  	s3 =	sld [smem:$0x3FA8]  }
0x31: {  	[smem:$0x3FB1] =	sst s10  }
0x32: {  	s10 =	sld [smem:$0x3FAF];
	_ =	sdelay $0x3  }
0x33: {  	p0 =	seq.s32 s10, $0x1;
	s10 =	sld [smem:$0x3FB1];
	_ =	sdelay $0x3  }
0x34: {  	[smem:$0x3FB1] =	sst s10  }
0x35: {  	s10 =	sld [smem:$0x3FB0];
	_ =	sdelay $0x3  }
0x36: {  	p1 =	seq.s32 s10, $0x1;
	s10 =	sld [smem:$0x3FB1];
	_ =	sdelay $0x3  }
0x37: {  	[smem:$0x3FB1] =	sst s10  }
0x38: {  	s10 =	sld [smem:$0x3FB2]  }
0x39: {  	_ = 	snop;
	(pc) =	sbr.ind lr, $3  }
0x3a: {  	_ = 	snop  }
0x3b: {  	_ = 	snop  }
0x3c: {  	p2 =	seq.s32 s10, $0x1;
	s10 =	sld [smem:$0x3FB1]  }
0x3d: {  	_ =	shalt  }
0x3e: {  	_ =	shalt  }
0x3f: {  	_ =	shalt  }
0x40: {  	_ =	shalt  }
0x41: {  	_ =	shalt  }
0x42: {  	_ =	shalt  }
0x43: {  	_ =	shalt  }
0x44: {  	_ =	shalt  }
0x45: {  	_ =	shalt  }
0x46: {  	_ =	shalt  }
0x47: {  	_ =	shalt  }
0x48: {  	_ =	shalt  }
0x49: {  	_ =	shalt  }
0x4a: {  	_ =	shalt  }
0x4b: {  	_ =	shalt  }
0x4c: {  	_ =	shalt  }
0x4d: {  	_ =	shalt  }
0x4e: {  	_ =	shalt  }
0x4f: {  	_ =	shalt  }
0x50: {  	_ =	shalt  }
0x51: {  	_ =	shalt  }
0x52: {  	_ =	shalt  }
0x53: {  	_ =	shalt  }
0x54: {  	_ =	shalt  }
0x55: {  	_ =	shalt  }
0x56: {  	_ =	shalt  }
0x57: {  	_ =	shalt  }
0x58: {  	_ =	shalt  }
0x59: {  	_ =	shalt  }
0x5a: {  	_ =	shalt  }
0x5b: {  	_ =	shalt  }
0x5c: {  	_ =	shalt  }
0x5d: {  	_ =	shalt  }
0x5e: {  	_ =	shalt  }
0x5f: {  	_ =	shalt  }
0x60: {  	_ =	shalt  }
0x61: {  	_ =	shalt  }
0x62: {  	_ =	shalt  }
0x63: {  	_ =	shalt  }
0x64: {  	_ =	shalt  }
0x65: {  	_ =	shalt  }
0x66: {  	_ =	shalt  }
0x67: {  	_ =	shalt  }
0x68: {  	_ =	shalt  }
0x69: {  	_ =	shalt  }
0x6a: {  	_ =	shalt  }
0x6b: {  	_ =	shalt  }
0x6c: {  	_ =	shalt  }
0x6d: {  	_ =	shalt  }
0x6e: {  	_ =	shalt  }
0x6f: {  	_ =	shalt  }
0x70: {  	_ =	shalt  }
0x71: {  	_ =	shalt  }
0x72: {  	_ =	shalt  }
0x73: {  	_ =	shalt  }
0x74: {  	_ =	shalt  }
0x75: {  	_ =	shalt  }
0x76: {  	_ =	shalt  }
0x77: {  	_ =	shalt  }
0x78: {  	_ =	shalt  }
0x79: {  	_ =	shalt  }
0x7a: {  	_ =	shalt  }
0x7b: {  	_ =	shalt  }
0x7c: {  	_ =	shalt  }
0x7d: {  	_ =	shalt  }
0x7e: {  	_ =	shalt  }
0x7f: {  	_ =	shalt  }
0x80: {  	_ =	shalt  }
0x81: {  	_ =	shalt  }
0x82: {  	_ =	shalt  }
0x83: {  	_ =	shalt  }
0x84: {  	_ =	shalt  }
0x85: {  	_ =	shalt  }
0x86: {  	_ =	shalt  }
0x87: {  	_ =	shalt  }
.Lfunc_end0:
.L_simem_size_0:
called_computation.2_lowered:
.L_overlay_start_0:
0x88: {  	s2 =	sld [smem:$0x3FD9]  }
0x89: {  	s3 =	sld [smem:$0x3FFE];
	_ =	sdelay $0x1  }
0x8a: {  	s1 =	srdreg.scid  }
0x8b: {  	s0 =	sand.u32 $0x1, s1  }
0x8c: {  	s16 =	sshll.u32 s0, $0xA;
	s2 =	sadd.s32 s3, s2  }
0x8d: {  	s2 =	sadd.s32 s2, s16  }
0x8e: {  	[smem:$0x3FBD] =	sst s2  }
0x8f: {  	_ = 	snop  }
0x90: {  	(tm) =	ssettm $0x1  }
0x91: {  	s17 =	sld [smem:$0x3FFB];
	_ =	sdelay $0x3  }
0x92: {  	_ =	strace s17  }
0x93: {  	s2 =	sld [smem:$0x3FFC];
	_ =	sdelay $0x3  }
0x94: {  	_ =	strace s2  }
0x95: {  	s2 =	sld [smem:$0x3FFD];
	_ =	sdelay $0x3  }
0x96: {  	_ =	strace s2  }
0x97: {  	_ =	strace $0x8FFFFFFF  }
0x98: {  	s18 =	sld [smem:$0x3FDB];
	_ =	sdelay $0x1  }
0x99: {  	s19 =	simm.s32 $_scs_section_size  }
0x9a: {  	s4 =	simm.s32 $_size__tile_overlayer_lowered;
	s5 =	simm.s32 $_tile_overlayer_lowered  }
0x9b: {  	s22 =	simm.s32 $0x1BFF;
	s21 =	sshll.u32 s5, $0x1;
	s2 =	sadd.s32 s19, s18  }
0x9c: {  	s6 =	simm.s32 $0x0;
	s20 =	sshll.u32 s4, $0x1;
	s4 =	sadd.s32 s21, s2  }
0x9d: {  	[timem:s6], [sflag:s22] =	dma.local [hbm:s4], s20  }
0x9e: {  	_ =	swait.ge [sflag:s22], s20  }
0x9f: {  	s3 =	ssub.s32 $0x0, s20;
	[sflag:s22] =	ssyncset.done $0x0  }
0xa0: {  	[sflag:s22] =	ssyncadd.s32 s3;
	_ =	sdelay $0x1  }
0xa1: {  	s23 =	simm.s32 $0x1B8B  }
0xa2: {  	_ =	swait.ge [sflag:s23], $0x1  }
0xa3: {  	[sflag:s23] =	ssyncset.done $0x0  }
0xa4: {  	s25 =	simm.s32 $0x1B8E;
	s24 =	sld [smem:$0x3FFE];
	[sflag:s23] =	ssyncadd.s32 $0xFFFFFFFF  }
0xa5: {  	s26 =	simm.s32 $execute0_lowered;
	[smem:$0x3FD2] =	sst s25  }
0xa6: {  	s4 =	sshll.u32 s26, $0x1;
	_ =	strace $0x8000004C;
	[dreg:$0x1] =	wrdreg $0xFFFFFFFF  }
0xa7: {  	s28 =	simm.s32 $_size_execute0_lowered;
	s2 =	sadd.s32 s2, s4;
	[dreg:$0x0] =	wrdreg $0x0  }
0xa8: {  	s4 =	sshll.u32 s28, $0x1;
	[dreg:$0x2] =	wrdreg s2  }
0xa9: {  	[dreg:$0x3] =	wrdreg s4  }
0xaa: {  	[dreg:$0x4] =	wrdreg $0xC0  }
0xab: {  	_ =	task [dreg:s6], $0x5FFFF  }
0xac: {  	[dreg:$0x1] =	wrdreg $0xFFFFFFFF  }
0xad: {  	[dreg:$0x0] =	wrdreg $0x60  }
0xae: {  	[dreg:$0x2] =	wrdreg s24  }
0xaf: {  	[dreg:$0x3] =	wrdreg $0x9  }
0xb0: {  	_ =	task.clear_ibuf [dreg:s6], $0x4FFFF;
	_ =	strace $0x9000004C  }
0xb1: {  	s29 =	simm.s32 $0x9;
	_ =	strace $0x8000004E  }
0xb2: {  	_ =	swait.ge [sflag:s29], $0x1  }
0xb3: {  	[sflag:s29] =	ssyncadd.s32 $0xFFFFFFFF  }
0xb4: {  	_ =	strace $0x9000004E  }
0xb5: {  	_ =	sfence  }
0xb6: {  	s30 =	sld [smem:$0x0];
	_ =	sdelay $0x2  }
0xb7: {  	s31 =	sshll.u32 s1, $0xD;
	s1 =	sshrl.u32 s1, $0x2  }
0xb8: {  	s3 =	sand.u32 $0x4000, s31;
	s1 =	sadd.s32 s1, s30  }
0xb9: {  	s0 =	sor.u32 s3, s0;
	s1 =	sshll.u32 s1, $0x11  }
0xba: {  	s0 =	sor.u32 s1, s0  }
0xbb: {  	s0 =	sadd.s32 $0x8F2B, s0  }
0xbc: {  	[sflag:s0] =	ssyncadd.remote.s32 $0x1  }
0xbd: {  	_ =	sfence.sel $0xFFFF  }
0xbe: {  	[dreg:$0x0] =	wrdreg $0xFFFFFFFF;
	(pc) =	sbr.abs _section_cstart, $3  }
0xbf: {  	[dreg:$0x1] =	wrdreg $0xFFFFFFFF  }
0xc0: {  	_ =	task.clear_ibuf [dreg:s6], $0x2FFFF;
	_ =	strace $0x9FFFFFFF  }
0xc1: {  	(tm) =	ssettm $0x7FFFFFFF  }
tec
execute0_lowered:
.L_overlay_start_1:
0x0: {  	(tag) =	ssettag $0x1  }
0x1: {  	s1 =	srdreg.scid  }
0x2: {  	s0 =	stileid.u32;
	s9 =	rddreg [dreg:$0x0]  }
0x3: {  	s2 =	simm.s32 $0x0;
	s11 =	simm.s32 $0x1;
	s12 =	simm.s32 $0x13880  }
0x4: {  	s13 =	simm.s32 $0x13E90;
	s15 =	simm.s32 $0x14AB0;
	s16 =	simm.s32 $0x14C00  }
0x5: {  	s17 =	simm.s32 $0x14D50;
	s3 =	sand.u32 $0x1, s1;
	s1 =	rddreg [dreg:$0x1]  }
0x6: {  	s18 =	simm.s32 $0x0;
	s30 =	sshll.u32 s0, $0x1;
	[smem:$0x7FF] =	sst s2  }
0x7: {  	s7 =	sadd.s32 $0x6E040, s9;
	s8 =	sadd.s32 $0x6C640, s9;
	s14 =	sor.u32 s3, s30  }
.Ltmp0:
0x8: {  	s5 =	ssub.s32 $0x2, s3;
	_ =	strace $0x8000004D;
	(pc) =	sbr.rel .LBB2_1-.Ltmp0, $4  }
0x9: {  	s3 =	sadd.s32 $0x3000, s9;
	s4 =	smul.u32 $0xC2, s14;
	s31 =	sshrl.u32 s5, $0x1  }
0xa: {  	p0 =	sne.s32 s14, $0x0;
	s14 =	simm.s32 $0x144A0;
	s10 =	ssub.s32 s5, s31  }
0xb: {  	s6 =	sadd.s32 s4, s9;
	s9 =	sadd.s32 $0x7040, s9;
	s10 =	smax.u32 s10, $0x1  }
0xc: {  	s4 =	sadd.s32 $0x6C800, s6;
	s5 =	sadd.s32 $0x6AE00, s6;
	s6 =	sadd.s32 $0x5800, s6  }
.LBB2_6:
0xd: {  	v1 =	vld [tilespmem:s21+$0x14AB0];
	_ =	sdelay $0x2  }
0xe: {  	v0 =	vshll.u32 v0, $0x3  }
0xf: {  	v0 =	vor.u32 $0x1, v0  }
0x10: {  	v1 =	vshll.u32 v1, $0x3;
	_ =	sdelay $0x1  }
0x11: {  	v2 =	vpop (erf)  }
0x12: {  	[tilespmem:s19+$0x14D50] =	vst v2  }
0x13: {  	v0 =	vld.idx.msk [tilespmem:v0+s2+$0x0], $0xffff  }
0x14: {  	v1 =	vld.idx.msk [tilespmem:v1+s2+$0x0], $0xffff;
	_ =	sdelay $0x4  }
0x15: {  	v0 =	vadd.f32 v0, v1;
	_ =	sdelay $0x1  }
0x16: {  	v0 =	vsub.f32 $0.0e+00, v0;
	_ =	sdelay $0x1  }
0x17: {  	v0 =	vmul.f32 $1.442695020e+00, v0;
	_ =	sdelay $0x1  }
0x18: {  	(erf) = vpow2.f32 v0;
	_ =	sdelay $0x8  }
0x19: {  	v0 =	vpop (erf)  }
0x1a: {  	v0 =	vadd.f32 $1.000000000e+00, v0;
	_ =	sdelay $0x1  }
0x1b: {  	(erf) = vrcp.f32 v0;
	_ =	sdelay $0x8  }
0x1c: {  	v0 =	vpop (erf)  }
0x1d: {  	[tilespmem:s21+$0x14D50] =	vst v0  }
0x1e: {  	[hbm4b:s9+s2] =	stream.linear.scatter [tilespmem:s17], [sflag:$0x1], $0x150, $0x38;
	[tilespmem:$0x14EA0] =	vst v63  }
0x1f: {  	_ =	swait.ge [sflag:s11], $0x150  }
0x20: {  	[sflag:s11] =	ssyncset.done $0x0  }
0x21: {  	[sflag:s11] =	ssyncadd.s32 $0xFFFFFEB0  }
.LBB2_7:
0x22: {  	s18 =	sadd.s32 $0x1, s18  }
0x23: {  	p1 =	sne.s32 s18, s10  }
.Ltmp1:
0x24: {  	_ = 	snop;
	(pc) =	sbr.rel @!p1 .LBB2_8-.Ltmp1, $1  }
0x25: {  	_ =	sdelay $0x3  }
.LBB2_1:
0x26: {  	[tilespmem:s2], [sflag:$0x1] =	stream.linear.gather [hbm4b:s3+s2], $0x13880, $0x38;
	[tilespmem:$0x14EA0] =	vst v63  }
0x27: {  	_ =	swait.ge [sflag:s11], $0x13880  }
0x28: {  	[sflag:s11] =	ssyncset.done $0x0  }
0x29: {  	[sflag:s11] =	ssyncadd.s32 $0xFFFEC780  }
0x2a: {  	[tilespmem:s12], [sflag:$0x1] =	stream.linear.gather [hbm4b:s4+s2], $0x610, $0x38;
	[tilespmem:$0x14EA0] =	vst v63  }
0x2b: {  	_ =	swait.ge [sflag:s11], $0x610  }
0x2c: {  	[sflag:s11] =	ssyncset.done $0x0  }
0x2d: {  	[sflag:s11] =	ssyncadd.s32 $0xFFFFF9F0  }
0x2e: {  	[tilespmem:s13], [sflag:$0x1] =	stream.linear.gather [hbm4b:s5+s2], $0x610, $0x38;
	[tilespmem:$0x14EA0] =	vst v63  }
0x2f: {  	_ =	swait.ge [sflag:s11], $0x610  }
0x30: {  	[sflag:s11] =	ssyncset.done $0x0  }
0x31: {  	s19 =	simm.s32 $0x0;
	[sflag:s11] =	ssyncadd.s32 $0xFFFFF9F0  }
0x32: {  	v0 =	vld [tilespmem:s19+$0x13E90]  }
0x33: {  	v1 =	vld [tilespmem:s19+$0x13880];
	_ =	sdelay $0x4  }
0x34: {  	v0 =	vshll.u32 v0, $0x3;
	v1 =	vshll.u32 v1, $0x3  }
0x35: {  	v0 =	vor.u32 $0x1, v0;
	_ =	sdelay $0x3  }
0x36: {  	v1 =	vld.idx.msk [tilespmem:v1+s2+$0x0], $0xffff  }
0x37: {  	v0 =	vld.idx.msk [tilespmem:v0+s2+$0x0], $0xffff;
	_ =	sdelay $0x4  }
0x38: {  	v0 =	vadd.f32 v0, v1;
	_ =	sdelay $0x1  }
0x39: {  	v0 =	vsub.f32 $0.0e+00, v0;
	_ =	sdelay $0x1  }
0x3a: {  	v0 =	vmul.f32 $1.442695020e+00, v0;
	_ =	sdelay $0x1  }
0x3b: {  	(erf) = vpow2.f32 v0;
	_ =	sdelay $0x8  }
0x3c: {  	v0 =	vpop (erf)  }
0x3d: {  	v1 =	vadd.f32 $1.000000000e+00, v0  }
0x3e: {  	s21 =	simm.s32 $0x10  }
0x3f: {  	s20 =	simm.s32 $0x80;
	v0 =	vld [tilespmem:s21+$0x13E90];
	(erf) = vrcp.f32 v1  }
.LBB2_2:
0x40: {  	p1 =	sne.s32 s20, $0x1800  }
0x41: {  	v1 =	vld [tilespmem:s21+$0x13880];
	_ =	sdelay $0x2  }
0x42: {  	v0 =	vshll.u32 v0, $0x3  }
0x43: {  	v0 =	vor.u32 $0x1, v0  }
0x44: {  	v1 =	vshll.u32 v1, $0x3;
	_ =	sdelay $0x1  }
0x45: {  	v2 =	vpop (erf)  }
0x46: {  	[tilespmem:s19+$0x144A0] =	vst v2;
	s19 =	smov.u32 s21  }
0x47: {  	v0 =	vld.idx.msk [tilespmem:v0+s2+$0x0], $0xffff  }
0x48: {  	v1 =	vld.idx.msk [tilespmem:v1+s2+$0x0], $0xffff;
	_ =	sdelay $0x5  }
0x49: {  	v0 =	vadd.f32 v0, v1;
	_ =	sdelay $0x1  }
0x4a: {  	v0 =	vsub.f32 $0.0e+00, v0;
	_ =	sdelay $0x1  }
0x4b: {  	v0 =	vmul.f32 $1.442695020e+00, v0;
	_ =	sdelay $0x1  }
0x4c: {  	(erf) = vpow2.f32 v0;
	_ =	sdelay $0x7  }
.Ltmp2:
0x4d: {  	(pc) =	sbr.rel @p1 .LBB2_2-.Ltmp2, $4  }
0x4e: {  	v0 =	vpop (erf)  }
0x4f: {  	v1 =	vadd.f32 $1.000000000e+00, v0  }
0x50: {  	s21 =	sshra.s32 s20, $0x2  }
0x51: {  	s20 =	sadd.s32 $0x40, s20;
	v0 =	vld [tilespmem:s21+$0x13E90];
	(erf) = vrcp.f32 v1  }
0x52: {  	_ = 	snop  }
0x53: {  	v1 =	vld [tilespmem:s21+$0x13880];
	_ =	sdelay $0x2  }
0x54: {  	v0 =	vshll.u32 v0, $0x3  }
0x55: {  	v0 =	vor.u32 $0x1, v0  }
0x56: {  	v1 =	vshll.u32 v1, $0x3;
	_ =	sdelay $0x1  }
0x57: {  	v2 =	vpop (erf)  }
0x58: {  	[tilespmem:s19+$0x144A0] =	vst v2  }
0x59: {  	v0 =	vld.idx.msk [tilespmem:v0+s2+$0x0], $0xffff  }
0x5a: {  	v1 =	vld.idx.msk [tilespmem:v1+s2+$0x0], $0xffff;
	_ =	sdelay $0x4  }
0x5b: {  	v0 =	vadd.f32 v0, v1;
	_ =	sdelay $0x1  }
0x5c: {  	v0 =	vsub.f32 $0.0e+00, v0;
	_ =	sdelay $0x1  }
0x5d: {  	v0 =	vmul.f32 $1.442695020e+00, v0;
	_ =	sdelay $0x1  }
0x5e: {  	(erf) = vpow2.f32 v0;
	_ =	sdelay $0x8  }
0x5f: {  	v0 =	vpop (erf)  }
0x60: {  	v0 =	vadd.f32 $1.000000000e+00, v0;
	_ =	sdelay $0x1  }
0x61: {  	(erf) = vrcp.f32 v0;
	_ =	sdelay $0x8  }
0x62: {  	v0 =	vpop (erf)  }
.Ltmp3:
0x63: {  	[tilespmem:s21+$0x144A0] =	vst v0;
	(pc) =	sbr.rel @p0 .LBB2_7-.Ltmp3, $4  }
0x64: {  	[hbm4b:s6+s2] =	stream.linear.scatter [tilespmem:s14], [sflag:$0x1], $0x610, $0x38;
	[tilespmem:$0x14EA0] =	vst v63  }
0x65: {  	_ =	swait.ge [sflag:s11], $0x610  }
0x66: {  	[sflag:s11] =	ssyncset.done $0x0  }
0x67: {  	[sflag:s11] =	ssyncadd.s32 $0xFFFFF9F0  }
0x68: {  	s19 =	simm.s32 $0x0  }
0x69: {  	[tilespmem:s15], [sflag:$0x1] =	stream.linear.gather [hbm4b:s7+s19], $0x150, $0x38;
	[tilespmem:$0x14EA0] =	vst v63  }
0x6a: {  	_ =	swait.ge [sflag:s11], $0x150  }
0x6b: {  	[sflag:s11] =	ssyncset.done $0x0  }
0x6c: {  	[sflag:s11] =	ssyncadd.s32 $0xFFFFFEB0  }
0x6d: {  	[tilespmem:s16], [sflag:$0x1] =	stream.linear.gather [hbm4b:s8+s19], $0x150, $0x38;
	[tilespmem:$0x14EA0] =	vst v63  }
0x6e: {  	_ =	swait.ge [sflag:s11], $0x150  }
0x6f: {  	[sflag:s11] =	ssyncset.done $0x0  }
0x70: {  	s19 =	simm.s32 $0x0;
	[sflag:s11] =	ssyncadd.s32 $0xFFFFFEB0  }
0x71: {  	v0 =	vld [tilespmem:s19+$0x14C00]  }
0x72: {  	v1 =	vld [tilespmem:s19+$0x14AB0];
	_ =	sdelay $0x4  }
0x73: {  	v0 =	vshll.u32 v0, $0x3;
	v1 =	vshll.u32 v1, $0x3  }
0x74: {  	v0 =	vor.u32 $0x1, v0;
	_ =	sdelay $0x3  }
0x75: {  	v1 =	vld.idx.msk [tilespmem:v1+s2+$0x0], $0xffff  }
0x76: {  	v0 =	vld.idx.msk [tilespmem:v0+s2+$0x0], $0xffff;
	_ =	sdelay $0x4  }
0x77: {  	v0 =	vadd.f32 v0, v1;
	_ =	sdelay $0x1  }
0x78: {  	v0 =	vsub.f32 $0.0e+00, v0;
	_ =	sdelay $0x1  }
0x79: {  	v0 =	vmul.f32 $1.442695020e+00, v0;
	_ =	sdelay $0x1  }
0x7a: {  	(erf) = vpow2.f32 v0;
	_ =	sdelay $0x8  }
0x7b: {  	v0 =	vpop (erf)  }
0x7c: {  	v1 =	vadd.f32 $1.000000000e+00, v0  }
0x7d: {  	s21 =	simm.s32 $0x10  }
0x7e: {  	s20 =	simm.s32 $0x80;
	v0 =	vld [tilespmem:s21+$0x14C00];
	(erf) = vrcp.f32 v1  }
.LBB2_5:
0x7f: {  	p1 =	sne.s32 s20, $0x500  }
0x80: {  	v1 =	vld [tilespmem:s21+$0x14AB0];
	_ =	sdelay $0x2  }
0x81: {  	v0 =	vshll.u32 v0, $0x3  }
0x82: {  	v0 =	vor.u32 $0x1, v0  }
0x83: {  	v1 =	vshll.u32 v1, $0x3;
	_ =	sdelay $0x1  }
0x84: {  	v2 =	vpop (erf)  }
0x85: {  	[tilespmem:s19+$0x14D50] =	vst v2;
	s19 =	smov.u32 s21  }
0x86: {  	v0 =	vld.idx.msk [tilespmem:v0+s2+$0x0], $0xffff  }
0x87: {  	v1 =	vld.idx.msk [tilespmem:v1+s2+$0x0], $0xffff;
	_ =	sdelay $0x5  }
0x88: {  	v0 =	vadd.f32 v0, v1;
	_ =	sdelay $0x1  }
0x89: {  	v0 =	vsub.f32 $0.0e+00, v0;
	_ =	sdelay $0x1  }
0x8a: {  	v0 =	vmul.f32 $1.442695020e+00, v0;
	_ =	sdelay $0x1  }
0x8b: {  	(erf) = vpow2.f32 v0;
	_ =	sdelay $0x7  }
.Ltmp4:
0x8c: {  	(pc) =	sbr.rel @p1 .LBB2_5-.Ltmp4, $4  }
0x8d: {  	v0 =	vpop (erf)  }
0x8e: {  	v1 =	vadd.f32 $1.000000000e+00, v0  }
0x8f: {  	s21 =	sshra.s32 s20, $0x2  }
0x90: {  	s20 =	sadd.s32 $0x40, s20;
	v0 =	vld [tilespmem:s21+$0x14C00];
	(erf) = vrcp.f32 v1  }
.Ltmp5:
0x91: {  	_ = 	snop;
	(pc) =	sbr.rel .LBB2_6-.Ltmp5, $1  }
0x92: {  	_ =	sdelay $0x3  }
.LBB2_8:
0x93: {  	_ =	sfence.sel $0x180000  }
0x94: {  	[bflag:$0x0] =	sbarrier.arrive $0xFFFF  }
0x95: {  	p0 =	sne.s32 s0, $0x0;
	_ =	strace $0x9000004D  }
0x96: {  	s0 =	sadd.s32 @!p0 $0x100000, s1;
	[bflag:$0x2] =	sbarrier.arrive $0xFFFF  }
0x97: {  	[sflag:s0] =	ssyncadd.tile.s32 @!p0 $0x1;
	_ =	shalt  }
.Lfunc_end2:
_tile_overlayer_lowered:
.L_overlay_start_2:
0x98: {  	(tag) =	ssettag $0x2  }
0x99: {  	s0 =	rddreg [dreg:$0x0];
	s2 =	stileid.u32  }
0x9a: {  	s1 =	rddreg [dreg:$0x1];
	p0 =	sne.s32 s2, $0x0  }
0x9b: {  	s3 =	rddreg [dreg:$0x2];
	[bflag:$0x3] =	sbarrier.arrive $0xFFFF;
	s2 =	simm.s32 @!p0 $0x1C01  }
0x9c: {  	[timem:s3], [sflag:s2] =	dma.local @!p0 [hbm:s0], s1  }
0x9d: {  	s0 =	simm.s32 @!p0 $0x1  }
0x9e: {  	_ =	swait.ge @!p0 [sflag:s0], s1  }
0x9f: {  	s1 =	ssub.s32 @!p0 $0x0, s1;
	[sflag:s0] =	ssyncset.done @!p0 $0x0  }
0xa0: {  	[sflag:s0] =	ssyncadd.s32 @!p0 s1  }
0xa1: {  	[bflag:$0x3] =	sbarrier.arrive $0xFFFF  }
0xa2: {  	_ =	shalt  }

// kernel: sc_scalar_agg.3.cloned.1.call-start
scs
__scs_entry_jumppad:
0x0: {  	(pc) =	sbr.rel $0x88, $3  }
0x1: {  	(tag) =	ssettag $0x0;
	lr =	simm.s32 $0x1  }
0x2: {  	[smem:$0x3F96] =	sst lr;
	_ =	strace $0xD0000000  }
0x3: {  	_ = 	snop  }
0x4: {  	_ = 	snop  }
0x5: {  	_ = 	snop  }
0x6: {  	_ = 	snop  }
0x7: {  	_ = 	snop  }
__scs_overlays_trampoline_lowered:
0x8: {  	[smem:$0x3FA5] =	sst s0  }
0x9: {  	[smem:$0x3FA6] =	sst s1  }
0xa: {  	[smem:$0x3FA7] =	sst s2  }
0xb: {  	[smem:$0x3FA8] =	sst s3  }
0xc: {  	[smem:$0x3FA9] =	sst s4  }
0xd: {  	[smem:$0x3FAA] =	sst s5  }
0xe: {  	[smem:$0x3FAB] =	sst s6  }
0xf: {  	[smem:$0x3FAC] =	sst s7  }
0x10: {  	[smem:$0x3FAD] =	sst s8  }
0x11: {  	[smem:$0x3FAE] =	sst s9;
	s0 =	simm.s32 @!p0 $0x0  }
0x12: {  	s1 =	sld [smem:$0x3F94];
	s0 =	simm.s32 @p0 $0x1  }
0x13: {  	[smem:$0x3FAF] =	sst s0;
	s0 =	simm.s32 @!p1 $0x0  }
0x14: {  	s2 =	sld [smem:$0x3F93];
	s0 =	simm.s32 @p1 $0x1  }
0x15: {  	[smem:$0x3FB0] =	sst s0;
	s0 =	simm.s32 @!p2 $0x0  }
0x16: {  	s3 =	sld [smem:$0x3FDB];
	s0 =	simm.s32 @p2 $0x1  }
0x17: {  	s4 =	simm.s32 $0x1BF5;
	[smem:$0x3FB2] =	sst s0  }
0x18: {  	s0 =	sld [smem:$0x3F95];
	_ =	swait.ge [sflag:s4], $0x0  }
0x19: {  	s7 =	sld [smem:$0x3F96]  }
0x1a: {  	s8 =	sadd.s32 $0xFFFFE003, lr  }
0x1b: {  	s9 =	sadd.s32 $0xFFFFFEF7, lr;
	s5 =	simm.s32 $0xFFFFFFFF;
	p2 =	slt.u32 s8, $0xFFFFF086  }
0x1c: {  	p1 =	slt.u32 s9, $0xF7A;
	s5 =	simm.s32 @!p2 $0x0  }
0x1d: {  	s5 =	simm.s32 @p1 $0x1;
	p0 =	seq.s32 s7, s2  }
0x1e: {  	s7 =	smul.u32 @!p0 $0xF7A, s2;
	p2 =	seq.s32 @!p0 s5, $0x0  }
0x1f: {  	s9 =	smul.u32 $0xF7A, s1;
	s8 =	simm.s32 @!p0 $0x1BF5;
	p2 =	por !p2, p0  }
0x20: {  	[sflag:s8] =	ssyncset.s32 @!p0 $0xFFFFF086;
	s6 =	sadd.s32 @!p0 s3, s7;
	s7 =	simm.s32 @!p0 $0x108  }
0x21: {  	s3 =	sadd.s32 s3, s9;
	s6 =	sadd.s32 @!p0 $0x88, s6;
	s7 =	simm.s32 @p2 $0x1082  }
0x22: {  	[simem:s7], [sflag:s8] =	dma.local @!p0 [hbm:s6], $0xF7A  }
0x23: {  	s9 =	sor.u32 $0xD0000000, s2;
	s6 =	simm.s32 $0x108;
	_ =	swait.ge @!p0 [sflag:s8], $0x0  }
0x24: {  	s3 =	sadd.s32 $0x88, s3;
	s6 =	simm.s32 @!p1 $0x1082;
	[sflag:s4] =	ssyncset.s32 $0xFFFFF086  }
0x25: {  	[simem:s6], [sflag:s4] =	dma.local [hbm:s3], $0xF7A  }
0x26: {  	[smem:$0x3F96] =	sst s1;
	(tag) =	ssettag s2;
	_ =	strace s9  }
0x27: {  	s1 =	sld [smem:$0x3FA6]  }
0x28: {  	s2 =	sld [smem:$0x3FA7]  }
0x29: {  	s4 =	sld [smem:$0x3FA9]  }
0x2a: {  	p0 =	seq.s32 s5, $0x0;
	s5 =	sld [smem:$0x3FAA]  }
0x2b: {  	s6 =	sld [smem:$0x3FAB]  }
0x2c: {  	s7 =	sld [smem:$0x3FAC]  }
0x2d: {  	s3 =	simm.s32 $0x108;
	s8 =	sld [smem:$0x3FAD]  }
0x2e: {  	s3 =	simm.s32 @!p0 $0x1082;
	s9 =	sld [smem:$0x3FAE]  }
0x2f: {  	lr =	sadd.s32 s0, s3;
	s0 =	sld [smem:$0x3FA5]  }
0x30: {  	s3 =	sld [smem:$0x3FA8]  }
0x31: {  	[smem:$0x3FB1] =	sst s10  }
0x32: {  	s10 =	sld [smem:$0x3FAF];
	_ =	sdelay $0x3  }
0x33: {  	p0 =	seq.s32 s10, $0x1;
	s10 =	sld [smem:$0x3FB1];
	_ =	sdelay $0x3  }
0x34: {  	[smem:$0x3FB1] =	sst s10  }
0x35: {  	s10 =	sld [smem:$0x3FB0];
	_ =	sdelay $0x3  }
0x36: {  	p1 =	seq.s32 s10, $0x1;
	s10 =	sld [smem:$0x3FB1];
	_ =	sdelay $0x3  }
0x37: {  	[smem:$0x3FB1] =	sst s10  }
0x38: {  	s10 =	sld [smem:$0x3FB2]  }
0x39: {  	_ = 	snop;
	(pc) =	sbr.ind lr, $3  }
0x3a: {  	_ = 	snop  }
0x3b: {  	_ = 	snop  }
0x3c: {  	p2 =	seq.s32 s10, $0x1;
	s10 =	sld [smem:$0x3FB1]  }
0x3d: {  	_ =	shalt  }
0x3e: {  	_ =	shalt  }
0x3f: {  	_ =	shalt  }
0x40: {  	_ =	shalt  }
0x41: {  	_ =	shalt  }
0x42: {  	_ =	shalt  }
0x43: {  	_ =	shalt  }
0x44: {  	_ =	shalt  }
0x45: {  	_ =	shalt  }
0x46: {  	_ =	shalt  }
0x47: {  	_ =	shalt  }
0x48: {  	_ =	shalt  }
0x49: {  	_ =	shalt  }
0x4a: {  	_ =	shalt  }
0x4b: {  	_ =	shalt  }
0x4c: {  	_ =	shalt  }
0x4d: {  	_ =	shalt  }
0x4e: {  	_ =	shalt  }
0x4f: {  	_ =	shalt  }
0x50: {  	_ =	shalt  }
0x51: {  	_ =	shalt  }
0x52: {  	_ =	shalt  }
0x53: {  	_ =	shalt  }
0x54: {  	_ =	shalt  }
0x55: {  	_ =	shalt  }
0x56: {  	_ =	shalt  }
0x57: {  	_ =	shalt  }
0x58: {  	_ =	shalt  }
0x59: {  	_ =	shalt  }
0x5a: {  	_ =	shalt  }
0x5b: {  	_ =	shalt  }
0x5c: {  	_ =	shalt  }
0x5d: {  	_ =	shalt  }
0x5e: {  	_ =	shalt  }
0x5f: {  	_ =	shalt  }
0x60: {  	_ =	shalt  }
0x61: {  	_ =	shalt  }
0x62: {  	_ =	shalt  }
0x63: {  	_ =	shalt  }
0x64: {  	_ =	shalt  }
0x65: {  	_ =	shalt  }
0x66: {  	_ =	shalt  }
0x67: {  	_ =	shalt  }
0x68: {  	_ =	shalt  }
0x69: {  	_ =	shalt  }
0x6a: {  	_ =	shalt  }
0x6b: {  	_ =	shalt  }
0x6c: {  	_ =	shalt  }
0x6d: {  	_ =	shalt  }
0x6e: {  	_ =	shalt  }
0x6f: {  	_ =	shalt  }
0x70: {  	_ =	shalt  }
0x71: {  	_ =	shalt  }
0x72: {  	_ =	shalt  }
0x73: {  	_ =	shalt  }
0x74: {  	_ =	shalt  }
0x75: {  	_ =	shalt  }
0x76: {  	_ =	shalt  }
0x77: {  	_ =	shalt  }
0x78: {  	_ =	shalt  }
0x79: {  	_ =	shalt  }
0x7a: {  	_ =	shalt  }
0x7b: {  	_ =	shalt  }
0x7c: {  	_ =	shalt  }
0x7d: {  	_ =	shalt  }
0x7e: {  	_ =	shalt  }
0x7f: {  	_ =	shalt  }
0x80: {  	_ =	shalt  }
0x81: {  	_ =	shalt  }
0x82: {  	_ =	shalt  }
0x83: {  	_ =	shalt  }
0x84: {  	_ =	shalt  }
0x85: {  	_ =	shalt  }
0x86: {  	_ =	shalt  }
0x87: {  	_ =	shalt  }
.Lfunc_end0:
.L_simem_size_0:
called_computation.1_lowered:
.L_overlay_start_0:
0x88: {  	s2 =	sld [smem:$0x3FD9]  }
0x89: {  	s3 =	sld [smem:$0x3FFE];
	_ =	sdelay $0x1  }
0x8a: {  	s1 =	srdreg.scid  }
0x8b: {  	s0 =	sand.u32 $0x1, s1  }
0x8c: {  	s16 =	sshll.u32 s0, $0xA;
	s2 =	sadd.s32 s3, s2  }
0x8d: {  	s2 =	sadd.s32 s2, s16  }
0x8e: {  	[smem:$0x3FBD] =	sst s2  }
0x8f: {  	_ = 	snop  }
0x90: {  	(tm) =	ssettm $0x1  }
0x91: {  	s17 =	sld [smem:$0x3FFB];
	_ =	sdelay $0x3  }
0x92: {  	_ =	strace s17  }
0x93: {  	s2 =	sld [smem:$0x3FFC];
	_ =	sdelay $0x3  }
0x94: {  	_ =	strace s2  }
0x95: {  	s2 =	sld [smem:$0x3FFD];
	_ =	sdelay $0x3  }
0x96: {  	_ =	strace s2  }
0x97: {  	_ =	strace $0x8FFFFFFF  }
0x98: {  	s18 =	sld [smem:$0x3FDB];
	_ =	sdelay $0x1  }
0x99: {  	s19 =	simm.s32 $_scs_section_size  }
0x9a: {  	s4 =	simm.s32 $_size__tile_overlayer_lowered;
	s5 =	simm.s32 $_tile_overlayer_lowered  }
0x9b: {  	s22 =	simm.s32 $0x1BFF;
	s21 =	sshll.u32 s5, $0x1;
	s2 =	sadd.s32 s19, s18  }
0x9c: {  	s6 =	simm.s32 $0x0;
	s20 =	sshll.u32 s4, $0x1;
	s4 =	sadd.s32 s21, s2  }
0x9d: {  	[timem:s6], [sflag:s22] =	dma.local [hbm:s4], s20  }
0x9e: {  	_ =	swait.ge [sflag:s22], s20  }
0x9f: {  	s3 =	ssub.s32 $0x0, s20;
	[sflag:s22] =	ssyncset.done $0x0  }
0xa0: {  	[sflag:s22] =	ssyncadd.s32 s3;
	_ =	sdelay $0x1  }
0xa1: {  	s23 =	simm.s32 $0x1B8B  }
0xa2: {  	_ =	swait.ge [sflag:s23], $0x1  }
0xa3: {  	[sflag:s23] =	ssyncset.done $0x0  }
0xa4: {  	s25 =	simm.s32 $0x1B8E;
	s24 =	sld [smem:$0x3FFE];
	[sflag:s23] =	ssyncadd.s32 $0xFFFFFFFF  }
0xa5: {  	s26 =	simm.s32 $execute0_lowered;
	[smem:$0x3FD2] =	sst s25  }
0xa6: {  	s4 =	sshll.u32 s26, $0x1;
	_ =	strace $0x80000049;
	[dreg:$0x1] =	wrdreg $0xFFFFFFFF  }
0xa7: {  	s28 =	simm.s32 $_size_execute0_lowered;
	s2 =	sadd.s32 s2, s4;
	[dreg:$0x0] =	wrdreg $0x0  }
0xa8: {  	s4 =	sshll.u32 s28, $0x1;
	[dreg:$0x2] =	wrdreg s2  }
0xa9: {  	[dreg:$0x3] =	wrdreg s4  }
0xaa: {  	[dreg:$0x4] =	wrdreg $0xC0  }
0xab: {  	_ =	task [dreg:s6], $0x5FFFF  }
0xac: {  	[dreg:$0x1] =	wrdreg $0xFFFFFFFF  }
0xad: {  	[dreg:$0x0] =	wrdreg $0x60  }
0xae: {  	[dreg:$0x2] =	wrdreg s24  }
0xaf: {  	[dreg:$0x3] =	wrdreg $0x6F400  }
0xb0: {  	[dreg:$0x4] =	wrdreg $0x9  }
0xb1: {  	_ =	task.clear_ibuf [dreg:s6], $0x5FFFF;
	_ =	strace $0x90000049  }
0xb2: {  	s29 =	simm.s32 $0x9;
	_ =	strace $0x8000004B  }
0xb3: {  	_ =	swait.ge [sflag:s29], $0x1  }
0xb4: {  	[sflag:s29] =	ssyncadd.s32 $0xFFFFFFFF  }
0xb5: {  	_ =	strace $0x9000004B  }
0xb6: {  	_ =	sfence  }
0xb7: {  	s30 =	sld [smem:$0x0];
	_ =	sdelay $0x2  }
0xb8: {  	s31 =	sshll.u32 s1, $0xD;
	s1 =	sshrl.u32 s1, $0x2  }
0xb9: {  	s3 =	sand.u32 $0x4000, s31;
	s1 =	sadd.s32 s1, s30  }
0xba: {  	s0 =	sor.u32 s3, s0;
	s1 =	sshll.u32 s1, $0x11  }
0xbb: {  	s0 =	sor.u32 s1, s0  }
0xbc: {  	s0 =	sadd.s32 $0x8F2B, s0  }
0xbd: {  	[sflag:s0] =	ssyncadd.remote.s32 $0x1  }
0xbe: {  	_ =	sfence.sel $0xFFFF  }
0xbf: {  	[dreg:$0x0] =	wrdreg $0xFFFFFFFF;
	(pc) =	sbr.abs _section_cstart, $3  }
0xc0: {  	[dreg:$0x1] =	wrdreg $0xFFFFFFFF  }
0xc1: {  	_ =	task.clear_ibuf [dreg:s6], $0x2FFFF;
	_ =	strace $0x9FFFFFFF  }
0xc2: {  	(tm) =	ssettm $0x7FFFFFFF  }
0xc3: {  	_ =	shalt  }
tec
execute0_lowered:
.L_overlay_start_1:
0x0: {  	(tag) =	ssettag $0x1  }
0x1: {  	s0 =	rddreg [dreg:$0x0];
	s1 =	srdreg.scid  }
0x2: {  	s18 =	stileid.u32;
	s2 =	rddreg [dreg:$0x1];
	s3 =	simm.s32 $0x0  }
0x3: {  	s14 =	simm.s32 $0x9;
	s15 =	simm.s32 $0x2800;
	s16 =	simm.s32 $0x7D  }
0x4: {  	s17 =	simm.s32 $0x5000;
	s19 =	simm.s32 $0x57D0;
	s21 =	simm.s32 $0x5FA0  }
0x5: {  	s22 =	simm.s32 $0x1;
	s24 =	simm.s32 $0x6770;
	s29 =	simm.s32 $0x5  }
0x6: {  	s31 =	simm.s32 $0x3;
	s20 =	simm.s32 $0x4;
	s28 =	simm.s32 $0x7  }
0x7: {  	s30 =	simm.s32 $0x8;
	s1 =	sand.u32 $0x1, s1;
	s4 =	sshll.u32 s18, $0x1  }
0x8: {  	[smem:$0x7FF] =	sst s3;
	s8 =	smul.u32 $0x2800, s18;
	s25 =	sadd.s32 $0x3E600, s0  }
0x9: {  	s26 =	sshll.u32 s18, $0x6;
	p0 =	seq.s32 s18, $0xF;
	s4 =	sor.u32 s1, s4  }
0xa: {  	_ =	strace $0x8000004A;
	s6 =	ssub.s32 $0x2, s1;
	s1 =	smul.u32 $0x27100, s1  }
0xb: {  	[dreg:$0x3] =	wrdreg s25;
	s5 =	smul.u32 $0x500, s4;
	s7 =	sshrl.u32 s6, $0x1  }
0xc: {  	s4 =	sadd.s32 $0x65E00, s0;
	s12 =	ssub.s32 s6, s7;
	s6 =	sadd.s32 s8, s2  }
0xd: {  	s7 =	sor.u32 $0x1C09, s26;
	s10 =	sadd.s32 s8, s1;
	s1 =	sshrl.u32 s1, $0x3  }
0xe: {  	s26 =	simm.s32 $0x2;
	s9 =	sadd.s32 s5, s0;
	s0 =	sadd.s32 $0x96E00, s0  }
0xf: {  	s10 =	sshrl.u32 s10, $0x3;
	s12 =	smax.u32 s12, $0x1;
	s13 =	sshrl.u32 s6, $0x3  }
0x10: {  	s8 =	sadd.s32 $0xD000, s9;
	s10 =	sadd.s32 s0, s10;
	s0 =	sadd.s32 s0, s1  }
0x11: {  	s9 =	sadd.s32 $0x3000, s9;
	s11 =	sadd.s32 $0x4B00, s0;
	s0 =	sadd.s32 $0x25800, s2  }
0x12: {  	s1 =	simm.s32 $0x0;
	s25 =	sshrl.u32 @p0 s0, $0x3;
	s0 =	simm.s32 $0x6  }
.LBB2_1:
0x13: {  	s5 =	rddreg [dreg:$0x3]  }
0x14: {  	[spmem:s13], [sflag:s7] =	dma.local [hbm:s5], $0x500  }
0x15: {  	_ =	swait.ge [sflag:s14], $0x500  }
0x16: {  	[sflag:s14] =	ssyncset.done $0x0  }
0x17: {  	[sflag:s14] =	ssyncadd.s32 $0xFFFFFB00  }
0x18: {  	[tilespmem:s3], [sflag:$0x9] =	stream.linear.gather [hbm4b:s8+s3], $0x2800, $0x38;
	[tilespmem:$0x9740] =	vst v63  }
0x19: {  	_ =	swait.ge [sflag:s14], $0x2800  }
0x1a: {  	[sflag:s14] =	ssyncset.done $0x0  }
0x1b: {  	[sflag:s14] =	ssyncadd.s32 $0xFFFFD800  }
0x1c: {  	[tilespmem:s15], [sflag:$0x9] =	stream.linear.gather [hbm4b:s9+s3], $0x2800, $0x38;
	[tilespmem:$0x9740] =	vst v63  }
0x1d: {  	_ =	swait.ge [sflag:s14], $0x2800  }
0x1e: {  	[sflag:s14] =	ssyncset.done $0x0  }
0x1f: {  	[sflag:s14] =	ssyncadd.s32 $0xFFFFD800  }
0x20: {  	[bflag:$0x0] =	sbarrier.arrive $0xFFFF  }
0x21: {  	[tilespmem:s17], [sflag:$0x1] =	stream.indirect.gather [hbm4b:s4+s16], $0x10, s3, s16, $0xb8;
	[tilespmem:$0x9740] =	vst v63  }
0x22: {  	s18 =	simm.s32 $0x80  }
0x23: {  	[tilespmem:s19], [sflag:$0x2] =	stream.indirect.gather [hbm4b:s4+s16], $0x10, s18, s16, $0xb8;
	[tilespmem:$0x9740] =	vst v63  }
0x24: {  	s23 =	simm.s32 $0x100  }
0x25: {  	[tilespmem:s21], [sflag:$0x3] =	stream.indirect.gather [hbm4b:s4+s16], $0x10, s23, s16, $0xb8;
	[tilespmem:$0x9740] =	vst v63  }
0x26: {  	_ =	swait.ge [sflag:s22], $0x7D0  }
0x27: {  	[sflag:s22] =	ssyncset.done $0x0  }
0x28: {  	[sflag:s22] =	ssyncadd.s32 $0xFFFFF830  }
0x29: {  	[spmem:s2] =	stream.indirect.scatter.add.f32 [tilespmem:s17], [sflag:$0x5], $0x10, s15, s16, $0xb8;
	[tilespmem:$0x9740] =	vst v63  }
0x2a: {  	s18 =	simm.s32 $0x180  }
0x2b: {  	[tilespmem:s24], [sflag:$0x4] =	stream.indirect.gather [hbm4b:s4+s16], $0x10, s18, s16, $0xb8;
	[tilespmem:$0x9740] =	vst v63  }
0x2c: {  	_ =	swait.ge [sflag:s26], $0x7D0  }
0x2d: {  	[sflag:s26] =	ssyncset.done $0x0  }
0x2e: {  	s23 =	simm.s32 $0x2880;
	[sflag:s26] =	ssyncadd.s32 $0xFFFFF830  }
0x2f: {  	[spmem:s2] =	stream.indirect.scatter.add.f32 [tilespmem:s19], [sflag:$0x6], $0x10, s23, s16, $0xb8;
	[tilespmem:$0x9740] =	vst v63  }
0x30: {  	_ =	swait.ge [sflag:s29], $0x7D0  }
0x31: {  	[sflag:s29] =	ssyncset.done $0x0  }
0x32: {  	s18 =	simm.s32 $0x200;
	[sflag:s29] =	ssyncadd.s32 $0xFFFFF830  }
0x33: {  	[tilespmem:s17], [sflag:$0x1] =	stream.indirect.gather [hbm4b:s4+s16], $0x10, s18, s16, $0xb8;
	[tilespmem:$0x9740] =	vst v63  }
0x34: {  	_ =	swait.ge [sflag:s31], $0x7D0  }
0x35: {  	[sflag:s31] =	ssyncset.done $0x0  }
0x36: {  	s23 =	simm.s32 $0x2900;
	[sflag:s31] =	ssyncadd.s32 $0xFFFFF830  }
0x37: {  	[spmem:s2] =	stream.indirect.scatter.add.f32 [tilespmem:s21], [sflag:$0x7], $0x10, s23, s16, $0xb8;
	[tilespmem:$0x9740] =	vst v63  }
0x38: {  	_ =	swait.ge [sflag:s0], $0x7D0  }
0x39: {  	[sflag:s0] =	ssyncset.done $0x0  }
0x3a: {  	s18 =	simm.s32 $0x280;
	[sflag:s0] =	ssyncadd.s32 $0xFFFFF830  }
0x3b: {  	[tilespmem:s19], [sflag:$0x2] =	stream.indirect.gather [hbm4b:s4+s16], $0x10, s18, s16, $0xb8;
	[tilespmem:$0x9740] =	vst v63  }
0x3c: {  	_ =	swait.ge [sflag:s20], $0x7D0  }
0x3d: {  	[sflag:s20] =	ssyncset.done $0x0  }
0x3e: {  	s23 =	simm.s32 $0x2980;
	[sflag:s20] =	ssyncadd.s32 $0xFFFFF830  }
0x3f: {  	[spmem:s2] =	stream.indirect.scatter.add.f32 [tilespmem:s24], [sflag:$0x8], $0x10, s23, s16, $0xb8;
	[tilespmem:$0x9740] =	vst v63  }
0x40: {  	_ =	swait.ge [sflag:s28], $0x7D0  }
0x41: {  	[sflag:s28] =	ssyncset.done $0x0  }
0x42: {  	s18 =	simm.s32 $0x300;
	[sflag:s28] =	ssyncadd.s32 $0xFFFFF830  }
0x43: {  	[tilespmem:s21], [sflag:$0x3] =	stream.indirect.gather [hbm4b:s4+s16], $0x10, s18, s16, $0xb8;
	[tilespmem:$0x9740] =	vst v63  }
0x44: {  	_ =	swait.ge [sflag:s22], $0x7D0  }
0x45: {  	[sflag:s22] =	ssyncset.done $0x0  }
0x46: {  	s5 =	simm.s32 $0x2A00;
	[sflag:s22] =	ssyncadd.s32 $0xFFFFF830  }
0x47: {  	[spmem:s2] =	stream.indirect.scatter.add.f32 [tilespmem:s17], [sflag:$0x5], $0x10, s5, s16, $0xb8;
	[tilespmem:$0x9740] =	vst v63  }
0x48: {  	_ =	swait.ge [sflag:s30], $0x7D0  }
0x49: {  	[sflag:s30] =	ssyncset.done $0x0  }
0x4a: {  	s23 =	simm.s32 $0x380;
	[sflag:s30] =	ssyncadd.s32 $0xFFFFF830  }
0x4b: {  	[tilespmem:s24], [sflag:$0x4] =	stream.indirect.gather [hbm4b:s4+s16], $0x10, s23, s16, $0xb8;
	[tilespmem:$0x9740] =	vst v63  }
0x4c: {  	_ =	swait.ge [sflag:s26], $0x7D0  }
0x4d: {  	[sflag:s26] =	ssyncset.done $0x0  }
0x4e: {  	s5 =	simm.s32 $0x2A80;
	[sflag:s26] =	ssyncadd.s32 $0xFFFFF830  }
0x4f: {  	[spmem:s2] =	stream.indirect.scatter.add.f32 [tilespmem:s19], [sflag:$0x6], $0x10, s5, s16, $0xb8;
	[tilespmem:$0x9740] =	vst v63  }
0x50: {  	_ =	swait.ge [sflag:s29], $0x7D0  }
0x51: {  	[sflag:s29] =	ssyncset.done $0x0  }
0x52: {  	s23 =	simm.s32 $0x400;
	[sflag:s29] =	ssyncadd.s32 $0xFFFFF830  }
0x53: {  	[tilespmem:s17], [sflag:$0x1] =	stream.indirect.gather [hbm4b:s4+s16], $0x10, s23, s16, $0xb8;
	[tilespmem:$0x9740] =	vst v63  }
0x54: {  	_ =	swait.ge [sflag:s31], $0x7D0  }
0x55: {  	[sflag:s31] =	ssyncset.done $0x0  }
0x56: {  	s5 =	simm.s32 $0x2B00;
	[sflag:s31] =	ssyncadd.s32 $0xFFFFF830  }
0x57: {  	[spmem:s2] =	stream.indirect.scatter.add.f32 [tilespmem:s21], [sflag:$0x7], $0x10, s5, s16, $0xb8;
	[tilespmem:$0x9740] =	vst v63  }
0x58: {  	_ =	swait.ge [sflag:s0], $0x7D0  }
0x59: {  	[sflag:s0] =	ssyncset.done $0x0  }
0x5a: {  	s23 =	simm.s32 $0x480;
	[sflag:s0] =	ssyncadd.s32 $0xFFFFF830  }
0x5b: {  	[tilespmem:s19], [sflag:$0x2] =	stream.indirect.gather [hbm4b:s4+s16], $0x10, s23, s16, $0xb8;
	[tilespmem:$0x9740] =	vst v63  }
0x5c: {  	_ =	swait.ge [sflag:s20], $0x7D0  }
0x5d: {  	[sflag:s20] =	ssyncset.done $0x0  }
0x5e: {  	s18 =	simm.s32 $0x800;
	s23 =	simm.s32 $0x2B80;
	[sflag:s20] =	ssyncadd.s32 $0xFFFFF830  }
.LBB2_2:
0x5f: {  	[spmem:s2] =	stream.indirect.scatter.add.f32 [tilespmem:s24], [sflag:$0x8], $0x10, s23, s16, $0xb8;
	[tilespmem:$0x9740] =	vst v63  }
0x60: {  	s23 =	smov.u32 s18  }
0x61: {  	p1 =	sne.s32 s18, $0x8800;
	s18 =	sadd.s32 $0x800, s18;
	_ =	swait.ge [sflag:s28], $0x7D0  }
0x62: {  	s23 =	sshra.s32 s23, $0x2;
	[sflag:s28] =	ssyncset.done $0x0  }
0x63: {  	s5 =	sadd.s32 $0x300, s23;
	[sflag:s28] =	ssyncadd.s32 $0xFFFFF830  }
0x64: {  	[tilespmem:s21], [sflag:$0x3] =	stream.indirect.gather [hbm4b:s4+s16], $0x10, s5, s16, $0xb8;
	[tilespmem:$0x9740] =	vst v63  }
0x65: {  	_ =	swait.ge [sflag:s22], $0x7D0  }
0x66: {  	[sflag:s22] =	ssyncset.done $0x0  }
0x67: {  	s5 =	sadd.s32 $0x2A00, s23;
	[sflag:s22] =	ssyncadd.s32 $0xFFFFF830  }
0x68: {  	[spmem:s2] =	stream.indirect.scatter.add.f32 [tilespmem:s17], [sflag:$0x5], $0x10, s5, s16, $0xb8;
	[tilespmem:$0x9740] =	vst v63  }
0x69: {  	_ =	swait.ge [sflag:s30], $0x7D0  }
0x6a: {  	[sflag:s30] =	ssyncset.done $0x0  }
0x6b: {  	s5 =	sadd.s32 $0x380, s23;
	[sflag:s30] =	ssyncadd.s32 $0xFFFFF830  }
0x6c: {  	[tilespmem:s24], [sflag:$0x4] =	stream.indirect.gather [hbm4b:s4+s16], $0x10, s5, s16, $0xb8;
	[tilespmem:$0x9740] =	vst v63  }
0x6d: {  	_ =	swait.ge [sflag:s26], $0x7D0  }
0x6e: {  	[sflag:s26] =	ssyncset.done $0x0  }
0x6f: {  	s5 =	sadd.s32 $0x2A80, s23;
	[sflag:s26] =	ssyncadd.s32 $0xFFFFF830  }
0x70: {  	[spmem:s2] =	stream.indirect.scatter.add.f32 [tilespmem:s19], [sflag:$0x6], $0x10, s5, s16, $0xb8;
	[tilespmem:$0x9740] =	vst v63  }
0x71: {  	_ =	swait.ge [sflag:s29], $0x7D0  }
0x72: {  	[sflag:s29] =	ssyncset.done $0x0  }
0x73: {  	s5 =	sadd.s32 $0x400, s23;
	[sflag:s29] =	ssyncadd.s32 $0xFFFFF830  }
0x74: {  	[tilespmem:s17], [sflag:$0x1] =	stream.indirect.gather [hbm4b:s4+s16], $0x10, s5, s16, $0xb8;
	[tilespmem:$0x9740] =	vst v63  }
0x75: {  	_ =	swait.ge [sflag:s31], $0x7D0  }
0x76: {  	[sflag:s31] =	ssyncset.done $0x0  }
0x77: {  	s5 =	sadd.s32 $0x2B00, s23;
	[sflag:s31] =	ssyncadd.s32 $0xFFFFF830  }
0x78: {  	[spmem:s2] =	stream.indirect.scatter.add.f32 [tilespmem:s21], [sflag:$0x7], $0x10, s5, s16, $0xb8;
	[tilespmem:$0x9740] =	vst v63  }
0x79: {  	_ =	swait.ge [sflag:s0], $0x7D0  }
0x7a: {  	[sflag:s0] =	ssyncset.done $0x0  }
.Ltmp0:
0x7b: {  	s5 =	sadd.s32 $0x480, s23;
	[sflag:s0] =	ssyncadd.s32 $0xFFFFF830;
	(pc) =	sbr.rel @p1 .LBB2_2-.Ltmp0, $4  }
0x7c: {  	[tilespmem:s19], [sflag:$0x2] =	stream.indirect.gather [hbm4b:s4+s16], $0x10, s5, s16, $0xb8;
	[tilespmem:$0x9740] =	vst v63  }
0x7d: {  	_ =	swait.ge [sflag:s20], $0x7D0  }
0x7e: {  	[sflag:s20] =	ssyncset.done $0x0  }
0x7f: {  	s23 =	sadd.s32 $0x2B80, s23;
	[sflag:s20] =	ssyncadd.s32 $0xFFFFF830  }
0x80: {  	[spmem:s2] =	stream.indirect.scatter.add.f32 [tilespmem:s24], [sflag:$0x8], $0x10, s23, s16, $0xb8;
	[tilespmem:$0x9740] =	vst v63  }
0x81: {  	_ =	swait.ge [sflag:s28], $0x7D0  }
0x82: {  	[sflag:s28] =	ssyncset.done $0x0  }
0x83: {  	s5 =	simm.s32 $0x2700;
	[sflag:s28] =	ssyncadd.s32 $0xFFFFF830  }
0x84: {  	[tilespmem:s21], [sflag:$0x3] =	stream.indirect.gather [hbm4b:s4+s16], $0x10, s5, s16, $0xb8;
	[tilespmem:$0x9740] =	vst v63  }
0x85: {  	_ =	swait.ge [sflag:s22], $0x7D0  }
0x86: {  	[sflag:s22] =	ssyncset.done $0x0  }
0x87: {  	s23 =	simm.s32 $0x4E00;
	[sflag:s22] =	ssyncadd.s32 $0xFFFFF830  }
0x88: {  	[spmem:s2] =	stream.indirect.scatter.add.f32 [tilespmem:s17], [sflag:$0x5], $0x10, s23, s16, $0xb8;
	[tilespmem:$0x9740] =	vst v63  }
0x89: {  	_ =	swait.ge [sflag:s30], $0x7D0  }
0x8a: {  	[sflag:s30] =	ssyncset.done $0x0  }
0x8b: {  	s18 =	simm.s32 $0x2780;
	[sflag:s30] =	ssyncadd.s32 $0xFFFFF830  }
0x8c: {  	[tilespmem:s24], [sflag:$0x4] =	stream.indirect.gather [hbm4b:s4+s16], $0x10, s18, s16, $0xb8;
	[tilespmem:$0x9740] =	vst v63  }
0x8d: {  	_ =	swait.ge [sflag:s26], $0x7D0  }
0x8e: {  	[sflag:s26] =	ssyncset.done $0x0  }
0x8f: {  	s23 =	simm.s32 $0x4E80;
	[sflag:s26] =	ssyncadd.s32 $0xFFFFF830  }
0x90: {  	[spmem:s2] =	stream.indirect.scatter.add.f32 [tilespmem:s19], [sflag:$0x6], $0x10, s23, s16, $0xb8;
	[tilespmem:$0x9740] =	vst v63  }
0x91: {  	_ =	swait.ge [sflag:s31], $0x7D0  }
0x92: {  	[sflag:s31] =	ssyncset.done $0x0  }
0x93: {  	s18 =	simm.s32 $0x4F00;
	[sflag:s31] =	ssyncadd.s32 $0xFFFFF830  }
0x94: {  	[spmem:s2] =	stream.indirect.scatter.add.f32 [tilespmem:s21], [sflag:$0x7], $0x10, s18, s16, $0xb8;
	[tilespmem:$0x9740] =	vst v63  }
0x95: {  	_ =	swait.ge [sflag:s20], $0x7D0  }
0x96: {  	[sflag:s20] =	ssyncset.done $0x0  }
0x97: {  	s23 =	simm.s32 $0x4F80;
	[sflag:s20] =	ssyncadd.s32 $0xFFFFF830  }
0x98: {  	[spmem:s2] =	stream.indirect.scatter.add.f32 [tilespmem:s24], [sflag:$0x8], $0x10, s23, s16, $0xb8;
	[tilespmem:$0x9740] =	vst v63  }
0x99: {  	_ =	swait.ge [sflag:s29], $0x7D0  }
0x9a: {  	[sflag:s29] =	ssyncset.done $0x0  }
0x9b: {  	[sflag:s29] =	ssyncadd.s32 $0xFFFFF830  }
0x9c: {  	_ =	swait.ge [sflag:s0], $0x7D0  }
0x9d: {  	[sflag:s0] =	ssyncset.done $0x0  }
0x9e: {  	[sflag:s0] =	ssyncadd.s32 $0xFFFFF830  }
0x9f: {  	_ =	swait.ge [sflag:s28], $0x7D0  }
0xa0: {  	[sflag:s28] =	ssyncset.done $0x0  }
0xa1: {  	[sflag:s28] =	ssyncadd.s32 $0xFFFFF830  }
0xa2: {  	_ =	swait.ge [sflag:s30], $0x7D0  }
0xa3: {  	[sflag:s30] =	ssyncset.done $0x0  }
0xa4: {  	[sflag:s30] =	ssyncadd.s32 $0xFFFFF830  }
0xa5: {  	s5 =	simm.s32 @p0 $0x9;
	[bflag:$0x0] =	sbarrier.arrive $0xFFFF  }
0xa6: {  	[hbm:s11], [sflag:s7] =	dma.local @p0 [spmem:s25], $0x320  }
0xa7: {  	_ =	swait.ge @p0 [sflag:s5], $0x320  }
0xa8: {  	s1 =	sadd.s32 $0x1, s1;
	[sflag:s5] =	ssyncset.done @p0 $0x0  }
0xa9: {  	p1 =	sne.s32 s1, s12;
	[sflag:s5] =	ssyncadd.s32 @p0 $0xFFFFFCE0;
	s5 =	sshrl.u32 @!p0 s6, $0x3  }
0xaa: {  	[hbm:s10], [sflag:s7] =	dma.local @!p0 [spmem:s5], $0x500  }
.Ltmp1:
0xab: {  	_ = 	snop;
	(pc) =	sbr.rel @p1 .LBB2_1-.Ltmp1, $4  }
0xac: {  	s5 =	simm.s32 @!p0 $0x9  }
0xad: {  	_ =	swait.ge @!p0 [sflag:s5], $0x500  }
0xae: {  	[sflag:s5] =	ssyncset.done @!p0 $0x0  }
0xaf: {  	[sflag:s5] =	ssyncadd.s32 @!p0 $0xFFFFFB00  }
0xb0: {  	_ =	sfence.sel $0x180000  }
0xb1: {  	[bflag:$0x0] =	sbarrier.arrive $0xFFFF  }
0xb2: {  	_ =	strace $0x9000004A  }
0xb3: {  	s0 =	stileid.u32;
	[bflag:$0x2] =	sbarrier.arrive $0xFFFF  }
0xb4: {  	p0 =	sne.s32 s0, $0x0;
	s0 =	rddreg [dreg:$0x2]  }
0xb5: {  	s0 =	sadd.s32 @!p0 $0x100000, s0  }
0xb6: {  	[sflag:s0] =	ssyncadd.tile.s32 @!p0 $0x1;
	_ =	shalt  }
.Lfunc_end2:
_tile_overlayer_lowered:
.L_overlay_start_2:
0xb7: {  	(tag) =	ssettag $0x2  }
0xb8: {  	s0 =	rddreg [dreg:$0x0];
	s2 =	stileid.u32  }
0xb9: {  	s1 =	rddreg [dreg:$0x1];
	p0 =	sne.s32 s2, $0x0  }
0xba: {  	s3 =	rddreg [dreg:$0x2];
	[bflag:$0x3] =	sbarrier.arrive $0xFFFF;
	s2 =	simm.s32 @!p0 $0x1C09  }
0xbb: {  	[timem:s3], [sflag:s2] =	dma.local @!p0 [hbm:s0], s1  }
0xbc: {  	s0 =	simm.s32 @!p0 $0x9  }
0xbd: {  	_ =	swait.ge @!p0 [sflag:s0], s1  }
0xbe: {  	s1 =	ssub.s32 @!p0 $0x0, s1;
	[sflag:s0] =	ssyncset.done @!p0 $0x0  }
0xbf: {  	[sflag:s0] =	ssyncadd.s32 @!p0 s1  }
0xc0: {  	[bflag:$0x3] =	sbarrier.arrive $0xFFFF  }
0xc1: {  	_ =	shalt  }

</sc_bundles>
